<compile_context>
chip_gen: v7x
topology: tpu7x:2x2x1
jax: 0.10.2.dev20260603
libtpu: 0.0.44.dev20260713+nightly
codegen_flags: <defaults>
</compile_context>

<pallas_src>
import functools

import jax
import jax.numpy as jnp
from jax import lax
from jax.experimental import pallas as pl
from jax.experimental.pallas import tpu as pltpu
from jax.experimental.pallas import tpu_sc as plsc

E = 8
TOPK = 2
H = 1024
DFF = 1024
T = 2048
TB = 256
TBL = 8
NB = (T * TOPK) // TB + (E - 1)
SLOTS = NB * TB
NTILES = 32
XSROWS = 6144
GROWS = XSROWS // NTILES
GCH = 32
CTOK = T // NTILES
CCH = 32



def _router_body(x_ref, gw_ref, e1_ref, e2_ref, p1_ref, p2_ref, wa_ref,
                 wb_ref, cnt_ref, xbf_ref, carry_ref):
    b = pl.program_id(0)

    @pl.when(b == 0)
    def _init():
        carry_ref[...] = jnp.zeros((1, E), jnp.float32)

    xb = x_ref[...]
    u = lax.bitcast_convert_type(
        xb.astype(jnp.bfloat16), jnp.uint16).astype(jnp.int32)
    xbf_ref[...] = u[:, :H // 2] | (u[:, H // 2:] << 16)
    logits = lax.dot_general(xb, gw_ref[...], (((1,), (1,)), ((), ())),
                             preferred_element_type=jnp.float32)
    m = jnp.max(logits, axis=1, keepdims=True)
    ex = jnp.exp(logits - m)
    probs = ex / jnp.sum(ex, axis=1, keepdims=True)
    lane = lax.broadcasted_iota(jnp.int32, (TB, E), 1)
    m1 = jnp.max(probs, axis=1, keepdims=True)
    e1 = jnp.min(jnp.where(probs == m1, lane, E), axis=1, keepdims=True)
    pm = jnp.where(lane == e1, -1.0, probs)
    m2 = jnp.max(pm, axis=1, keepdims=True)
    e2 = jnp.min(jnp.where(pm == m2, lane, E), axis=1, keepdims=True)
    denom = m1 + m2
    mask = ((lane == e1) | (lane == e2)).astype(jnp.float32)
    row = lax.broadcasted_iota(jnp.int32, (TB, TB), 0)
    col = lax.broadcasted_iota(jnp.int32, (TB, TB), 1)
    tril = (col < row).astype(jnp.float32)
    posm = lax.dot_general(tril, mask, (((1,), (0,)), ((), ())),
                           preferred_element_type=jnp.float32)
    posm = posm + carry_ref[...]
    e1_ref[...] = e1
    e2_ref[...] = e2
    p1_ref[...] = jnp.sum(jnp.where(lane == e1, posm, 0.0), axis=1,
                          keepdims=True).astype(jnp.int32)
    p2_ref[...] = jnp.sum(jnp.where(lane == e2, posm, 0.0), axis=1,
                          keepdims=True).astype(jnp.int32)
    wa_ref[...] = m1 / denom
    wb_ref[...] = m2 / denom
    newc = carry_ref[...] + jnp.sum(mask, axis=0, keepdims=True)
    carry_ref[...] = newc
    cnt_ref[...] = jnp.concatenate(
        [newc.astype(jnp.int32), jnp.zeros((1, 8), jnp.int32)], axis=1)


def _router(x, gate_w):
    col_i = jax.ShapeDtypeStruct((T, 1), jnp.int32)
    col_f = jax.ShapeDtypeStruct((T, 1), jnp.float32)
    return pl.pallas_call(
        _router_body,
        grid=(T // TB,),
        in_specs=[
            pl.BlockSpec((TB, H), lambda b: (b, 0)),
            pl.BlockSpec((E, H), lambda b: (0, 0)),
        ],
        out_specs=[
            pl.BlockSpec((TB, 1), lambda b: (b, 0)),
            pl.BlockSpec((TB, 1), lambda b: (b, 0)),
            pl.BlockSpec((TB, 1), lambda b: (b, 0)),
            pl.BlockSpec((TB, 1), lambda b: (b, 0)),
            pl.BlockSpec((TB, 1), lambda b: (b, 0)),
            pl.BlockSpec((TB, 1), lambda b: (b, 0)),
            pl.BlockSpec((1, 16), lambda b: (0, 0)),
            pl.BlockSpec((TB, H // 2), lambda b: (b, 0)),
        ],
        out_shape=[col_i, col_i, col_i, col_i, col_f, col_f,
                   jax.ShapeDtypeStruct((1, 16), jnp.int32),
                   jax.ShapeDtypeStruct((T, H // 2), jnp.int32)],
        scratch_shapes=[pltpu.VMEM((1, E), jnp.float32)],
        compiler_params=pltpu.CompilerParams(
            dimension_semantics=("arbitrary",)),
    )(x, gate_w)



def _dispatch_body(e1h, e2h, p1h, p2h, wah, wbh, cnth, xh,
                   xsh, swth, fp1h, fp2h, bmh,
                   e1v, e2v, p1v, p2v, wav, wbv, cntv, basev, tmpv,
                   swtv, fp1v, fp2v, bmv, sharedv, idxv, idxw,
                   rows0, gsem, wsem):
    cid = lax.axis_index("c")
    sid = lax.axis_index("s")

    @pl.when(sid == 0)
    def _phase1():
        pltpu.sync_copy(e1h, e1v)
        pltpu.sync_copy(e2h, e2v)
        pltpu.sync_copy(p1h, p1v)
        pltpu.sync_copy(p2h, p2v)
        pltpu.sync_copy(wah, wav)
        pltpu.sync_copy(wbh, wbv)
        pltpu.sync_copy(cnth, cntv)
        lanes = lax.iota(jnp.int32, 16)
        c = cntv[...]
        rounded = ((c + (TB - 1)) >> TBL) << TBL
        tmpv[...] = rounded
        base = jnp.zeros((16,), jnp.int32)
        for ee in range(E):
            s_e = plsc.load_gather(tmpv, [jnp.full((16,), ee, jnp.int32)])
            base = base + jnp.where(lanes > ee, s_e, 0)
        basev[...] = base
        start = base >> TBL
        tmpv[...] = start
        nb_vec = (base + rounded) >> TBL
        be_lo = jnp.zeros((16,), jnp.int32)
        be_hi = jnp.zeros((16,), jnp.int32)
        for ee in range(E):
            s_e = plsc.load_gather(tmpv, [jnp.full((16,), ee, jnp.int32)])
            be_lo = be_lo + (lanes >= s_e).astype(jnp.int32)
            be_hi = be_hi + ((lanes + 16) >= s_e).astype(jnp.int32)
        be_lo = be_lo - 1
        be_hi = jnp.where(lanes == 15, nb_vec, be_hi - 1)
        bmv[pl.ds(0, 16)] = be_lo
        bmv[pl.ds(16, 16)] = be_hi

        def sbody(i, _):
            sl = pl.ds(i * 16, 16)
            for ev_ref, pv_ref, wv_ref, fpv_ref in (
                    (e1v, p1v, wav, fp1v), (e2v, p2v, wbv, fp2v)):
                ev = ev_ref[sl]
                pv = pv_ref[sl]
                bv = plsc.load_gather(basev, [ev])
                fp = bv + pv
                fpv_ref[sl] = fp
                plsc.store_scatter(swtv, [fp], wv_ref[sl])
            return 0
        lax.fori_loop(0, T // 16, sbody, 0)
        pltpu.sync_copy(fp1v, sharedv.at[pl.ds(0, T)])
        pltpu.sync_copy(fp2v, sharedv.at[pl.ds(T, T)])

        @pl.when(cid == 0)
        def _outs():
            pltpu.sync_copy(swtv, swth)
            pltpu.sync_copy(fp1v, fp1h)
            pltpu.sync_copy(fp2v, fp2h)
            pltpu.sync_copy(bmv, bmh)

    plsc.subcore_barrier()
    tid = cid * 16 + sid
    tokbase = tid * CTOK
    pltpu.sync_copy(xh.at[pl.ds(tokbase, CTOK)], rows0)
    pltpu.sync_copy(sharedv.at[pl.ds(tokbase, CTOK)], idxv)
    pltpu.sync_copy(sharedv.at[pl.ds(T + tokbase, CTOK)], idxw)
    ca = pltpu.async_copy(rows0, xsh.at[idxv], gsem)
    cb = pltpu.async_copy(rows0, xsh.at[idxw], wsem)
    ca.wait()
    cb.wait()


def _make_dispatch():
    mesh = plsc.VectorSubcoreMesh(core_axis_name="c", subcore_axis_name="s")
    return pl.kernel(
        _dispatch_body,
        out_type=(
            jax.ShapeDtypeStruct((XSROWS, H // 2), jnp.int32),
            jax.ShapeDtypeStruct((SLOTS,), jnp.float32),
            jax.ShapeDtypeStruct((T,), jnp.int32),
            jax.ShapeDtypeStruct((T,), jnp.int32),
            jax.ShapeDtypeStruct((32,), jnp.int32),
        ),
        mesh=mesh,
        scratch_types=[
            pltpu.VMEM((T,), jnp.int32),
            pltpu.VMEM((T,), jnp.int32),
            pltpu.VMEM((T,), jnp.int32),
            pltpu.VMEM((T,), jnp.int32),
            pltpu.VMEM((T,), jnp.float32),
            pltpu.VMEM((T,), jnp.float32),
            pltpu.VMEM((16,), jnp.int32),
            pltpu.VMEM((16,), jnp.int32),
            pltpu.VMEM((16,), jnp.int32),
            pltpu.VMEM((SLOTS,), jnp.float32),
            pltpu.VMEM((T,), jnp.int32),
            pltpu.VMEM((T,), jnp.int32),
            pltpu.VMEM((32,), jnp.int32),
            pltpu.VMEM_SHARED((2 * T,), jnp.int32),
            pltpu.VMEM((CTOK,), jnp.int32),
            pltpu.VMEM((CTOK,), jnp.int32),
            pltpu.VMEM((CTOK, H // 2), jnp.int32),
            pltpu.SemaphoreType.DMA,
            pltpu.SemaphoreType.DMA,
        ],
        compiler_params=pltpu.CompilerParams(needs_layout_passes=False),
    )



def _expert_body(bm_ref, xs_ref, swt_ref, w1_ref, w2_ref, ys_ref):
    b = pl.program_id(0)
    nb = bm_ref[31]

    @pl.when(b < nb)
    def _():
        u = xs_ref[...]
        lo = lax.bitcast_convert_type(
            (u & 0xFFFF).astype(jnp.uint16), jnp.bfloat16)
        hi = lax.bitcast_convert_type(
            (u >> 16).astype(jnp.uint16), jnp.bfloat16)
        xb16 = jnp.concatenate([lo, hi], axis=1)
        wcol = swt_ref[0]
        xw16 = (xb16.astype(jnp.float32) * wcol).astype(jnp.bfloat16)
        w1e = w1_ref[0].astype(jnp.bfloat16)
        g = lax.dot_general(xb16, w1e[:DFF, :], (((1,), (1,)), ((), ())),
                            preferred_element_type=jnp.float32)
        u = lax.dot_general(xw16, w1e[DFF:, :], (((1,), (1,)), ((), ())),
                            preferred_element_type=jnp.float32)
        inter = (g * jax.nn.sigmoid(g) * u).astype(jnp.bfloat16)
        ys_ref[...] = lax.dot_general(
            inter, w2_ref[0].astype(jnp.bfloat16), (((1,), (1,)), ((), ())),
            preferred_element_type=jnp.float32)


def _expert(bm, xs, swt3, w1, w2):
    def _we(b, bm_s):
        return (bm_s[jnp.minimum(b, bm_s[31] - 1)], 0, 0)

    grid_spec = pltpu.PrefetchScalarGridSpec(
        num_scalar_prefetch=1,
        grid=(NB,),
        in_specs=[
            pl.BlockSpec((TB, H // 2), lambda b, bm_s: (b, 0)),
            pl.BlockSpec((1, TB, 1), lambda b, bm_s: (b, 0, 0)),
            pl.BlockSpec((1, 2 * DFF, H), _we),
            pl.BlockSpec((1, H, DFF), _we),
        ],
        out_specs=pl.BlockSpec((TB, H), lambda b, bm_s: (b, 0)),
    )
    return pl.pallas_call(
        _expert_body,
        grid_spec=grid_spec,
        out_shape=jax.ShapeDtypeStruct((SLOTS, H), jnp.float32),
        compiler_params=pltpu.CompilerParams(
            dimension_semantics=("arbitrary",)),
    )(bm, xs, swt3, w1, w2)



def _combine_body(ysh, fp1h, fp2h, outh, idxa, idxb, ra, rb, sema, semb):
    cid = lax.axis_index("c")
    sid = lax.axis_index("s")
    tid = cid * 16 + sid
    tbase = tid * CTOK
    for ch in range(CTOK // CCH):
        ofs = tbase + ch * CCH
        pltpu.sync_copy(fp1h.at[pl.ds(ofs, CCH)], idxa)
        pltpu.sync_copy(fp2h.at[pl.ds(ofs, CCH)], idxb)
        ca = pltpu.async_copy(ysh.at[idxa], ra, sema)
        cb = pltpu.async_copy(ysh.at[idxb], rb, semb)
        ca.wait()
        cb.wait()

        def rbody(r, _):
            for cc in range(H // 16):
                sl = pl.ds(cc * 16, 16)
                ra[r, sl] = ra[r, sl] + rb[r, sl]
            return 0
        lax.fori_loop(0, CCH, rbody, 0)
        pltpu.sync_copy(ra, outh.at[pl.ds(ofs, CCH)])


def _make_combine():
    mesh = plsc.VectorSubcoreMesh(core_axis_name="c", subcore_axis_name="s")
    return pl.kernel(
        _combine_body,
        out_type=jax.ShapeDtypeStruct((T, H), jnp.float32),
        mesh=mesh,
        scratch_types=[
            pltpu.VMEM((CCH,), jnp.int32),
            pltpu.VMEM((CCH,), jnp.int32),
            pltpu.VMEM((CCH, H), jnp.float32),
            pltpu.VMEM((CCH, H), jnp.float32),
            pltpu.SemaphoreType.DMA,
            pltpu.SemaphoreType.DMA,
        ],
        compiler_params=pltpu.CompilerParams(needs_layout_passes=False),
    )



@jax.jit
def kernel(x, gate_w, w1, w2):
    e1o, e2o, p1o, p2o, wao, wbo, cnt, xbf = _router(x, gate_w)
    xs, swt, fp1, fp2, bm = _make_dispatch()(
        e1o.reshape(T), e2o.reshape(T), p1o.reshape(T), p2o.reshape(T),
        wao.reshape(T), wbo.reshape(T), cnt.reshape(16), xbf)
    ys = _expert(bm, xs, swt.reshape(NB, TB, 1), w1, w2)
    out = _make_combine()(ys, fp1, fp2)
    return out.reshape(T, 1, H)

# --- scband reference (transcript-rebuilt; emitter-appended) ---
"""Pipeline reference for scband-deep-seek-v2-mo-e-40750649704539 (READ-ONLY COPY).

The authoritative reference and input builder live on the scoring server;
editing this copy changes nothing except your own understanding.
"""

import jax, jax.numpy as jnp
import numpy as np

E = 8
TOPK = 2
H = 1024
DFF = 1024
T = 2048


def setup_inputs(seed: int = 0) -> dict:
    key = jax.random.key(seed)
    k1, k2, k3, k4 = jax.random.split(key, 4)
    x = jax.random.normal(k1, (T, H), dtype=jnp.float32)
    gate_w = jax.random.normal(k2, (E, H), dtype=jnp.float32) * 0.02
    w1 = jax.random.normal(k3, (E, 2 * DFF, H), dtype=jnp.float32) * 0.02
    w2 = jax.random.normal(k4, (E, H, DFF), dtype=jnp.float32) * 0.02
    return {"x": x, "gate_w": gate_w, "w1": w1, "w2": w2}


def _fused_moe(x, gate_w, w1, w2):
    # router: gate(curr_x) -> softmax -> top-k -> renormalize (vllm fused_moe default)
    logits = x @ gate_w.T                                  # [T, E]
    probs = jax.nn.softmax(logits.astype(jnp.float32), axis=-1)
    topk_w, topk_ids = jax.lax.top_k(probs, TOPK)          # [T, k]
    topk_w = topk_w / jnp.sum(topk_w, axis=-1, keepdims=True)
    # scatter top-k weights into dense combine matrix [T, E]
    combine = jnp.zeros((x.shape[0], E), dtype=x.dtype)
    row = jnp.arange(x.shape[0])[:, None]
    combine = combine.at[row, topk_ids].add(topk_w.astype(x.dtype))
    # per-expert SwiGLU MLP: w1[e] = [2*DFF, H] (gate||up), w2[e] = [H, DFF]
    out = jnp.zeros_like(x)
    for e in range(E):
        g = x @ w1[e, :DFF, :].T                           # [T, DFF]
        u = x @ w1[e, DFF:, :].T                           # [T, DFF]
        inter = jax.nn.silu(g) * u                         # [T, DFF]
        y = inter @ w2[e].T                                # [T, H]
        out = out + combine[:, e:e + 1] * y
    # module returns view(x.shape[0], 1, -1)
    return out.reshape(x.shape[0], 1, -1)


def reference(x, gate_w, w1, w2):
    return _fused_moe(x, gate_w, w1, w2)

if __name__ == "__main__":
    import jax
    _d = setup_inputs()
    print(jax.jit(kernel)(*tuple(_d.values())))

</pallas_src>

<mosaic_0001>
#map = affine_map<(d0, d1) -> (0)>
#map1 = affine_map<(d0, d1) -> (0, 0)>
module attributes {stable_mosaic.version = 14 : i64} {
  func.func @_dispatch_body(%arg0: i32, %arg1: i32, %arg2: memref<2048xi32, #tpu.memory_space<hbm>>, %arg3: memref<2048xi32, #tpu.memory_space<hbm>>, %arg4: memref<2048xi32, #tpu.memory_space<hbm>>, %arg5: memref<2048xi32, #tpu.memory_space<hbm>>, %arg6: memref<2048xf32, #tpu.memory_space<hbm>>, %arg7: memref<2048xf32, #tpu.memory_space<hbm>>, %arg8: memref<16xi32, #tpu.memory_space<hbm>>, %arg9: memref<2048x512xi32, #tpu.memory_space<hbm>>, %arg10: memref<6144x512xi32, #tpu.memory_space<hbm>>, %arg11: memref<5888xf32, #tpu.memory_space<hbm>>, %arg12: memref<2048xi32, #tpu.memory_space<hbm>>, %arg13: memref<2048xi32, #tpu.memory_space<hbm>>, %arg14: memref<32xi32, #tpu.memory_space<hbm>>, %arg15: memref<2048xi32, #tpu.memory_space<vmem>>, %arg16: memref<2048xi32, #tpu.memory_space<vmem>>, %arg17: memref<2048xi32, #tpu.memory_space<vmem>>, %arg18: memref<2048xi32, #tpu.memory_space<vmem>>, %arg19: memref<2048xf32, #tpu.memory_space<vmem>>, %arg20: memref<2048xf32, #tpu.memory_space<vmem>>, %arg21: memref<16xi32, #tpu.memory_space<vmem>>, %arg22: memref<16xi32, #tpu.memory_space<vmem>>, %arg23: memref<16xi32, #tpu.memory_space<vmem>>, %arg24: memref<5888xf32, #tpu.memory_space<vmem>>, %arg25: memref<2048xi32, #tpu.memory_space<vmem>>, %arg26: memref<2048xi32, #tpu.memory_space<vmem>>, %arg27: memref<32xi32, #tpu.memory_space<vmem>>, %arg28: memref<4096xi32, #tpu.memory_space<vmem_shared>>, %arg29: memref<64xi32, #tpu.memory_space<vmem>>, %arg30: memref<64xi32, #tpu.memory_space<vmem>>, %arg31: memref<64x512xi32, #tpu.memory_space<vmem>>, %arg32: memref<!tpu.dma_semaphore, #tpu.memory_space<semaphore_mem>>, %arg33: memref<!tpu.dma_semaphore, #tpu.memory_space<semaphore_mem>>) attributes {dimension_semantics = [#tpu.dimension_semantics<core_parallel>, #tpu.dimension_semantics<subcore_parallel>], iteration_bounds = array<i64: 2, 16>, scalar_prefetch = 0 : i64, scratch_operands = 19 : i64, tpu.core_type = #tpu.core_type<sc_vector_subcore>, window_params = [{transform_indices = #map}, {transform_indices = #map}, {transform_indices = #map}, {transform_indices = #map}, {transform_indices = #map}, {transform_indices = #map}, {transform_indices = #map}, {transform_indices = #map1}, {transform_indices = #map1}, {transform_indices = #map}, {transform_indices = #map}, {transform_indices = #map}, {transform_indices = #map}]} {
    %eq3A = arith.constant 0 : i32
    %eq3A_0 = arith.cmpi eq, %arg1, %eq3A : i32
    %convert_element_type3A = arith.extui %eq3A_0 : i1 to i32
    %cond3A = arith.constant 0 : i32
    %cond3A_1 = arith.cmpi ne, %convert_element_type3A, %cond3A : i32
    scf.if %cond3A_1 {
      "tpu.region"() ({
        %run_scoped3A = tpu.sem_alloc : memref<!tpu.dma_semaphore, #tpu.memory_space<semaphore_mem>>
        tpu.enqueue_dma source(%arg2 : memref<2048xi32, #tpu.memory_space<hbm>>) target(%arg15 : memref<2048xi32, #tpu.memory_space<vmem>>) target_semaphore(%run_scoped3A : memref<!tpu.dma_semaphore, #tpu.memory_space<semaphore_mem>>)
        tpu.wait_dma2 semaphore(%run_scoped3A : memref<!tpu.dma_semaphore, #tpu.memory_space<semaphore_mem>>) src(%arg2 : memref<2048xi32, #tpu.memory_space<hbm>>) dst(%arg15 : memref<2048xi32, #tpu.memory_space<vmem>>)
        tpu.yield
      }) : () -> ()
      "tpu.region"() ({
        %run_scoped3A = tpu.sem_alloc : memref<!tpu.dma_semaphore, #tpu.memory_space<semaphore_mem>>
        tpu.enqueue_dma source(%arg3 : memref<2048xi32, #tpu.memory_space<hbm>>) target(%arg16 : memref<2048xi32, #tpu.memory_space<vmem>>) target_semaphore(%run_scoped3A : memref<!tpu.dma_semaphore, #tpu.memory_space<semaphore_mem>>)
        tpu.wait_dma2 semaphore(%run_scoped3A : memref<!tpu.dma_semaphore, #tpu.memory_space<semaphore_mem>>) src(%arg3 : memref<2048xi32, #tpu.memory_space<hbm>>) dst(%arg16 : memref<2048xi32, #tpu.memory_space<vmem>>)
        tpu.yield
      }) : () -> ()
      "tpu.region"() ({
        %run_scoped3A = tpu.sem_alloc : memref<!tpu.dma_semaphore, #tpu.memory_space<semaphore_mem>>
        tpu.enqueue_dma source(%arg4 : memref<2048xi32, #tpu.memory_space<hbm>>) target(%arg17 : memref<2048xi32, #tpu.memory_space<vmem>>) target_semaphore(%run_scoped3A : memref<!tpu.dma_semaphore, #tpu.memory_space<semaphore_mem>>)
        tpu.wait_dma2 semaphore(%run_scoped3A : memref<!tpu.dma_semaphore, #tpu.memory_space<semaphore_mem>>) src(%arg4 : memref<2048xi32, #tpu.memory_space<hbm>>) dst(%arg17 : memref<2048xi32, #tpu.memory_space<vmem>>)
        tpu.yield
      }) : () -> ()
      "tpu.region"() ({
        %run_scoped3A = tpu.sem_alloc : memref<!tpu.dma_semaphore, #tpu.memory_space<semaphore_mem>>
        tpu.enqueue_dma source(%arg5 : memref<2048xi32, #tpu.memory_space<hbm>>) target(%arg18 : memref<2048xi32, #tpu.memory_space<vmem>>) target_semaphore(%run_scoped3A : memref<!tpu.dma_semaphore, #tpu.memory_space<semaphore_mem>>)
        tpu.wait_dma2 semaphore(%run_scoped3A : memref<!tpu.dma_semaphore, #tpu.memory_space<semaphore_mem>>) src(%arg5 : memref<2048xi32, #tpu.memory_space<hbm>>) dst(%arg18 : memref<2048xi32, #tpu.memory_space<vmem>>)
        tpu.yield
      }) : () -> ()
      "tpu.region"() ({
        %run_scoped3A = tpu.sem_alloc : memref<!tpu.dma_semaphore, #tpu.memory_space<semaphore_mem>>
        tpu.enqueue_dma source(%arg6 : memref<2048xf32, #tpu.memory_space<hbm>>) target(%arg19 : memref<2048xf32, #tpu.memory_space<vmem>>) target_semaphore(%run_scoped3A : memref<!tpu.dma_semaphore, #tpu.memory_space<semaphore_mem>>)
        tpu.wait_dma2 semaphore(%run_scoped3A : memref<!tpu.dma_semaphore, #tpu.memory_space<semaphore_mem>>) src(%arg6 : memref<2048xf32, #tpu.memory_space<hbm>>) dst(%arg19 : memref<2048xf32, #tpu.memory_space<vmem>>)
        tpu.yield
      }) : () -> ()
      "tpu.region"() ({
        %run_scoped3A = tpu.sem_alloc : memref<!tpu.dma_semaphore, #tpu.memory_space<semaphore_mem>>
        tpu.enqueue_dma source(%arg7 : memref<2048xf32, #tpu.memory_space<hbm>>) target(%arg20 : memref<2048xf32, #tpu.memory_space<vmem>>) target_semaphore(%run_scoped3A : memref<!tpu.dma_semaphore, #tpu.memory_space<semaphore_mem>>)
        tpu.wait_dma2 semaphore(%run_scoped3A : memref<!tpu.dma_semaphore, #tpu.memory_space<semaphore_mem>>) src(%arg7 : memref<2048xf32, #tpu.memory_space<hbm>>) dst(%arg20 : memref<2048xf32, #tpu.memory_space<vmem>>)
        tpu.yield
      }) : () -> ()
      "tpu.region"() ({
        %run_scoped3A = tpu.sem_alloc : memref<!tpu.dma_semaphore, #tpu.memory_space<semaphore_mem>>
        tpu.enqueue_dma source(%arg8 : memref<16xi32, #tpu.memory_space<hbm>>) target(%arg21 : memref<16xi32, #tpu.memory_space<vmem>>) target_semaphore(%run_scoped3A : memref<!tpu.dma_semaphore, #tpu.memory_space<semaphore_mem>>)
        tpu.wait_dma2 semaphore(%run_scoped3A : memref<!tpu.dma_semaphore, #tpu.memory_space<semaphore_mem>>) src(%arg8 : memref<16xi32, #tpu.memory_space<hbm>>) dst(%arg21 : memref<16xi32, #tpu.memory_space<vmem>>)
        tpu.yield
      }) : () -> ()
      %iota3A = tpu.iota {dimensions = array<i32: 0>} : vector<16xi32>
      %get3A = arith.constant 0 : index
      %get3A_17 = tpu.vector_load %arg21[%get3A] {strides = array<i32>} : memref<16xi32, #tpu.memory_space<vmem>>, vector<16xi32>,
      %add3A_18 = arith.constant 255 : i32
      %add3A_19 = vector.broadcast %add3A_18 : i32 to vector<16xi32>
      %add3A_20 = arith.addi %get3A_17, %add3A_19 : vector<16xi32>
      %shift_right_arithmetic3A = arith.constant 8 : i32
      %shift_right_arithmetic3A_21 = vector.broadcast %shift_right_arithmetic3A : i32 to vector<16xi32>
      %shift_right_arithmetic3A_22 = arith.shrsi %add3A_20, %shift_right_arithmetic3A_21 : vector<16xi32>
      %shift_left3A = arith.constant 8 : i32
      %shift_left3A_23 = vector.broadcast %shift_left3A : i32 to vector<16xi32>
      %shift_left3A_24 = arith.shli %shift_right_arithmetic3A_22, %shift_left3A_23 : vector<16xi32>
      %swap3A = arith.constant 0 : index
      %swap3A_25 = tpu.vector_load %arg23[%swap3A] {strides = array<i32>} : memref<16xi32, #tpu.memory_space<vmem>>, vector<16xi32>,
      tpu.vector_store %arg23[%swap3A], %shift_left3A_24 {strides = array<i32>} : memref<16xi32, #tpu.memory_space<vmem>>, vector<16xi32>,
      %broadcast_in_dim3A = arith.constant 0 : i32
      %broadcast_in_dim3A_26 = vector.broadcast %broadcast_in_dim3A : i32 to vector<16xi32>
      %broadcast_in_dim3A_27 = arith.constant 0 : i32
      %broadcast_in_dim3A_28 = vector.broadcast %broadcast_in_dim3A_27 : i32 to vector<16xi32>
      %gather3A = tpu.vector_load_idx %arg23[%broadcast_in_dim3A_28] : memref<16xi32, #tpu.memory_space<vmem>>[vector<16xi32>], vector<16xi32>,
      %gt3A = arith.constant 0 : i32
      %gt3A_29 = vector.broadcast %gt3A : i32 to vector<16xi32>
      %gt3A_30 = arith.cmpi sgt, %iota3A, %gt3A_29 : vector<16xi32>
      %jit3A = arith.constant 0 : i32
      %broadcast_in_dim3A_31 = vector.broadcast %jit3A : i32 to vector<16xi32>
      %select_n3A = arith.select %gt3A_30, %gather3A, %broadcast_in_dim3A_31 : vector<16xi1>, vector<16xi32>
      %add3A_32 = arith.addi %broadcast_in_dim3A_26, %select_n3A : vector<16xi32>
      %broadcast_in_dim3A_33 = arith.constant 1 : i32
      %broadcast_in_dim3A_34 = vector.broadcast %broadcast_in_dim3A_33 : i32 to vector<16xi32>
      %gather3A_35 = tpu.vector_load_idx %arg23[%broadcast_in_dim3A_34] : memref<16xi32, #tpu.memory_space<vmem>>[vector<16xi32>], vector<16xi32>,
      %gt3A_36 = arith.constant 1 : i32
      %gt3A_37 = vector.broadcast %gt3A_36 : i32 to vector<16xi32>
      %gt3A_38 = arith.cmpi sgt, %iota3A, %gt3A_37 : vector<16xi32>
      %jit3A_39 = arith.constant 0 : i32
      %broadcast_in_dim3A_40 = vector.broadcast %jit3A_39 : i32 to vector<16xi32>
      %select_n3A_41 = arith.select %gt3A_38, %gather3A_35, %broadcast_in_dim3A_40 : vector<16xi1>, vector<16xi32>
      %add3A_42 = arith.addi %add3A_32, %select_n3A_41 : vector<16xi32>
      %broadcast_in_dim3A_43 = arith.constant 2 : i32
      %broadcast_in_dim3A_44 = vector.broadcast %broadcast_in_dim3A_43 : i32 to vector<16xi32>
      %gather3A_45 = tpu.vector_load_idx %arg23[%broadcast_in_dim3A_44] : memref<16xi32, #tpu.memory_space<vmem>>[vector<16xi32>], vector<16xi32>,
      %gt3A_46 = arith.constant 2 : i32
      %gt3A_47 = vector.broadcast %gt3A_46 : i32 to vector<16xi32>
      %gt3A_48 = arith.cmpi sgt, %iota3A, %gt3A_47 : vector<16xi32>
      %jit3A_49 = arith.constant 0 : i32
      %broadcast_in_dim3A_50 = vector.broadcast %jit3A_49 : i32 to vector<16xi32>
      %select_n3A_51 = arith.select %gt3A_48, %gather3A_45, %broadcast_in_dim3A_50 : vector<16xi1>, vector<16xi32>
      %add3A_52 = arith.addi %add3A_42, %select_n3A_51 : vector<16xi32>
      %broadcast_in_dim3A_53 = arith.constant 3 : i32
      %broadcast_in_dim3A_54 = vector.broadcast %broadcast_in_dim3A_53 : i32 to vector<16xi32>
      %gather3A_55 = tpu.vector_load_idx %arg23[%broadcast_in_dim3A_54] : memref<16xi32, #tpu.memory_space<vmem>>[vector<16xi32>], vector<16xi32>,
      %gt3A_56 = arith.constant 3 : i32
      %gt3A_57 = vector.broadcast %gt3A_56 : i32 to vector<16xi32>
      %gt3A_58 = arith.cmpi sgt, %iota3A, %gt3A_57 : vector<16xi32>
      %jit3A_59 = arith.constant 0 : i32
      %broadcast_in_dim3A_60 = vector.broadcast %jit3A_59 : i32 to vector<16xi32>
      %select_n3A_61 = arith.select %gt3A_58, %gather3A_55, %broadcast_in_dim3A_60 : vector<16xi1>, vector<16xi32>
      %add3A_62 = arith.addi %add3A_52, %select_n3A_61 : vector<16xi32>
      %broadcast_in_dim3A_63 = arith.constant 4 : i32
      %broadcast_in_dim3A_64 = vector.broadcast %broadcast_in_dim3A_63 : i32 to vector<16xi32>
      %gather3A_65 = tpu.vector_load_idx %arg23[%broadcast_in_dim3A_64] : memref<16xi32, #tpu.memory_space<vmem>>[vector<16xi32>], vector<16xi32>,
      %gt3A_66 = arith.constant 4 : i32
      %gt3A_67 = vector.broadcast %gt3A_66 : i32 to vector<16xi32>
      %gt3A_68 = arith.cmpi sgt, %iota3A, %gt3A_67 : vector<16xi32>
      %jit3A_69 = arith.constant 0 : i32
      %broadcast_in_dim3A_70 = vector.broadcast %jit3A_69 : i32 to vector<16xi32>
      %select_n3A_71 = arith.select %gt3A_68, %gather3A_65, %broadcast_in_dim3A_70 : vector<16xi1>, vector<16xi32>
      %add3A_72 = arith.addi %add3A_62, %select_n3A_71 : vector<16xi32>
      %broadcast_in_dim3A_73 = arith.constant 5 : i32
      %broadcast_in_dim3A_74 = vector.broadcast %broadcast_in_dim3A_73 : i32 to vector<16xi32>
      %gather3A_75 = tpu.vector_load_idx %arg23[%broadcast_in_dim3A_74] : memref<16xi32, #tpu.memory_space<vmem>>[vector<16xi32>], vector<16xi32>,
      %gt3A_76 = arith.constant 5 : i32
      %gt3A_77 = vector.broadcast %gt3A_76 : i32 to vector<16xi32>
      %gt3A_78 = arith.cmpi sgt, %iota3A, %gt3A_77 : vector<16xi32>
      %jit3A_79 = arith.constant 0 : i32
      %broadcast_in_dim3A_80 = vector.broadcast %jit3A_79 : i32 to vector<16xi32>
      %select_n3A_81 = arith.select %gt3A_78, %gather3A_75, %broadcast_in_dim3A_80 : vector<16xi1>, vector<16xi32>
      %add3A_82 = arith.addi %add3A_72, %select_n3A_81 : vector<16xi32>
      %broadcast_in_dim3A_83 = arith.constant 6 : i32
      %broadcast_in_dim3A_84 = vector.broadcast %broadcast_in_dim3A_83 : i32 to vector<16xi32>
      %gather3A_85 = tpu.vector_load_idx %arg23[%broadcast_in_dim3A_84] : memref<16xi32, #tpu.memory_space<vmem>>[vector<16xi32>], vector<16xi32>,
      %gt3A_86 = arith.constant 6 : i32
      %gt3A_87 = vector.broadcast %gt3A_86 : i32 to vector<16xi32>
      %gt3A_88 = arith.cmpi sgt, %iota3A, %gt3A_87 : vector<16xi32>
      %jit3A_89 = arith.constant 0 : i32
      %broadcast_in_dim3A_90 = vector.broadcast %jit3A_89 : i32 to vector<16xi32>
      %select_n3A_91 = arith.select %gt3A_88, %gather3A_85, %broadcast_in_dim3A_90 : vector<16xi1>, vector<16xi32>
      %add3A_92 = arith.addi %add3A_82, %select_n3A_91 : vector<16xi32>
      %broadcast_in_dim3A_93 = arith.constant 7 : i32
      %broadcast_in_dim3A_94 = vector.broadcast %broadcast_in_dim3A_93 : i32 to vector<16xi32>
      %gather3A_95 = tpu.vector_load_idx %arg23[%broadcast_in_dim3A_94] : memref<16xi32, #tpu.memory_space<vmem>>[vector<16xi32>], vector<16xi32>,
      %gt3A_96 = arith.constant 7 : i32
      %gt3A_97 = vector.broadcast %gt3A_96 : i32 to vector<16xi32>
      %gt3A_98 = arith.cmpi sgt, %iota3A, %gt3A_97 : vector<16xi32>
      %jit3A_99 = arith.constant 0 : i32
      %broadcast_in_dim3A_100 = vector.broadcast %jit3A_99 : i32 to vector<16xi32>
      %select_n3A_101 = arith.select %gt3A_98, %gather3A_95, %broadcast_in_dim3A_100 : vector<16xi1>, vector<16xi32>
      %add3A_102 = arith.addi %add3A_92, %select_n3A_101 : vector<16xi32>
      %swap3A_103 = arith.constant 0 : index
      %swap3A_104 = tpu.vector_load %arg22[%swap3A_103] {strides = array<i32>} : memref<16xi32, #tpu.memory_space<vmem>>, vector<16xi32>,
      tpu.vector_store %arg22[%swap3A_103], %add3A_102 {strides = array<i32>} : memref<16xi32, #tpu.memory_space<vmem>>, vector<16xi32>,
      %shift_right_arithmetic3A_105 = arith.constant 8 : i32
      %shift_right_arithmetic3A_106 = vector.broadcast %shift_right_arithmetic3A_105 : i32 to vector<16xi32>
      %shift_right_arithmetic3A_107 = arith.shrsi %add3A_102, %shift_right_arithmetic3A_106 : vector<16xi32>
      %swap3A_108 = arith.constant 0 : index
      %swap3A_109 = tpu.vector_load %arg23[%swap3A_108] {strides = array<i32>} : memref<16xi32, #tpu.memory_space<vmem>>, vector<16xi32>,
      tpu.vector_store %arg23[%swap3A_108], %shift_right_arithmetic3A_107 {strides = array<i32>} : memref<16xi32, #tpu.memory_space<vmem>>, vector<16xi32>,
      %add3A_110 = arith.addi %add3A_102, %shift_left3A_24 : vector<16xi32>
      %shift_right_arithmetic3A_111 = arith.constant 8 : i32
      %shift_right_arithmetic3A_112 = vector.broadcast %shift_right_arithmetic3A_111 : i32 to vector<16xi32>
      %shift_right_arithmetic3A_113 = arith.shrsi %add3A_110, %shift_right_arithmetic3A_112 : vector<16xi32>
      %broadcast_in_dim3A_114 = arith.constant 0 : i32
      %broadcast_in_dim3A_115 = vector.broadcast %broadcast_in_dim3A_114 : i32 to vector<16xi32>
      %broadcast_in_dim3A_116 = arith.constant 0 : i32
      %broadcast_in_dim3A_117 = vector.broadcast %broadcast_in_dim3A_116 : i32 to vector<16xi32>
      %broadcast_in_dim3A_118 = arith.constant 0 : i32
      %broadcast_in_dim3A_119 = vector.broadcast %broadcast_in_dim3A_118 : i32 to vector<16xi32>
      %gather3A_120 = tpu.vector_load_idx %arg23[%broadcast_in_dim3A_119] : memref<16xi32, #tpu.memory_space<vmem>>[vector<16xi32>], vector<16xi32>,
      %ge3A = arith.cmpi sge, %iota3A, %gather3A_120 : vector<16xi32>
      %convert_element_type3A_121 = arith.extui %ge3A : vector<16xi1> to vector<16xi32>
      %add3A_122 = arith.addi %broadcast_in_dim3A_115, %convert_element_type3A_121 : vector<16xi32>
      %add3A_123 = arith.constant 16 : i32
      %add3A_124 = vector.broadcast %add3A_123 : i32 to vector<16xi32>
      %add3A_125 = arith.addi %iota3A, %add3A_124 : vector<16xi32>
      %ge3A_126 = arith.cmpi sge, %add3A_125, %gather3A_120 : vector<16xi32>
      %convert_element_type3A_127 = arith.extui %ge3A_126 : vector<16xi1> to vector<16xi32>
      %add3A_128 = arith.addi %broadcast_in_dim3A_117, %convert_element_type3A_127 : vector<16xi32>
      %broadcast_in_dim3A_129 = arith.constant 1 : i32
      %broadcast_in_dim3A_130 = vector.broadcast %broadcast_in_dim3A_129 : i32 to vector<16xi32>
      %gather3A_131 = tpu.vector_load_idx %arg23[%broadcast_in_dim3A_130] : memref<16xi32, #tpu.memory_space<vmem>>[vector<16xi32>], vector<16xi32>,
      %ge3A_132 = arith.cmpi sge, %iota3A, %gather3A_131 : vector<16xi32>
      %convert_element_type3A_133 = arith.extui %ge3A_132 : vector<16xi1> to vector<16xi32>
      %add3A_134 = arith.addi %add3A_122, %convert_element_type3A_133 : vector<16xi32>
      %add3A_135 = arith.constant 16 : i32
      %add3A_136 = vector.broadcast %add3A_135 : i32 to vector<16xi32>
      %add3A_137 = arith.addi %iota3A, %add3A_136 : vector<16xi32>
      %ge3A_138 = arith.cmpi sge, %add3A_137, %gather3A_131 : vector<16xi32>
      %convert_element_type3A_139 = arith.extui %ge3A_138 : vector<16xi1> to vector<16xi32>
      %add3A_140 = arith.addi %add3A_128, %convert_element_type3A_139 : vector<16xi32>
      %broadcast_in_dim3A_141 = arith.constant 2 : i32
      %broadcast_in_dim3A_142 = vector.broadcast %broadcast_in_dim3A_141 : i32 to vector<16xi32>
      %gather3A_143 = tpu.vector_load_idx %arg23[%broadcast_in_dim3A_142] : memref<16xi32, #tpu.memory_space<vmem>>[vector<16xi32>], vector<16xi32>,
      %ge3A_144 = arith.cmpi sge, %iota3A, %gather3A_143 : vector<16xi32>
      %convert_element_type3A_145 = arith.extui %ge3A_144 : vector<16xi1> to vector<16xi32>
      %add3A_146 = arith.addi %add3A_134, %convert_element_type3A_145 : vector<16xi32>
      %add3A_147 = arith.constant 16 : i32
      %add3A_148 = vector.broadcast %add3A_147 : i32 to vector<16xi32>
      %add3A_149 = arith.addi %iota3A, %add3A_148 : vector<16xi32>
      %ge3A_150 = arith.cmpi sge, %add3A_149, %gather3A_143 : vector<16xi32>
      %convert_element_type3A_151 = arith.extui %ge3A_150 : vector<16xi1> to vector<16xi32>
      %add3A_152 = arith.addi %add3A_140, %convert_element_type3A_151 : vector<16xi32>
      %broadcast_in_dim3A_153 = arith.constant 3 : i32
      %broadcast_in_dim3A_154 = vector.broadcast %broadcast_in_dim3A_153 : i32 to vector<16xi32>
      %gather3A_155 = tpu.vector_load_idx %arg23[%broadcast_in_dim3A_154] : memref<16xi32, #tpu.memory_space<vmem>>[vector<16xi32>], vector<16xi32>,
      %ge3A_156 = arith.cmpi sge, %iota3A, %gather3A_155 : vector<16xi32>
      %convert_element_type3A_157 = arith.extui %ge3A_156 : vector<16xi1> to vector<16xi32>
      %add3A_158 = arith.addi %add3A_146, %convert_element_type3A_157 : vector<16xi32>
      %add3A_159 = arith.constant 16 : i32
      %add3A_160 = vector.broadcast %add3A_159 : i32 to vector<16xi32>
      %add3A_161 = arith.addi %iota3A, %add3A_160 : vector<16xi32>
      %ge3A_162 = arith.cmpi sge, %add3A_161, %gather3A_155 : vector<16xi32>
      %convert_element_type3A_163 = arith.extui %ge3A_162 : vector<16xi1> to vector<16xi32>
      %add3A_164 = arith.addi %add3A_152, %convert_element_type3A_163 : vector<16xi32>
      %broadcast_in_dim3A_165 = arith.constant 4 : i32
      %broadcast_in_dim3A_166 = vector.broadcast %broadcast_in_dim3A_165 : i32 to vector<16xi32>
      %gather3A_167 = tpu.vector_load_idx %arg23[%broadcast_in_dim3A_166] : memref<16xi32, #tpu.memory_space<vmem>>[vector<16xi32>], vector<16xi32>,
      %ge3A_168 = arith.cmpi sge, %iota3A, %gather3A_167 : vector<16xi32>
      %convert_element_type3A_169 = arith.extui %ge3A_168 : vector<16xi1> to vector<16xi32>
      %add3A_170 = arith.addi %add3A_158, %convert_element_type3A_169 : vector<16xi32>
      %add3A_171 = arith.constant 16 : i32
      %add3A_172 = vector.broadcast %add3A_171 : i32 to vector<16xi32>
      %add3A_173 = arith.addi %iota3A, %add3A_172 : vector<16xi32>
      %ge3A_174 = arith.cmpi sge, %add3A_173, %gather3A_167 : vector<16xi32>
      %convert_element_type3A_175 = arith.extui %ge3A_174 : vector<16xi1> to vector<16xi32>
      %add3A_176 = arith.addi %add3A_164, %convert_element_type3A_175 : vector<16xi32>
      %broadcast_in_dim3A_177 = arith.constant 5 : i32
      %broadcast_in_dim3A_178 = vector.broadcast %broadcast_in_dim3A_177 : i32 to vector<16xi32>
      %gather3A_179 = tpu.vector_load_idx %arg23[%broadcast_in_dim3A_178] : memref<16xi32, #tpu.memory_space<vmem>>[vector<16xi32>], vector<16xi32>,
      %ge3A_180 = arith.cmpi sge, %iota3A, %gather3A_179 : vector<16xi32>
      %convert_element_type3A_181 = arith.extui %ge3A_180 : vector<16xi1> to vector<16xi32>
      %add3A_182 = arith.addi %add3A_170, %convert_element_type3A_181 : vector<16xi32>
      %add3A_183 = arith.constant 16 : i32
      %add3A_184 = vector.broadcast %add3A_183 : i32 to vector<16xi32>
      %add3A_185 = arith.addi %iota3A, %add3A_184 : vector<16xi32>
      %ge3A_186 = arith.cmpi sge, %add3A_185, %gather3A_179 : vector<16xi32>
      %convert_element_type3A_187 = arith.extui %ge3A_186 : vector<16xi1> to vector<16xi32>
      %add3A_188 = arith.addi %add3A_176, %convert_element_type3A_187 : vector<16xi32>
      %broadcast_in_dim3A_189 = arith.constant 6 : i32
      %broadcast_in_dim3A_190 = vector.broadcast %broadcast_in_dim3A_189 : i32 to vector<16xi32>
      %gather3A_191 = tpu.vector_load_idx %arg23[%broadcast_in_dim3A_190] : memref<16xi32, #tpu.memory_space<vmem>>[vector<16xi32>], vector<16xi32>,
      %ge3A_192 = arith.cmpi sge, %iota3A, %gather3A_191 : vector<16xi32>
      %convert_element_type3A_193 = arith.extui %ge3A_192 : vector<16xi1> to vector<16xi32>
      %add3A_194 = arith.addi %add3A_182, %convert_element_type3A_193 : vector<16xi32>
      %add3A_195 = arith.constant 16 : i32
      %add3A_196 = vector.broadcast %add3A_195 : i32 to vector<16xi32>
      %add3A_197 = arith.addi %iota3A, %add3A_196 : vector<16xi32>
      %ge3A_198 = arith.cmpi sge, %add3A_197, %gather3A_191 : vector<16xi32>
      %convert_element_type3A_199 = arith.extui %ge3A_198 : vector<16xi1> to vector<16xi32>
      %add3A_200 = arith.addi %add3A_188, %convert_element_type3A_199 : vector<16xi32>
      %broadcast_in_dim3A_201 = arith.constant 7 : i32
      %broadcast_in_dim3A_202 = vector.broadcast %broadcast_in_dim3A_201 : i32 to vector<16xi32>
      %gather3A_203 = tpu.vector_load_idx %arg23[%broadcast_in_dim3A_202] : memref<16xi32, #tpu.memory_space<vmem>>[vector<16xi32>], vector<16xi32>,
      %ge3A_204 = arith.cmpi sge, %iota3A, %gather3A_203 : vector<16xi32>
      %convert_element_type3A_205 = arith.extui %ge3A_204 : vector<16xi1> to vector<16xi32>
      %add3A_206 = arith.addi %add3A_194, %convert_element_type3A_205 : vector<16xi32>
      %add3A_207 = arith.constant 16 : i32
      %add3A_208 = vector.broadcast %add3A_207 : i32 to vector<16xi32>
      %add3A_209 = arith.addi %iota3A, %add3A_208 : vector<16xi32>
      %ge3A_210 = arith.cmpi sge, %add3A_209, %gather3A_203 : vector<16xi32>
      %convert_element_type3A_211 = arith.extui %ge3A_210 : vector<16xi1> to vector<16xi32>
      %add3A_212 = arith.addi %add3A_200, %convert_element_type3A_211 : vector<16xi32>
      %sub3A = arith.constant 1 : i32
      %sub3A_213 = vector.broadcast %sub3A : i32 to vector<16xi32>
      %sub3A_214 = arith.subi %add3A_206, %sub3A_213 : vector<16xi32>
      %eq3A_215 = arith.constant 15 : i32
      %eq3A_216 = vector.broadcast %eq3A_215 : i32 to vector<16xi32>
      %eq3A_217 = arith.cmpi eq, %iota3A, %eq3A_216 : vector<16xi32>
      %sub3A_218 = arith.constant 1 : i32
      %sub3A_219 = vector.broadcast %sub3A_218 : i32 to vector<16xi32>
      %sub3A_220 = arith.subi %add3A_212, %sub3A_219 : vector<16xi32>
      %select_n3A_221 = arith.select %eq3A_217, %shift_right_arithmetic3A_113, %sub3A_220 : vector<16xi1>, vector<16xi32>
      %swap3A_222 = arith.constant 0 : index
      %swap3A_223 = tpu.vector_load %arg27[%swap3A_222] {strides = array<i32>} : memref<32xi32, #tpu.memory_space<vmem>>, vector<16xi32>,
      tpu.vector_store %arg27[%swap3A_222], %sub3A_214 {strides = array<i32>} : memref<32xi32, #tpu.memory_space<vmem>>, vector<16xi32>,
      %swap3A_224 = arith.constant 16 : index
      %swap3A_225 = tpu.vector_load %arg27[%swap3A_224] {strides = array<i32>} : memref<32xi32, #tpu.memory_space<vmem>>, vector<16xi32>,
      tpu.vector_store %arg27[%swap3A_224], %select_n3A_221 {strides = array<i32>} : memref<32xi32, #tpu.memory_space<vmem>>, vector<16xi32>,
      %scan3A = arith.constant 0 : i32
      %scan3A_226 = arith.constant 0 : i32
      %scan3A_227 = arith.constant 128 : i32
      %scan3A_228 = arith.addi %scan3A_226, %scan3A_227 : i32
      %scan3A_229 = arith.constant 1 : i32
      %scan3A_230 = scf.for %scan3A_237 = %scan3A_226 to %scan3A_228 step %scan3A_229 iter_args(%scan3A_238 = %scan3A) -> (i32)  : i32 {
        %mul3A_239 = arith.constant 16 : i32
        %mul3A_240 = arith.muli %scan3A_237, %mul3A_239 : i32
        %get3A_241 = arith.index_cast %mul3A_240 : i32 to index
        %get3A_242 = tpu.vector_load %arg15[%get3A_241] {strides = array<i32>} : memref<2048xi32, #tpu.memory_space<vmem>>, vector<16xi32>,
        %get3A_243 = arith.index_cast %mul3A_240 : i32 to index
        %get3A_244 = tpu.vector_load %arg17[%get3A_243] {strides = array<i32>} : memref<2048xi32, #tpu.memory_space<vmem>>, vector<16xi32>,
        %gather3A_245 = tpu.vector_load_idx %arg22[%get3A_242] : memref<16xi32, #tpu.memory_space<vmem>>[vector<16xi32>], vector<16xi32>,
        %add3A_246 = arith.addi %gather3A_245, %get3A_244 : vector<16xi32>
        %swap3A_247 = arith.index_cast %mul3A_240 : i32 to index
        %swap3A_248 = tpu.vector_load %arg25[%swap3A_247] {strides = array<i32>} : memref<2048xi32, #tpu.memory_space<vmem>>, vector<16xi32>,
        tpu.vector_store %arg25[%swap3A_247], %add3A_246 {strides = array<i32>} : memref<2048xi32, #tpu.memory_space<vmem>>, vector<16xi32>,
        %get3A_249 = arith.index_cast %mul3A_240 : i32 to index
        %get3A_250 = tpu.vector_load %arg19[%get3A_249] {strides = array<i32>} : memref<2048xf32, #tpu.memory_space<vmem>>, vector<16xf32>,
        tpu.vector_store_idx %arg24[%add3A_246], %get3A_250 : memref<5888xf32, #tpu.memory_space<vmem>>[vector<16xi32>], vector<16xf32>,
        %get3A_251 = arith.index_cast %mul3A_240 : i32 to index
        %get3A_252 = tpu.vector_load %arg16[%get3A_251] {strides = array<i32>} : memref<2048xi32, #tpu.memory_space<vmem>>, vector<16xi32>,
        %get3A_253 = arith.index_cast %mul3A_240 : i32 to index
        %get3A_254 = tpu.vector_load %arg18[%get3A_253] {strides = array<i32>} : memref<2048xi32, #tpu.memory_space<vmem>>, vector<16xi32>,
        %gather3A_255 = tpu.vector_load_idx %arg22[%get3A_252] : memref<16xi32, #tpu.memory_space<vmem>>[vector<16xi32>], vector<16xi32>,
        %add3A_256 = arith.addi %gather3A_255, %get3A_254 : vector<16xi32>
        %swap3A_257 = arith.index_cast %mul3A_240 : i32 to index
        %swap3A_258 = tpu.vector_load %arg26[%swap3A_257] {strides = array<i32>} : memref<2048xi32, #tpu.memory_space<vmem>>, vector<16xi32>,
        tpu.vector_store %arg26[%swap3A_257], %add3A_256 {strides = array<i32>} : memref<2048xi32, #tpu.memory_space<vmem>>, vector<16xi32>,
        %get3A_259 = arith.index_cast %mul3A_240 : i32 to index
        %get3A_260 = tpu.vector_load %arg20[%get3A_259] {strides = array<i32>} : memref<2048xf32, #tpu.memory_space<vmem>>, vector<16xf32>,
        tpu.vector_store_idx %arg24[%add3A_256], %get3A_260 : memref<5888xf32, #tpu.memory_space<vmem>>[vector<16xi32>], vector<16xf32>,
        %scan3A_261 = arith.constant 0 : i32
        scf.yield %scan3A_261 : i32
      }
      %scan3A_231 = arith.constant 128 : i32
      "tpu.region"() ({
        %run_scoped3A = tpu.sem_alloc : memref<!tpu.dma_semaphore, #tpu.memory_space<semaphore_mem>>
        %dma_start3A_237 = arith.constant 0 : i32
        %dma_start3A_238 = tpu.memref_slice %arg28[%dma_start3A_237] : memref<4096xi32, #tpu.memory_space<vmem_shared>> -> memref<2048xi32, #tpu.memory_space<vmem_shared>>
        %dma_start3A_239 = arith.constant 0 : i32
        %dma_start3A_240 = tpu.memref_slice %arg28[%dma_start3A_239] : memref<4096xi32, #tpu.memory_space<vmem_shared>> -> memref<2048xi32, #tpu.memory_space<vmem_shared>>
        tpu.enqueue_dma source(%arg25 : memref<2048xi32, #tpu.memory_space<vmem>>) target(%dma_start3A_240 : memref<2048xi32, #tpu.memory_space<vmem_shared>>) target_semaphore(%run_scoped3A : memref<!tpu.dma_semaphore, #tpu.memory_space<semaphore_mem>>)
        %dma_wait3A_241 = arith.constant 0 : i32
        %dma_wait3A_242 = tpu.memref_slice %arg28[%dma_wait3A_241] : memref<4096xi32, #tpu.memory_space<vmem_shared>> -> memref<2048xi32, #tpu.memory_space<vmem_shared>>
        %dma_wait3A_243 = arith.constant 0 : i32
        %dma_wait3A_244 = tpu.memref_slice %arg28[%dma_wait3A_243] : memref<4096xi32, #tpu.memory_space<vmem_shared>> -> memref<2048xi32, #tpu.memory_space<vmem_shared>>
        tpu.wait_dma2 semaphore(%run_scoped3A : memref<!tpu.dma_semaphore, #tpu.memory_space<semaphore_mem>>) src(%arg25 : memref<2048xi32, #tpu.memory_space<vmem>>) dst(%dma_wait3A_244 : memref<2048xi32, #tpu.memory_space<vmem_shared>>)
        tpu.yield
      }) : () -> ()
      "tpu.region"() ({
        %run_scoped3A = tpu.sem_alloc : memref<!tpu.dma_semaphore, #tpu.memory_space<semaphore_mem>>
        %dma_start3A_237 = arith.constant 2048 : i32
        %dma_start3A_238 = tpu.memref_slice %arg28[%dma_start3A_237] : memref<4096xi32, #tpu.memory_space<vmem_shared>> -> memref<2048xi32, #tpu.memory_space<vmem_shared>>
        %dma_start3A_239 = arith.constant 2048 : i32
        %dma_start3A_240 = tpu.memref_slice %arg28[%dma_start3A_239] : memref<4096xi32, #tpu.memory_space<vmem_shared>> -> memref<2048xi32, #tpu.memory_space<vmem_shared>>
        tpu.enqueue_dma source(%arg26 : memref<2048xi32, #tpu.memory_space<vmem>>) target(%dma_start3A_240 : memref<2048xi32, #tpu.memory_space<vmem_shared>>) target_semaphore(%run_scoped3A : memref<!tpu.dma_semaphore, #tpu.memory_space<semaphore_mem>>)
        %dma_wait3A_241 = arith.constant 2048 : i32
        %dma_wait3A_242 = tpu.memref_slice %arg28[%dma_wait3A_241] : memref<4096xi32, #tpu.memory_space<vmem_shared>> -> memref<2048xi32, #tpu.memory_space<vmem_shared>>
        %dma_wait3A_243 = arith.constant 2048 : i32
        %dma_wait3A_244 = tpu.memref_slice %arg28[%dma_wait3A_243] : memref<4096xi32, #tpu.memory_space<vmem_shared>> -> memref<2048xi32, #tpu.memory_space<vmem_shared>>
        tpu.wait_dma2 semaphore(%run_scoped3A : memref<!tpu.dma_semaphore, #tpu.memory_space<semaphore_mem>>) src(%arg26 : memref<2048xi32, #tpu.memory_space<vmem>>) dst(%dma_wait3A_244 : memref<2048xi32, #tpu.memory_space<vmem_shared>>)
        tpu.yield
      }) : () -> ()
      %eq3A_232 = arith.constant 0 : i32
      %eq3A_233 = arith.cmpi eq, %arg0, %eq3A_232 : i32
      %convert_element_type3A_234 = arith.extui %eq3A_233 : i1 to i32
      %cond3A_235 = arith.constant 0 : i32
      %cond3A_236 = arith.cmpi ne, %convert_element_type3A_234, %cond3A_235 : i32
      scf.if %cond3A_236 {
        "tpu.region"() ({
          %run_scoped3A = tpu.sem_alloc : memref<!tpu.dma_semaphore, #tpu.memory_space<semaphore_mem>>
          tpu.enqueue_dma source(%arg24 : memref<5888xf32, #tpu.memory_space<vmem>>) target(%arg11 : memref<5888xf32, #tpu.memory_space<hbm>>) target_semaphore(%run_scoped3A : memref<!tpu.dma_semaphore, #tpu.memory_space<semaphore_mem>>)
          tpu.wait_dma2 semaphore(%run_scoped3A : memref<!tpu.dma_semaphore, #tpu.memory_space<semaphore_mem>>) src(%arg24 : memref<5888xf32, #tpu.memory_space<vmem>>) dst(%arg11 : memref<5888xf32, #tpu.memory_space<hbm>>)
          tpu.yield
        }) : () -> ()
        "tpu.region"() ({
          %run_scoped3A = tpu.sem_alloc : memref<!tpu.dma_semaphore, #tpu.memory_space<semaphore_mem>>
          tpu.enqueue_dma source(%arg25 : memref<2048xi32, #tpu.memory_space<vmem>>) target(%arg12 : memref<2048xi32, #tpu.memory_space<hbm>>) target_semaphore(%run_scoped3A : memref<!tpu.dma_semaphore, #tpu.memory_space<semaphore_mem>>)
          tpu.wait_dma2 semaphore(%run_scoped3A : memref<!tpu.dma_semaphore, #tpu.memory_space<semaphore_mem>>) src(%arg25 : memref<2048xi32, #tpu.memory_space<vmem>>) dst(%arg12 : memref<2048xi32, #tpu.memory_space<hbm>>)
          tpu.yield
        }) : () -> ()
        "tpu.region"() ({
          %run_scoped3A = tpu.sem_alloc : memref<!tpu.dma_semaphore, #tpu.memory_space<semaphore_mem>>
          tpu.enqueue_dma source(%arg26 : memref<2048xi32, #tpu.memory_space<vmem>>) target(%arg13 : memref<2048xi32, #tpu.memory_space<hbm>>) target_semaphore(%run_scoped3A : memref<!tpu.dma_semaphore, #tpu.memory_space<semaphore_mem>>)
          tpu.wait_dma2 semaphore(%run_scoped3A : memref<!tpu.dma_semaphore, #tpu.memory_space<semaphore_mem>>) src(%arg26 : memref<2048xi32, #tpu.memory_space<vmem>>) dst(%arg13 : memref<2048xi32, #tpu.memory_space<hbm>>)
          tpu.yield
        }) : () -> ()
        "tpu.region"() ({
          %run_scoped3A = tpu.sem_alloc : memref<!tpu.dma_semaphore, #tpu.memory_space<semaphore_mem>>
          tpu.enqueue_dma source(%arg27 : memref<32xi32, #tpu.memory_space<vmem>>) target(%arg14 : memref<32xi32, #tpu.memory_space<hbm>>) target_semaphore(%run_scoped3A : memref<!tpu.dma_semaphore, #tpu.memory_space<semaphore_mem>>)
          tpu.wait_dma2 semaphore(%run_scoped3A : memref<!tpu.dma_semaphore, #tpu.memory_space<semaphore_mem>>) src(%arg27 : memref<32xi32, #tpu.memory_space<vmem>>) dst(%arg14 : memref<32xi32, #tpu.memory_space<hbm>>)
          tpu.yield
        }) : () -> ()
      } else {
      }
    } else {
    }
    %barrier3A = arith.constant 0 : index
    tpu.barrier barrier_id(%barrier3A)
    %mul3A = arith.constant 16 : i32
    %mul3A_2 = arith.muli %arg0, %mul3A : i32
    %add3A = arith.addi %mul3A_2, %arg1 : i32
    %mul3A_3 = arith.constant 64 : i32
    %mul3A_4 = arith.muli %add3A, %mul3A_3 : i32
    "tpu.region"() ({
      %run_scoped3A = tpu.sem_alloc : memref<!tpu.dma_semaphore, #tpu.memory_space<semaphore_mem>>
      %dma_start3A_17 = arith.constant 0 : i32
      %dma_start3A_18 = tpu.memref_slice %arg9[%mul3A_4, %dma_start3A_17] : memref<2048x512xi32, #tpu.memory_space<hbm>> -> memref<64x512xi32, #tpu.memory_space<hbm>>
      %dma_start3A_19 = arith.constant 0 : i32
      %dma_start3A_20 = tpu.memref_slice %arg9[%mul3A_4, %dma_start3A_19] : memref<2048x512xi32, #tpu.memory_space<hbm>> -> memref<64x512xi32, #tpu.memory_space<hbm>>
      tpu.enqueue_dma source(%dma_start3A_20 : memref<64x512xi32, #tpu.memory_space<hbm>>) target(%arg31 : memref<64x512xi32, #tpu.memory_space<vmem>>) target_semaphore(%run_scoped3A : memref<!tpu.dma_semaphore, #tpu.memory_space<semaphore_mem>>)
      %dma_wait3A_21 = arith.constant 0 : i32
      %dma_wait3A_22 = tpu.memref_slice %arg9[%mul3A_4, %dma_wait3A_21] : memref<2048x512xi32, #tpu.memory_space<hbm>> -> memref<64x512xi32, #tpu.memory_space<hbm>>
      %dma_wait3A_23 = arith.constant 0 : i32
      %dma_wait3A_24 = tpu.memref_slice %arg9[%mul3A_4, %dma_wait3A_23] : memref<2048x512xi32, #tpu.memory_space<hbm>> -> memref<64x512xi32, #tpu.memory_space<hbm>>
      tpu.wait_dma2 semaphore(%run_scoped3A : memref<!tpu.dma_semaphore, #tpu.memory_space<semaphore_mem>>) src(%dma_wait3A_24 : memref<64x512xi32, #tpu.memory_space<hbm>>) dst(%arg31 : memref<64x512xi32, #tpu.memory_space<vmem>>)
      tpu.yield
    }) : () -> ()
    "tpu.region"() ({
      %run_scoped3A = tpu.sem_alloc : memref<!tpu.dma_semaphore, #tpu.memory_space<semaphore_mem>>
      %dma_start3A_17 = tpu.memref_slice %arg28[%mul3A_4] : memref<4096xi32, #tpu.memory_space<vmem_shared>> -> memref<64xi32, #tpu.memory_space<vmem_shared>>
      %dma_start3A_18 = tpu.memref_slice %arg28[%mul3A_4] : memref<4096xi32, #tpu.memory_space<vmem_shared>> -> memref<64xi32, #tpu.memory_space<vmem_shared>>
      tpu.enqueue_dma source(%dma_start3A_18 : memref<64xi32, #tpu.memory_space<vmem_shared>>) target(%arg29 : memref<64xi32, #tpu.memory_space<vmem>>) target_semaphore(%run_scoped3A : memref<!tpu.dma_semaphore, #tpu.memory_space<semaphore_mem>>)
      %dma_wait3A_19 = tpu.memref_slice %arg28[%mul3A_4] : memref<4096xi32, #tpu.memory_space<vmem_shared>> -> memref<64xi32, #tpu.memory_space<vmem_shared>>
      %dma_wait3A_20 = tpu.memref_slice %arg28[%mul3A_4] : memref<4096xi32, #tpu.memory_space<vmem_shared>> -> memref<64xi32, #tpu.memory_space<vmem_shared>>
      tpu.wait_dma2 semaphore(%run_scoped3A : memref<!tpu.dma_semaphore, #tpu.memory_space<semaphore_mem>>) src(%dma_wait3A_20 : memref<64xi32, #tpu.memory_space<vmem_shared>>) dst(%arg29 : memref<64xi32, #tpu.memory_space<vmem>>)
      tpu.yield
    }) : () -> ()
    %add3A_5 = arith.constant 2048 : i32
    %add3A_6 = arith.addi %add3A_5, %mul3A_4 : i32
    "tpu.region"() ({
      %run_scoped3A = tpu.sem_alloc : memref<!tpu.dma_semaphore, #tpu.memory_space<semaphore_mem>>
      %dma_start3A_17 = tpu.memref_slice %arg28[%add3A_6] : memref<4096xi32, #tpu.memory_space<vmem_shared>> -> memref<64xi32, #tpu.memory_space<vmem_shared>>
      %dma_start3A_18 = tpu.memref_slice %arg28[%add3A_6] : memref<4096xi32, #tpu.memory_space<vmem_shared>> -> memref<64xi32, #tpu.memory_space<vmem_shared>>
      tpu.enqueue_dma source(%dma_start3A_18 : memref<64xi32, #tpu.memory_space<vmem_shared>>) target(%arg30 : memref<64xi32, #tpu.memory_space<vmem>>) target_semaphore(%run_scoped3A : memref<!tpu.dma_semaphore, #tpu.memory_space<semaphore_mem>>)
      %dma_wait3A_19 = tpu.memref_slice %arg28[%add3A_6] : memref<4096xi32, #tpu.memory_space<vmem_shared>> -> memref<64xi32, #tpu.memory_space<vmem_shared>>
      %dma_wait3A_20 = tpu.memref_slice %arg28[%add3A_6] : memref<4096xi32, #tpu.memory_space<vmem_shared>> -> memref<64xi32, #tpu.memory_space<vmem_shared>>
      tpu.wait_dma2 semaphore(%run_scoped3A : memref<!tpu.dma_semaphore, #tpu.memory_space<semaphore_mem>>) src(%dma_wait3A_20 : memref<64xi32, #tpu.memory_space<vmem_shared>>) dst(%arg30 : memref<64xi32, #tpu.memory_space<vmem>>)
      tpu.yield
    }) : () -> ()
    %dma_start3A = arith.constant 0 : i32
    %dma_start3A_7 = arith.constant 0 : i32
    %dma_start3A_8 = tpu.memref_slice %arg10[%dma_start3A, %dma_start3A_7] : memref<6144x512xi32, #tpu.memory_space<hbm>> -> memref<6144x512xi32, #tpu.memory_space<hbm>>
    tpu.enqueue_indirect_dma source(%arg31 : memref<64x512xi32, #tpu.memory_space<vmem>>) target(%dma_start3A_8 : memref<6144x512xi32, #tpu.memory_space<hbm>>) offsets(%arg29 : memref<64xi32, #tpu.memory_space<vmem>>) semaphore(%arg32 : memref<!tpu.dma_semaphore, #tpu.memory_space<semaphore_mem>>)
    %dma_start3A_9 = arith.constant 0 : i32
    %dma_start3A_10 = arith.constant 0 : i32
    %dma_start3A_11 = tpu.memref_slice %arg10[%dma_start3A_9, %dma_start3A_10] : memref<6144x512xi32, #tpu.memory_space<hbm>> -> memref<6144x512xi32, #tpu.memory_space<hbm>>
    tpu.enqueue_indirect_dma source(%arg31 : memref<64x512xi32, #tpu.memory_space<vmem>>) target(%dma_start3A_11 : memref<6144x512xi32, #tpu.memory_space<hbm>>) offsets(%arg30 : memref<64xi32, #tpu.memory_space<vmem>>) semaphore(%arg33 : memref<!tpu.dma_semaphore, #tpu.memory_space<semaphore_mem>>)
    %dma_wait3A = arith.constant 0 : i32
    %dma_wait3A_12 = arith.constant 0 : i32
    %dma_wait3A_13 = tpu.memref_slice %arg10[%dma_wait3A, %dma_wait3A_12] : memref<6144x512xi32, #tpu.memory_space<hbm>> -> memref<6144x512xi32, #tpu.memory_space<hbm>>
    tpu.wait_indirect_dma semaphore(%arg32 : memref<!tpu.dma_semaphore, #tpu.memory_space<semaphore_mem>>) src(%arg31 : memref<64x512xi32, #tpu.memory_space<vmem>>) dst(%dma_wait3A_13 : memref<6144x512xi32, #tpu.memory_space<hbm>>)
    %dma_wait3A_14 = arith.constant 0 : i32
    %dma_wait3A_15 = arith.constant 0 : i32
    %dma_wait3A_16 = tpu.memref_slice %arg10[%dma_wait3A_14, %dma_wait3A_15] : memref<6144x512xi32, #tpu.memory_space<hbm>> -> memref<6144x512xi32, #tpu.memory_space<hbm>>
    tpu.wait_indirect_dma semaphore(%arg33 : memref<!tpu.dma_semaphore, #tpu.memory_space<semaphore_mem>>) src(%arg31 : memref<64x512xi32, #tpu.memory_space<vmem>>) dst(%dma_wait3A_16 : memref<6144x512xi32, #tpu.memory_space<hbm>>)
    return
  }
}

#map = affine_map<(d0, d1) -> (0, 0)>
#map1 = affine_map<(d0, d1) -> (0)>
module attributes {stable_mosaic.version = 14 : i64} {
  func.func @_combine_body(%arg0: i32, %arg1: i32, %arg2: memref<5888x1024xf32, #tpu.memory_space<hbm>>, %arg3: memref<2048xi32, #tpu.memory_space<hbm>>, %arg4: memref<2048xi32, #tpu.memory_space<hbm>>, %arg5: memref<2048x1024xf32, #tpu.memory_space<hbm>>, %arg6: memref<32xi32, #tpu.memory_space<vmem>>, %arg7: memref<32xi32, #tpu.memory_space<vmem>>, %arg8: memref<32x1024xf32, #tpu.memory_space<vmem>>, %arg9: memref<32x1024xf32, #tpu.memory_space<vmem>>, %arg10: memref<!tpu.dma_semaphore, #tpu.memory_space<semaphore_mem>>, %arg11: memref<!tpu.dma_semaphore, #tpu.memory_space<semaphore_mem>>) attributes {dimension_semantics = [#tpu.dimension_semantics<core_parallel>, #tpu.dimension_semantics<subcore_parallel>], iteration_bounds = array<i64: 2, 16>, scalar_prefetch = 0 : i64, scratch_operands = 6 : i64, tpu.core_type = #tpu.core_type<sc_vector_subcore>, window_params = [{transform_indices = #map}, {transform_indices = #map1}, {transform_indices = #map1}, {transform_indices = #map}]} {
    %mul3A = arith.constant 16 : i32
    %mul3A_0 = arith.muli %arg0, %mul3A : i32
    %add3A = arith.addi %mul3A_0, %arg1 : i32
    %mul3A_1 = arith.constant 64 : i32
    %mul3A_2 = arith.muli %add3A, %mul3A_1 : i32
    %add3A_3 = arith.constant 0 : i32
    %add3A_4 = arith.addi %mul3A_2, %add3A_3 : i32
    "tpu.region"() ({
      %run_scoped3A = tpu.sem_alloc : memref<!tpu.dma_semaphore, #tpu.memory_space<semaphore_mem>>
      %dma_start3A_42 = tpu.memref_slice %arg3[%add3A_4] : memref<2048xi32, #tpu.memory_space<hbm>> -> memref<32xi32, #tpu.memory_space<hbm>>
      %dma_start3A_43 = tpu.memref_slice %arg3[%add3A_4] : memref<2048xi32, #tpu.memory_space<hbm>> -> memref<32xi32, #tpu.memory_space<hbm>>
      tpu.enqueue_dma source(%dma_start3A_43 : memref<32xi32, #tpu.memory_space<hbm>>) target(%arg6 : memref<32xi32, #tpu.memory_space<vmem>>) target_semaphore(%run_scoped3A : memref<!tpu.dma_semaphore, #tpu.memory_space<semaphore_mem>>)
      %dma_wait3A_44 = tpu.memref_slice %arg3[%add3A_4] : memref<2048xi32, #tpu.memory_space<hbm>> -> memref<32xi32, #tpu.memory_space<hbm>>
      %dma_wait3A_45 = tpu.memref_slice %arg3[%add3A_4] : memref<2048xi32, #tpu.memory_space<hbm>> -> memref<32xi32, #tpu.memory_space<hbm>>
      tpu.wait_dma2 semaphore(%run_scoped3A : memref<!tpu.dma_semaphore, #tpu.memory_space<semaphore_mem>>) src(%dma_wait3A_45 : memref<32xi32, #tpu.memory_space<hbm>>) dst(%arg6 : memref<32xi32, #tpu.memory_space<vmem>>)
      tpu.yield
    }) : () -> ()
    "tpu.region"() ({
      %run_scoped3A = tpu.sem_alloc : memref<!tpu.dma_semaphore, #tpu.memory_space<semaphore_mem>>
      %dma_start3A_42 = tpu.memref_slice %arg4[%add3A_4] : memref<2048xi32, #tpu.memory_space<hbm>> -> memref<32xi32, #tpu.memory_space<hbm>>
      %dma_start3A_43 = tpu.memref_slice %arg4[%add3A_4] : memref<2048xi32, #tpu.memory_space<hbm>> -> memref<32xi32, #tpu.memory_space<hbm>>
      tpu.enqueue_dma source(%dma_start3A_43 : memref<32xi32, #tpu.memory_space<hbm>>) target(%arg7 : memref<32xi32, #tpu.memory_space<vmem>>) target_semaphore(%run_scoped3A : memref<!tpu.dma_semaphore, #tpu.memory_space<semaphore_mem>>)
      %dma_wait3A_44 = tpu.memref_slice %arg4[%add3A_4] : memref<2048xi32, #tpu.memory_space<hbm>> -> memref<32xi32, #tpu.memory_space<hbm>>
      %dma_wait3A_45 = tpu.memref_slice %arg4[%add3A_4] : memref<2048xi32, #tpu.memory_space<hbm>> -> memref<32xi32, #tpu.memory_space<hbm>>
      tpu.wait_dma2 semaphore(%run_scoped3A : memref<!tpu.dma_semaphore, #tpu.memory_space<semaphore_mem>>) src(%dma_wait3A_45 : memref<32xi32, #tpu.memory_space<hbm>>) dst(%arg7 : memref<32xi32, #tpu.memory_space<vmem>>)
      tpu.yield
    }) : () -> ()
    %dma_start3A = arith.constant 0 : i32
    %dma_start3A_5 = arith.constant 0 : i32
    %dma_start3A_6 = tpu.memref_slice %arg2[%dma_start3A, %dma_start3A_5] : memref<5888x1024xf32, #tpu.memory_space<hbm>> -> memref<5888x1024xf32, #tpu.memory_space<hbm>>
    tpu.enqueue_indirect_dma source(%dma_start3A_6 : memref<5888x1024xf32, #tpu.memory_space<hbm>>) target(%arg8 : memref<32x1024xf32, #tpu.memory_space<vmem>>) offsets(%arg6 : memref<32xi32, #tpu.memory_space<vmem>>) semaphore(%arg10 : memref<!tpu.dma_semaphore, #tpu.memory_space<semaphore_mem>>)
    %dma_start3A_7 = arith.constant 0 : i32
    %dma_start3A_8 = arith.constant 0 : i32
    %dma_start3A_9 = tpu.memref_slice %arg2[%dma_start3A_7, %dma_start3A_8] : memref<5888x1024xf32, #tpu.memory_space<hbm>> -> memref<5888x1024xf32, #tpu.memory_space<hbm>>
    tpu.enqueue_indirect_dma source(%dma_start3A_9 : memref<5888x1024xf32, #tpu.memory_space<hbm>>) target(%arg9 : memref<32x1024xf32, #tpu.memory_space<vmem>>) offsets(%arg7 : memref<32xi32, #tpu.memory_space<vmem>>) semaphore(%arg11 : memref<!tpu.dma_semaphore, #tpu.memory_space<semaphore_mem>>)
    %dma_wait3A = arith.constant 0 : i32
    %dma_wait3A_10 = arith.constant 0 : i32
    %dma_wait3A_11 = tpu.memref_slice %arg2[%dma_wait3A, %dma_wait3A_10] : memref<5888x1024xf32, #tpu.memory_space<hbm>> -> memref<5888x1024xf32, #tpu.memory_space<hbm>>
    tpu.wait_indirect_dma semaphore(%arg10 : memref<!tpu.dma_semaphore, #tpu.memory_space<semaphore_mem>>) src(%dma_wait3A_11 : memref<5888x1024xf32, #tpu.memory_space<hbm>>) dst(%arg8 : memref<32x1024xf32, #tpu.memory_space<vmem>>)
    %dma_wait3A_12 = arith.constant 0 : i32
    %dma_wait3A_13 = arith.constant 0 : i32
    %dma_wait3A_14 = tpu.memref_slice %arg2[%dma_wait3A_12, %dma_wait3A_13] : memref<5888x1024xf32, #tpu.memory_space<hbm>> -> memref<5888x1024xf32, #tpu.memory_space<hbm>>
    tpu.wait_indirect_dma semaphore(%arg11 : memref<!tpu.dma_semaphore, #tpu.memory_space<semaphore_mem>>) src(%dma_wait3A_14 : memref<5888x1024xf32, #tpu.memory_space<hbm>>) dst(%arg9 : memref<32x1024xf32, #tpu.memory_space<vmem>>)
    %scan3A = arith.constant 0 : i32
    %scan3A_15 = arith.constant 0 : i32
    %scan3A_16 = arith.constant 32 : i32
    %scan3A_17 = arith.addi %scan3A_15, %scan3A_16 : i32
    %scan3A_18 = arith.constant 1 : i32
    %scan3A_19 = scf.for %scan3A_42 = %scan3A_15 to %scan3A_17 step %scan3A_18 iter_args(%scan3A_43 = %scan3A) -> (i32)  : i32 {
      %get3A = arith.index_cast %scan3A_42 : i32 to index
      %get3A_44 = arith.constant 0 : index
      %get3A_45 = tpu.vector_load %arg8[%get3A, %get3A_44] {strides = array<i32>} : memref<32x1024xf32, #tpu.memory_space<vmem>>, vector<16xf32>,
      %get3A_46 = arith.index_cast %scan3A_42 : i32 to index
      %get3A_47 = arith.constant 0 : index
      %get3A_48 = tpu.vector_load %arg9[%get3A_46, %get3A_47] {strides = array<i32>} : memref<32x1024xf32, #tpu.memory_space<vmem>>, vector<16xf32>,
      %add3A_49 = arith.addf %get3A_45, %get3A_48 : vector<16xf32>
      %swap3A = arith.index_cast %scan3A_42 : i32 to index
      %swap3A_50 = arith.constant 0 : index
      %swap3A_51 = tpu.vector_load %arg8[%swap3A, %swap3A_50] {strides = array<i32>} : memref<32x1024xf32, #tpu.memory_space<vmem>>, vector<16xf32>,
      tpu.vector_store %arg8[%swap3A, %swap3A_50], %add3A_49 {strides = array<i32>} : memref<32x1024xf32, #tpu.memory_space<vmem>>, vector<16xf32>,
      %get3A_52 = arith.index_cast %scan3A_42 : i32 to index
      %get3A_53 = arith.constant 16 : index
      %get3A_54 = tpu.vector_load %arg8[%get3A_52, %get3A_53] {strides = array<i32>} : memref<32x1024xf32, #tpu.memory_space<vmem>>, vector<16xf32>,
      %get3A_55 = arith.index_cast %scan3A_42 : i32 to index
      %get3A_56 = arith.constant 16 : index
      %get3A_57 = tpu.vector_load %arg9[%get3A_55, %get3A_56] {strides = array<i32>} : memref<32x1024xf32, #tpu.memory_space<vmem>>, vector<16xf32>,
      %add3A_58 = arith.addf %get3A_54, %get3A_57 : vector<16xf32>
      %swap3A_59 = arith.index_cast %scan3A_42 : i32 to index
      %swap3A_60 = arith.constant 16 : index
      %swap3A_61 = tpu.vector_load %arg8[%swap3A_59, %swap3A_60] {strides = array<i32>} : memref<32x1024xf32, #tpu.memory_space<vmem>>, vector<16xf32>,
      tpu.vector_store %arg8[%swap3A_59, %swap3A_60], %add3A_58 {strides = array<i32>} : memref<32x1024xf32, #tpu.memory_space<vmem>>, vector<16xf32>,
      %get3A_62 = arith.index_cast %scan3A_42 : i32 to index
      %get3A_63 = arith.constant 32 : index
      %get3A_64 = tpu.vector_load %arg8[%get3A_62, %get3A_63] {strides = array<i32>} : memref<32x1024xf32, #tpu.memory_space<vmem>>, vector<16xf32>,
      %get3A_65 = arith.index_cast %scan3A_42 : i32 to index
      %get3A_66 = arith.constant 32 : index
      %get3A_67 = tpu.vector_load %arg9[%get3A_65, %get3A_66] {strides = array<i32>} : memref<32x1024xf32, #tpu.memory_space<vmem>>, vector<16xf32>,
      %add3A_68 = arith.addf %get3A_64, %get3A_67 : vector<16xf32>
      %swap3A_69 = arith.index_cast %scan3A_42 : i32 to index
      %swap3A_70 = arith.constant 32 : index
      %swap3A_71 = tpu.vector_load %arg8[%swap3A_69, %swap3A_70] {strides = array<i32>} : memref<32x1024xf32, #tpu.memory_space<vmem>>, vector<16xf32>,
      tpu.vector_store %arg8[%swap3A_69, %swap3A_70], %add3A_68 {strides = array<i32>} : memref<32x1024xf32, #tpu.memory_space<vmem>>, vector<16xf32>,
      %get3A_72 = arith.index_cast %scan3A_42 : i32 to index
      %get3A_73 = arith.constant 48 : index
      %get3A_74 = tpu.vector_load %arg8[%get3A_72, %get3A_73] {strides = array<i32>} : memref<32x1024xf32, #tpu.memory_space<vmem>>, vector<16xf32>,
      %get3A_75 = arith.index_cast %scan3A_42 : i32 to index
      %get3A_76 = arith.constant 48 : index
      %get3A_77 = tpu.vector_load %arg9[%get3A_75, %get3A_76] {strides = array<i32>} : memref<32x1024xf32, #tpu.memory_space<vmem>>, vector<16xf32>,
      %add3A_78 = arith.addf %get3A_74, %get3A_77 : vector<16xf32>
      %swap3A_79 = arith.index_cast %scan3A_42 : i32 to index
      %swap3A_80 = arith.constant 48 : index
      %swap3A_81 = tpu.vector_load %arg8[%swap3A_79, %swap3A_80] {strides = array<i32>} : memref<32x1024xf32, #tpu.memory_space<vmem>>, vector<16xf32>,
      tpu.vector_store %arg8[%swap3A_79, %swap3A_80], %add3A_78 {strides = array<i32>} : memref<32x1024xf32, #tpu.memory_space<vmem>>, vector<16xf32>,
      %get3A_82 = arith.index_cast %scan3A_42 : i32 to index
      %get3A_83 = arith.constant 64 : index
      %get3A_84 = tpu.vector_load %arg8[%get3A_82, %get3A_83] {strides = array<i32>} : memref<32x1024xf32, #tpu.memory_space<vmem>>, vector<16xf32>,
      %get3A_85 = arith.index_cast %scan3A_42 : i32 to index
      %get3A_86 = arith.constant 64 : index
      %get3A_87 = tpu.vector_load %arg9[%get3A_85, %get3A_86] {strides = array<i32>} : memref<32x1024xf32, #tpu.memory_space<vmem>>, vector<16xf32>,
      %add3A_88 = arith.addf %get3A_84, %get3A_87 : vector<16xf32>
      %swap3A_89 = arith.index_cast %scan3A_42 : i32 to index
      %swap3A_90 = arith.constant 64 : index
      %swap3A_91 = tpu.vector_load %arg8[%swap3A_89, %swap3A_90] {strides = array<i32>} : memref<32x1024xf32, #tpu.memory_space<vmem>>, vector<16xf32>,
      tpu.vector_store %arg8[%swap3A_89, %swap3A_90], %add3A_88 {strides = array<i32>} : memref<32x1024xf32, #tpu.memory_space<vmem>>, vector<16xf32>,
      %get3A_92 = arith.index_cast %scan3A_42 : i32 to index
      %get3A_93 = arith.constant 80 : index
      %get3A_94 = tpu.vector_load %arg8[%get3A_92, %get3A_93] {strides = array<i32>} : memref<32x1024xf32, #tpu.memory_space<vmem>>, vector<16xf32>,
      %get3A_95 = arith.index_cast %scan3A_42 : i32 to index
      %get3A_96 = arith.constant 80 : index
      %get3A_97 = tpu.vector_load %arg9[%get3A_95, %get3A_96] {strides = array<i32>} : memref<32x1024xf32, #tpu.memory_space<vmem>>, vector<16xf32>,
      %add3A_98 = arith.addf %get3A_94, %get3A_97 : vector<16xf32>
      %swap3A_99 = arith.index_cast %scan3A_42 : i32 to index
      %swap3A_100 = arith.constant 80 : index
      %swap3A_101 = tpu.vector_load %arg8[%swap3A_99, %swap3A_100] {strides = array<i32>} : memref<32x1024xf32, #tpu.memory_space<vmem>>, vector<16xf32>,
      tpu.vector_store %arg8[%swap3A_99, %swap3A_100], %add3A_98 {strides = array<i32>} : memref<32x1024xf32, #tpu.memory_space<vmem>>, vector<16xf32>,
      %get3A_102 = arith.index_cast %scan3A_42 : i32 to index
      %get3A_103 = arith.constant 96 : index
      %get3A_104 = tpu.vector_load %arg8[%get3A_102, %get3A_103] {strides = array<i32>} : memref<32x1024xf32, #tpu.memory_space<vmem>>, vector<16xf32>,
      %get3A_105 = arith.index_cast %scan3A_42 : i32 to index
      %get3A_106 = arith.constant 96 : index
      %get3A_107 = tpu.vector_load %arg9[%get3A_105, %get3A_106] {strides = array<i32>} : memref<32x1024xf32, #tpu.memory_space<vmem>>, vector<16xf32>,
      %add3A_108 = arith.addf %get3A_104, %get3A_107 : vector<16xf32>
      %swap3A_109 = arith.index_cast %scan3A_42 : i32 to index
      %swap3A_110 = arith.constant 96 : index
      %swap3A_111 = tpu.vector_load %arg8[%swap3A_109, %swap3A_110] {strides = array<i32>} : memref<32x1024xf32, #tpu.memory_space<vmem>>, vector<16xf32>,
      tpu.vector_store %arg8[%swap3A_109, %swap3A_110], %add3A_108 {strides = array<i32>} : memref<32x1024xf32, #tpu.memory_space<vmem>>, vector<16xf32>,
      %get3A_112 = arith.index_cast %scan3A_42 : i32 to index
      %get3A_113 = arith.constant 112 : index
      %get3A_114 = tpu.vector_load %arg8[%get3A_112, %get3A_113] {strides = array<i32>} : memref<32x1024xf32, #tpu.memory_space<vmem>>, vector<16xf32>,
      %get3A_115 = arith.index_cast %scan3A_42 : i32 to index
      %get3A_116 = arith.constant 112 : index
      %get3A_117 = tpu.vector_load %arg9[%get3A_115, %get3A_116] {strides = array<i32>} : memref<32x1024xf32, #tpu.memory_space<vmem>>, vector<16xf32>,
      %add3A_118 = arith.addf %get3A_114, %get3A_117 : vector<16xf32>
      %swap3A_119 = arith.index_cast %scan3A_42 : i32 to index
      %swap3A_120 = arith.constant 112 : index
      %swap3A_121 = tpu.vector_load %arg8[%swap3A_119, %swap3A_120] {strides = array<i32>} : memref<32x1024xf32, #tpu.memory_space<vmem>>, vector<16xf32>,
      tpu.vector_store %arg8[%swap3A_119, %swap3A_120], %add3A_118 {strides = array<i32>} : memref<32x1024xf32, #tpu.memory_space<vmem>>, vector<16xf32>,
      %get3A_122 = arith.index_cast %scan3A_42 : i32 to index
      %get3A_123 = arith.constant 128 : index
      %get3A_124 = tpu.vector_load %arg8[%get3A_122, %get3A_123] {strides = array<i32>} : memref<32x1024xf32, #tpu.memory_space<vmem>>, vector<16xf32>,
      %get3A_125 = arith.index_cast %scan3A_42 : i32 to index
      %get3A_126 = arith.constant 128 : index
      %get3A_127 = tpu.vector_load %arg9[%get3A_125, %get3A_126] {strides = array<i32>} : memref<32x1024xf32, #tpu.memory_space<vmem>>, vector<16xf32>,
      %add3A_128 = arith.addf %get3A_124, %get3A_127 : vector<16xf32>
      %swap3A_129 = arith.index_cast %scan3A_42 : i32 to index
      %swap3A_130 = arith.constant 128 : index
      %swap3A_131 = tpu.vector_load %arg8[%swap3A_129, %swap3A_130] {strides = array<i32>} : memref<32x1024xf32, #tpu.memory_space<vmem>>, vector<16xf32>,
      tpu.vector_store %arg8[%swap3A_129, %swap3A_130], %add3A_128 {strides = array<i32>} : memref<32x1024xf32, #tpu.memory_space<vmem>>, vector<16xf32>,
      %get3A_132 = arith.index_cast %scan3A_42 : i32 to index
      %get3A_133 = arith.constant 144 : index
      %get3A_134 = tpu.vector_load %arg8[%get3A_132, %get3A_133] {strides = array<i32>} : memref<32x1024xf32, #tpu.memory_space<vmem>>, vector<16xf32>,
      %get3A_135 = arith.index_cast %scan3A_42 : i32 to index
      %get3A_136 = arith.constant 144 : index
      %get3A_137 = tpu.vector_load %arg9[%get3A_135, %get3A_136] {strides = array<i32>} : memref<32x1024xf32, #tpu.memory_space<vmem>>, vector<16xf32>,
      %add3A_138 = arith.addf %get3A_134, %get3A_137 : vector<16xf32>
      %swap3A_139 = arith.index_cast %scan3A_42 : i32 to index
      %swap3A_140 = arith.constant 144 : index
      %swap3A_141 = tpu.vector_load %arg8[%swap3A_139, %swap3A_140] {strides = array<i32>} : memref<32x1024xf32, #tpu.memory_space<vmem>>, vector<16xf32>,
      tpu.vector_store %arg8[%swap3A_139, %swap3A_140], %add3A_138 {strides = array<i32>} : memref<32x1024xf32, #tpu.memory_space<vmem>>, vector<16xf32>,
      %get3A_142 = arith.index_cast %scan3A_42 : i32 to index
      %get3A_143 = arith.constant 160 : index
      %get3A_144 = tpu.vector_load %arg8[%get3A_142, %get3A_143] {strides = array<i32>} : memref<32x1024xf32, #tpu.memory_space<vmem>>, vector<16xf32>,
      %get3A_145 = arith.index_cast %scan3A_42 : i32 to index
      %get3A_146 = arith.constant 160 : index
      %get3A_147 = tpu.vector_load %arg9[%get3A_145, %get3A_146] {strides = array<i32>} : memref<32x1024xf32, #tpu.memory_space<vmem>>, vector<16xf32>,
      %add3A_148 = arith.addf %get3A_144, %get3A_147 : vector<16xf32>
      %swap3A_149 = arith.index_cast %scan3A_42 : i32 to index
      %swap3A_150 = arith.constant 160 : index
      %swap3A_151 = tpu.vector_load %arg8[%swap3A_149, %swap3A_150] {strides = array<i32>} : memref<32x1024xf32, #tpu.memory_space<vmem>>, vector<16xf32>,
      tpu.vector_store %arg8[%swap3A_149, %swap3A_150], %add3A_148 {strides = array<i32>} : memref<32x1024xf32, #tpu.memory_space<vmem>>, vector<16xf32>,
      %get3A_152 = arith.index_cast %scan3A_42 : i32 to index
      %get3A_153 = arith.constant 176 : index
      %get3A_154 = tpu.vector_load %arg8[%get3A_152, %get3A_153] {strides = array<i32>} : memref<32x1024xf32, #tpu.memory_space<vmem>>, vector<16xf32>,
      %get3A_155 = arith.index_cast %scan3A_42 : i32 to index
      %get3A_156 = arith.constant 176 : index
      %get3A_157 = tpu.vector_load %arg9[%get3A_155, %get3A_156] {strides = array<i32>} : memref<32x1024xf32, #tpu.memory_space<vmem>>, vector<16xf32>,
      %add3A_158 = arith.addf %get3A_154, %get3A_157 : vector<16xf32>
      %swap3A_159 = arith.index_cast %scan3A_42 : i32 to index
      %swap3A_160 = arith.constant 176 : index
      %swap3A_161 = tpu.vector_load %arg8[%swap3A_159, %swap3A_160] {strides = array<i32>} : memref<32x1024xf32, #tpu.memory_space<vmem>>, vector<16xf32>,
      tpu.vector_store %arg8[%swap3A_159, %swap3A_160], %add3A_158 {strides = array<i32>} : memref<32x1024xf32, #tpu.memory_space<vmem>>, vector<16xf32>,
      %get3A_162 = arith.index_cast %scan3A_42 : i32 to index
      %get3A_163 = arith.constant 192 : index
      %get3A_164 = tpu.vector_load %arg8[%get3A_162, %get3A_163] {strides = array<i32>} : memref<32x1024xf32, #tpu.memory_space<vmem>>, vector<16xf32>,
      %get3A_165 = arith.index_cast %scan3A_42 : i32 to index
      %get3A_166 = arith.constant 192 : index
      %get3A_167 = tpu.vector_load %arg9[%get3A_165, %get3A_166] {strides = array<i32>} : memref<32x1024xf32, #tpu.memory_space<vmem>>, vector<16xf32>,
      %add3A_168 = arith.addf %get3A_164, %get3A_167 : vector<16xf32>
      %swap3A_169 = arith.index_cast %scan3A_42 : i32 to index
      %swap3A_170 = arith.constant 192 : index
      %swap3A_171 = tpu.vector_load %arg8[%swap3A_169, %swap3A_170] {strides = array<i32>} : memref<32x1024xf32, #tpu.memory_space<vmem>>, vector<16xf32>,
      tpu.vector_store %arg8[%swap3A_169, %swap3A_170], %add3A_168 {strides = array<i32>} : memref<32x1024xf32, #tpu.memory_space<vmem>>, vector<16xf32>,
      %get3A_172 = arith.index_cast %scan3A_42 : i32 to index
      %get3A_173 = arith.constant 208 : index
      %get3A_174 = tpu.vector_load %arg8[%get3A_172, %get3A_173] {strides = array<i32>} : memref<32x1024xf32, #tpu.memory_space<vmem>>, vector<16xf32>,
      %get3A_175 = arith.index_cast %scan3A_42 : i32 to index
      %get3A_176 = arith.constant 208 : index
      %get3A_177 = tpu.vector_load %arg9[%get3A_175, %get3A_176] {strides = array<i32>} : memref<32x1024xf32, #tpu.memory_space<vmem>>, vector<16xf32>,
      %add3A_178 = arith.addf %get3A_174, %get3A_177 : vector<16xf32>
      %swap3A_179 = arith.index_cast %scan3A_42 : i32 to index
      %swap3A_180 = arith.constant 208 : index
      %swap3A_181 = tpu.vector_load %arg8[%swap3A_179, %swap3A_180] {strides = array<i32>} : memref<32x1024xf32, #tpu.memory_space<vmem>>, vector<16xf32>,
      tpu.vector_store %arg8[%swap3A_179, %swap3A_180], %add3A_178 {strides = array<i32>} : memref<32x1024xf32, #tpu.memory_space<vmem>>, vector<16xf32>,
      %get3A_182 = arith.index_cast %scan3A_42 : i32 to index
      %get3A_183 = arith.constant 224 : index
      %get3A_184 = tpu.vector_load %arg8[%get3A_182, %get3A_183] {strides = array<i32>} : memref<32x1024xf32, #tpu.memory_space<vmem>>, vector<16xf32>,
      %get3A_185 = arith.index_cast %scan3A_42 : i32 to index
      %get3A_186 = arith.constant 224 : index
      %get3A_187 = tpu.vector_load %arg9[%get3A_185, %get3A_186] {strides = array<i32>} : memref<32x1024xf32, #tpu.memory_space<vmem>>, vector<16xf32>,
      %add3A_188 = arith.addf %get3A_184, %get3A_187 : vector<16xf32>
      %swap3A_189 = arith.index_cast %scan3A_42 : i32 to index
      %swap3A_190 = arith.constant 224 : index
      %swap3A_191 = tpu.vector_load %arg8[%swap3A_189, %swap3A_190] {strides = array<i32>} : memref<32x1024xf32, #tpu.memory_space<vmem>>, vector<16xf32>,
      tpu.vector_store %arg8[%swap3A_189, %swap3A_190], %add3A_188 {strides = array<i32>} : memref<32x1024xf32, #tpu.memory_space<vmem>>, vector<16xf32>,
      %get3A_192 = arith.index_cast %scan3A_42 : i32 to index
      %get3A_193 = arith.constant 240 : index
      %get3A_194 = tpu.vector_load %arg8[%get3A_192, %get3A_193] {strides = array<i32>} : memref<32x1024xf32, #tpu.memory_space<vmem>>, vector<16xf32>,
      %get3A_195 = arith.index_cast %scan3A_42 : i32 to index
      %get3A_196 = arith.constant 240 : index
      %get3A_197 = tpu.vector_load %arg9[%get3A_195, %get3A_196] {strides = array<i32>} : memref<32x1024xf32, #tpu.memory_space<vmem>>, vector<16xf32>,
      %add3A_198 = arith.addf %get3A_194, %get3A_197 : vector<16xf32>
      %swap3A_199 = arith.index_cast %scan3A_42 : i32 to index
      %swap3A_200 = arith.constant 240 : index
      %swap3A_201 = tpu.vector_load %arg8[%swap3A_199, %swap3A_200] {strides = array<i32>} : memref<32x1024xf32, #tpu.memory_space<vmem>>, vector<16xf32>,
      tpu.vector_store %arg8[%swap3A_199, %swap3A_200], %add3A_198 {strides = array<i32>} : memref<32x1024xf32, #tpu.memory_space<vmem>>, vector<16xf32>,
      %get3A_202 = arith.index_cast %scan3A_42 : i32 to index
      %get3A_203 = arith.constant 256 : index
      %get3A_204 = tpu.vector_load %arg8[%get3A_202, %get3A_203] {strides = array<i32>} : memref<32x1024xf32, #tpu.memory_space<vmem>>, vector<16xf32>,
      %get3A_205 = arith.index_cast %scan3A_42 : i32 to index
      %get3A_206 = arith.constant 256 : index
      %get3A_207 = tpu.vector_load %arg9[%get3A_205, %get3A_206] {strides = array<i32>} : memref<32x1024xf32, #tpu.memory_space<vmem>>, vector<16xf32>,
      %add3A_208 = arith.addf %get3A_204, %get3A_207 : vector<16xf32>
      %swap3A_209 = arith.index_cast %scan3A_42 : i32 to index
      %swap3A_210 = arith.constant 256 : index
      %swap3A_211 = tpu.vector_load %arg8[%swap3A_209, %swap3A_210] {strides = array<i32>} : memref<32x1024xf32, #tpu.memory_space<vmem>>, vector<16xf32>,
      tpu.vector_store %arg8[%swap3A_209, %swap3A_210], %add3A_208 {strides = array<i32>} : memref<32x1024xf32, #tpu.memory_space<vmem>>, vector<16xf32>,
      %get3A_212 = arith.index_cast %scan3A_42 : i32 to index
      %get3A_213 = arith.constant 272 : index
      %get3A_214 = tpu.vector_load %arg8[%get3A_212, %get3A_213] {strides = array<i32>} : memref<32x1024xf32, #tpu.memory_space<vmem>>, vector<16xf32>,
      %get3A_215 = arith.index_cast %scan3A_42 : i32 to index
      %get3A_216 = arith.constant 272 : index
      %get3A_217 = tpu.vector_load %arg9[%get3A_215, %get3A_216] {strides = array<i32>} : memref<32x1024xf32, #tpu.memory_space<vmem>>, vector<16xf32>,
      %add3A_218 = arith.addf %get3A_214, %get3A_217 : vector<16xf32>
      %swap3A_219 = arith.index_cast %scan3A_42 : i32 to index
      %swap3A_220 = arith.constant 272 : index
      %swap3A_221 = tpu.vector_load %arg8[%swap3A_219, %swap3A_220] {strides = array<i32>} : memref<32x1024xf32, #tpu.memory_space<vmem>>, vector<16xf32>,
      tpu.vector_store %arg8[%swap3A_219, %swap3A_220], %add3A_218 {strides = array<i32>} : memref<32x1024xf32, #tpu.memory_space<vmem>>, vector<16xf32>,
      %get3A_222 = arith.index_cast %scan3A_42 : i32 to index
      %get3A_223 = arith.constant 288 : index
      %get3A_224 = tpu.vector_load %arg8[%get3A_222, %get3A_223] {strides = array<i32>} : memref<32x1024xf32, #tpu.memory_space<vmem>>, vector<16xf32>,
      %get3A_225 = arith.index_cast %scan3A_42 : i32 to index
      %get3A_226 = arith.constant 288 : index
      %get3A_227 = tpu.vector_load %arg9[%get3A_225, %get3A_226] {strides = array<i32>} : memref<32x1024xf32, #tpu.memory_space<vmem>>, vector<16xf32>,
      %add3A_228 = arith.addf %get3A_224, %get3A_227 : vector<16xf32>
      %swap3A_229 = arith.index_cast %scan3A_42 : i32 to index
      %swap3A_230 = arith.constant 288 : index
      %swap3A_231 = tpu.vector_load %arg8[%swap3A_229, %swap3A_230] {strides = array<i32>} : memref<32x1024xf32, #tpu.memory_space<vmem>>, vector<16xf32>,
      tpu.vector_store %arg8[%swap3A_229, %swap3A_230], %add3A_228 {strides = array<i32>} : memref<32x1024xf32, #tpu.memory_space<vmem>>, vector<16xf32>,
      %get3A_232 = arith.index_cast %scan3A_42 : i32 to index
      %get3A_233 = arith.constant 304 : index
      %get3A_234 = tpu.vector_load %arg8[%get3A_232, %get3A_233] {strides = array<i32>} : memref<32x1024xf32, #tpu.memory_space<vmem>>, vector<16xf32>,
      %get3A_235 = arith.index_cast %scan3A_42 : i32 to index
      %get3A_236 = arith.constant 304 : index
      %get3A_237 = tpu.vector_load %arg9[%get3A_235, %get3A_236] {strides = array<i32>} : memref<32x1024xf32, #tpu.memory_space<vmem>>, vector<16xf32>,
      %add3A_238 = arith.addf %get3A_234, %get3A_237 : vector<16xf32>
      %swap3A_239 = arith.index_cast %scan3A_42 : i32 to index
      %swap3A_240 = arith.constant 304 : index
      %swap3A_241 = tpu.vector_load %arg8[%swap3A_239, %swap3A_240] {strides = array<i32>} : memref<32x1024xf32, #tpu.memory_space<vmem>>, vector<16xf32>,
      tpu.vector_store %arg8[%swap3A_239, %swap3A_240], %add3A_238 {strides = array<i32>} : memref<32x1024xf32, #tpu.memory_space<vmem>>, vector<16xf32>,
      %get3A_242 = arith.index_cast %scan3A_42 : i32 to index
      %get3A_243 = arith.constant 320 : index
      %get3A_244 = tpu.vector_load %arg8[%get3A_242, %get3A_243] {strides = array<i32>} : memref<32x1024xf32, #tpu.memory_space<vmem>>, vector<16xf32>,
      %get3A_245 = arith.index_cast %scan3A_42 : i32 to index
      %get3A_246 = arith.constant 320 : index
      %get3A_247 = tpu.vector_load %arg9[%get3A_245, %get3A_246] {strides = array<i32>} : memref<32x1024xf32, #tpu.memory_space<vmem>>, vector<16xf32>,
      %add3A_248 = arith.addf %get3A_244, %get3A_247 : vector<16xf32>
      %swap3A_249 = arith.index_cast %scan3A_42 : i32 to index
      %swap3A_250 = arith.constant 320 : index
      %swap3A_251 = tpu.vector_load %arg8[%swap3A_249, %swap3A_250] {strides = array<i32>} : memref<32x1024xf32, #tpu.memory_space<vmem>>, vector<16xf32>,
      tpu.vector_store %arg8[%swap3A_249, %swap3A_250], %add3A_248 {strides = array<i32>} : memref<32x1024xf32, #tpu.memory_space<vmem>>, vector<16xf32>,
      %get3A_252 = arith.index_cast %scan3A_42 : i32 to index
      %get3A_253 = arith.constant 336 : index
      %get3A_254 = tpu.vector_load %arg8[%get3A_252, %get3A_253] {strides = array<i32>} : memref<32x1024xf32, #tpu.memory_space<vmem>>, vector<16xf32>,
      %get3A_255 = arith.index_cast %scan3A_42 : i32 to index
      %get3A_256 = arith.constant 336 : index
      %get3A_257 = tpu.vector_load %arg9[%get3A_255, %get3A_256] {strides = array<i32>} : memref<32x1024xf32, #tpu.memory_space<vmem>>, vector<16xf32>,
      %add3A_258 = arith.addf %get3A_254, %get3A_257 : vector<16xf32>
      %swap3A_259 = arith.index_cast %scan3A_42 : i32 to index
      %swap3A_260 = arith.constant 336 : index
      %swap3A_261 = tpu.vector_load %arg8[%swap3A_259, %swap3A_260] {strides = array<i32>} : memref<32x1024xf32, #tpu.memory_space<vmem>>, vector<16xf32>,
      tpu.vector_store %arg8[%swap3A_259, %swap3A_260], %add3A_258 {strides = array<i32>} : memref<32x1024xf32, #tpu.memory_space<vmem>>, vector<16xf32>,
      %get3A_262 = arith.index_cast %scan3A_42 : i32 to index
      %get3A_263 = arith.constant 352 : index
      %get3A_264 = tpu.vector_load %arg8[%get3A_262, %get3A_263] {strides = array<i32>} : memref<32x1024xf32, #tpu.memory_space<vmem>>, vector<16xf32>,
      %get3A_265 = arith.index_cast %scan3A_42 : i32 to index
      %get3A_266 = arith.constant 352 : index
      %get3A_267 = tpu.vector_load %arg9[%get3A_265, %get3A_266] {strides = array<i32>} : memref<32x1024xf32, #tpu.memory_space<vmem>>, vector<16xf32>,
      %add3A_268 = arith.addf %get3A_264, %get3A_267 : vector<16xf32>
      %swap3A_269 = arith.index_cast %scan3A_42 : i32 to index
      %swap3A_270 = arith.constant 352 : index
      %swap3A_271 = tpu.vector_load %arg8[%swap3A_269, %swap3A_270] {strides = array<i32>} : memref<32x1024xf32, #tpu.memory_space<vmem>>, vector<16xf32>,
      tpu.vector_store %arg8[%swap3A_269, %swap3A_270], %add3A_268 {strides = array<i32>} : memref<32x1024xf32, #tpu.memory_space<vmem>>, vector<16xf32>,
      %get3A_272 = arith.index_cast %scan3A_42 : i32 to index
      %get3A_273 = arith.constant 368 : index
      %get3A_274 = tpu.vector_load %arg8[%get3A_272, %get3A_273] {strides = array<i32>} : memref<32x1024xf32, #tpu.memory_space<vmem>>, vector<16xf32>,
      %get3A_275 = arith.index_cast %scan3A_42 : i32 to index
      %get3A_276 = arith.constant 368 : index
      %get3A_277 = tpu.vector_load %arg9[%get3A_275, %get3A_276] {strides = array<i32>} : memref<32x1024xf32, #tpu.memory_space<vmem>>, vector<16xf32>,
      %add3A_278 = arith.addf %get3A_274, %get3A_277 : vector<16xf32>
      %swap3A_279 = arith.index_cast %scan3A_42 : i32 to index
      %swap3A_280 = arith.constant 368 : index
      %swap3A_281 = tpu.vector_load %arg8[%swap3A_279, %swap3A_280] {strides = array<i32>} : memref<32x1024xf32, #tpu.memory_space<vmem>>, vector<16xf32>,
      tpu.vector_store %arg8[%swap3A_279, %swap3A_280], %add3A_278 {strides = array<i32>} : memref<32x1024xf32, #tpu.memory_space<vmem>>, vector<16xf32>,
      %get3A_282 = arith.index_cast %scan3A_42 : i32 to index
      %get3A_283 = arith.constant 384 : index
      %get3A_284 = tpu.vector_load %arg8[%get3A_282, %get3A_283] {strides = array<i32>} : memref<32x1024xf32, #tpu.memory_space<vmem>>, vector<16xf32>,
      %get3A_285 = arith.index_cast %scan3A_42 : i32 to index
      %get3A_286 = arith.constant 384 : index
      %get3A_287 = tpu.vector_load %arg9[%get3A_285, %get3A_286] {strides = array<i32>} : memref<32x1024xf32, #tpu.memory_space<vmem>>, vector<16xf32>,
      %add3A_288 = arith.addf %get3A_284, %get3A_287 : vector<16xf32>
      %swap3A_289 = arith.index_cast %scan3A_42 : i32 to index
      %swap3A_290 = arith.constant 384 : index
      %swap3A_291 = tpu.vector_load %arg8[%swap3A_289, %swap3A_290] {strides = array<i32>} : memref<32x1024xf32, #tpu.memory_space<vmem>>, vector<16xf32>,
      tpu.vector_store %arg8[%swap3A_289, %swap3A_290], %add3A_288 {strides = array<i32>} : memref<32x1024xf32, #tpu.memory_space<vmem>>, vector<16xf32>,
      %get3A_292 = arith.index_cast %scan3A_42 : i32 to index
      %get3A_293 = arith.constant 400 : index
      %get3A_294 = tpu.vector_load %arg8[%get3A_292, %get3A_293] {strides = array<i32>} : memref<32x1024xf32, #tpu.memory_space<vmem>>, vector<16xf32>,
      %get3A_295 = arith.index_cast %scan3A_42 : i32 to index
      %get3A_296 = arith.constant 400 : index
      %get3A_297 = tpu.vector_load %arg9[%get3A_295, %get3A_296] {strides = array<i32>} : memref<32x1024xf32, #tpu.memory_space<vmem>>, vector<16xf32>,
      %add3A_298 = arith.addf %get3A_294, %get3A_297 : vector<16xf32>
      %swap3A_299 = arith.index_cast %scan3A_42 : i32 to index
      %swap3A_300 = arith.constant 400 : index
      %swap3A_301 = tpu.vector_load %arg8[%swap3A_299, %swap3A_300] {strides = array<i32>} : memref<32x1024xf32, #tpu.memory_space<vmem>>, vector<16xf32>,
      tpu.vector_store %arg8[%swap3A_299, %swap3A_300], %add3A_298 {strides = array<i32>} : memref<32x1024xf32, #tpu.memory_space<vmem>>, vector<16xf32>,
      %get3A_302 = arith.index_cast %scan3A_42 : i32 to index
      %get3A_303 = arith.constant 416 : index
      %get3A_304 = tpu.vector_load %arg8[%get3A_302, %get3A_303] {strides = array<i32>} : memref<32x1024xf32, #tpu.memory_space<vmem>>, vector<16xf32>,
      %get3A_305 = arith.index_cast %scan3A_42 : i32 to index
      %get3A_306 = arith.constant 416 : index
      %get3A_307 = tpu.vector_load %arg9[%get3A_305, %get3A_306] {strides = array<i32>} : memref<32x1024xf32, #tpu.memory_space<vmem>>, vector<16xf32>,
      %add3A_308 = arith.addf %get3A_304, %get3A_307 : vector<16xf32>
      %swap3A_309 = arith.index_cast %scan3A_42 : i32 to index
      %swap3A_310 = arith.constant 416 : index
      %swap3A_311 = tpu.vector_load %arg8[%swap3A_309, %swap3A_310] {strides = array<i32>} : memref<32x1024xf32, #tpu.memory_space<vmem>>, vector<16xf32>,
      tpu.vector_store %arg8[%swap3A_309, %swap3A_310], %add3A_308 {strides = array<i32>} : memref<32x1024xf32, #tpu.memory_space<vmem>>, vector<16xf32>,
      %get3A_312 = arith.index_cast %scan3A_42 : i32 to index
      %get3A_313 = arith.constant 432 : index
      %get3A_314 = tpu.vector_load %arg8[%get3A_312, %get3A_313] {strides = array<i32>} : memref<32x1024xf32, #tpu.memory_space<vmem>>, vector<16xf32>,
      %get3A_315 = arith.index_cast %scan3A_42 : i32 to index
      %get3A_316 = arith.constant 432 : index
      %get3A_317 = tpu.vector_load %arg9[%get3A_315, %get3A_316] {strides = array<i32>} : memref<32x1024xf32, #tpu.memory_space<vmem>>, vector<16xf32>,
      %add3A_318 = arith.addf %get3A_314, %get3A_317 : vector<16xf32>
      %swap3A_319 = arith.index_cast %scan3A_42 : i32 to index
      %swap3A_320 = arith.constant 432 : index
      %swap3A_321 = tpu.vector_load %arg8[%swap3A_319, %swap3A_320] {strides = array<i32>} : memref<32x1024xf32, #tpu.memory_space<vmem>>, vector<16xf32>,
      tpu.vector_store %arg8[%swap3A_319, %swap3A_320], %add3A_318 {strides = array<i32>} : memref<32x1024xf32, #tpu.memory_space<vmem>>, vector<16xf32>,
      %get3A_322 = arith.index_cast %scan3A_42 : i32 to index
      %get3A_323 = arith.constant 448 : index
      %get3A_324 = tpu.vector_load %arg8[%get3A_322, %get3A_323] {strides = array<i32>} : memref<32x1024xf32, #tpu.memory_space<vmem>>, vector<16xf32>,
      %get3A_325 = arith.index_cast %scan3A_42 : i32 to index
      %get3A_326 = arith.constant 448 : index
      %get3A_327 = tpu.vector_load %arg9[%get3A_325, %get3A_326] {strides = array<i32>} : memref<32x1024xf32, #tpu.memory_space<vmem>>, vector<16xf32>,
      %add3A_328 = arith.addf %get3A_324, %get3A_327 : vector<16xf32>
      %swap3A_329 = arith.index_cast %scan3A_42 : i32 to index
      %swap3A_330 = arith.constant 448 : index
      %swap3A_331 = tpu.vector_load %arg8[%swap3A_329, %swap3A_330] {strides = array<i32>} : memref<32x1024xf32, #tpu.memory_space<vmem>>, vector<16xf32>,
      tpu.vector_store %arg8[%swap3A_329, %swap3A_330], %add3A_328 {strides = array<i32>} : memref<32x1024xf32, #tpu.memory_space<vmem>>, vector<16xf32>,
      %get3A_332 = arith.index_cast %scan3A_42 : i32 to index
      %get3A_333 = arith.constant 464 : index
      %get3A_334 = tpu.vector_load %arg8[%get3A_332, %get3A_333] {strides = array<i32>} : memref<32x1024xf32, #tpu.memory_space<vmem>>, vector<16xf32>,
      %get3A_335 = arith.index_cast %scan3A_42 : i32 to index
      %get3A_336 = arith.constant 464 : index
      %get3A_337 = tpu.vector_load %arg9[%get3A_335, %get3A_336] {strides = array<i32>} : memref<32x1024xf32, #tpu.memory_space<vmem>>, vector<16xf32>,
      %add3A_338 = arith.addf %get3A_334, %get3A_337 : vector<16xf32>
      %swap3A_339 = arith.index_cast %scan3A_42 : i32 to index
      %swap3A_340 = arith.constant 464 : index
      %swap3A_341 = tpu.vector_load %arg8[%swap3A_339, %swap3A_340] {strides = array<i32>} : memref<32x1024xf32, #tpu.memory_space<vmem>>, vector<16xf32>,
      tpu.vector_store %arg8[%swap3A_339, %swap3A_340], %add3A_338 {strides = array<i32>} : memref<32x1024xf32, #tpu.memory_space<vmem>>, vector<16xf32>,
      %get3A_342 = arith.index_cast %scan3A_42 : i32 to index
      %get3A_343 = arith.constant 480 : index
      %get3A_344 = tpu.vector_load %arg8[%get3A_342, %get3A_343] {strides = array<i32>} : memref<32x1024xf32, #tpu.memory_space<vmem>>, vector<16xf32>,
      %get3A_345 = arith.index_cast %scan3A_42 : i32 to index
      %get3A_346 = arith.constant 480 : index
      %get3A_347 = tpu.vector_load %arg9[%get3A_345, %get3A_346] {strides = array<i32>} : memref<32x1024xf32, #tpu.memory_space<vmem>>, vector<16xf32>,
      %add3A_348 = arith.addf %get3A_344, %get3A_347 : vector<16xf32>
      %swap3A_349 = arith.index_cast %scan3A_42 : i32 to index
      %swap3A_350 = arith.constant 480 : index
      %swap3A_351 = tpu.vector_load %arg8[%swap3A_349, %swap3A_350] {strides = array<i32>} : memref<32x1024xf32, #tpu.memory_space<vmem>>, vector<16xf32>,
      tpu.vector_store %arg8[%swap3A_349, %swap3A_350], %add3A_348 {strides = array<i32>} : memref<32x1024xf32, #tpu.memory_space<vmem>>, vector<16xf32>,
      %get3A_352 = arith.index_cast %scan3A_42 : i32 to index
      %get3A_353 = arith.constant 496 : index
      %get3A_354 = tpu.vector_load %arg8[%get3A_352, %get3A_353] {strides = array<i32>} : memref<32x1024xf32, #tpu.memory_space<vmem>>, vector<16xf32>,
      %get3A_355 = arith.index_cast %scan3A_42 : i32 to index
      %get3A_356 = arith.constant 496 : index
      %get3A_357 = tpu.vector_load %arg9[%get3A_355, %get3A_356] {strides = array<i32>} : memref<32x1024xf32, #tpu.memory_space<vmem>>, vector<16xf32>,
      %add3A_358 = arith.addf %get3A_354, %get3A_357 : vector<16xf32>
      %swap3A_359 = arith.index_cast %scan3A_42 : i32 to index
      %swap3A_360 = arith.constant 496 : index
      %swap3A_361 = tpu.vector_load %arg8[%swap3A_359, %swap3A_360] {strides = array<i32>} : memref<32x1024xf32, #tpu.memory_space<vmem>>, vector<16xf32>,
      tpu.vector_store %arg8[%swap3A_359, %swap3A_360], %add3A_358 {strides = array<i32>} : memref<32x1024xf32, #tpu.memory_space<vmem>>, vector<16xf32>,
      %get3A_362 = arith.index_cast %scan3A_42 : i32 to index
      %get3A_363 = arith.constant 512 : index
      %get3A_364 = tpu.vector_load %arg8[%get3A_362, %get3A_363] {strides = array<i32>} : memref<32x1024xf32, #tpu.memory_space<vmem>>, vector<16xf32>,
      %get3A_365 = arith.index_cast %scan3A_42 : i32 to index
      %get3A_366 = arith.constant 512 : index
      %get3A_367 = tpu.vector_load %arg9[%get3A_365, %get3A_366] {strides = array<i32>} : memref<32x1024xf32, #tpu.memory_space<vmem>>, vector<16xf32>,
      %add3A_368 = arith.addf %get3A_364, %get3A_367 : vector<16xf32>
      %swap3A_369 = arith.index_cast %scan3A_42 : i32 to index
      %swap3A_370 = arith.constant 512 : index
      %swap3A_371 = tpu.vector_load %arg8[%swap3A_369, %swap3A_370] {strides = array<i32>} : memref<32x1024xf32, #tpu.memory_space<vmem>>, vector<16xf32>,
      tpu.vector_store %arg8[%swap3A_369, %swap3A_370], %add3A_368 {strides = array<i32>} : memref<32x1024xf32, #tpu.memory_space<vmem>>, vector<16xf32>,
      %get3A_372 = arith.index_cast %scan3A_42 : i32 to index
      %get3A_373 = arith.constant 528 : index
      %get3A_374 = tpu.vector_load %arg8[%get3A_372, %get3A_373] {strides = array<i32>} : memref<32x1024xf32, #tpu.memory_space<vmem>>, vector<16xf32>,
      %get3A_375 = arith.index_cast %scan3A_42 : i32 to index
      %get3A_376 = arith.constant 528 : index
      %get3A_377 = tpu.vector_load %arg9[%get3A_375, %get3A_376] {strides = array<i32>} : memref<32x1024xf32, #tpu.memory_space<vmem>>, vector<16xf32>,
      %add3A_378 = arith.addf %get3A_374, %get3A_377 : vector<16xf32>
      %swap3A_379 = arith.index_cast %scan3A_42 : i32 to index
      %swap3A_380 = arith.constant 528 : index
      %swap3A_381 = tpu.vector_load %arg8[%swap3A_379, %swap3A_380] {strides = array<i32>} : memref<32x1024xf32, #tpu.memory_space<vmem>>, vector<16xf32>,
      tpu.vector_store %arg8[%swap3A_379, %swap3A_380], %add3A_378 {strides = array<i32>} : memref<32x1024xf32, #tpu.memory_space<vmem>>, vector<16xf32>,
      %get3A_382 = arith.index_cast %scan3A_42 : i32 to index
      %get3A_383 = arith.constant 544 : index
      %get3A_384 = tpu.vector_load %arg8[%get3A_382, %get3A_383] {strides = array<i32>} : memref<32x1024xf32, #tpu.memory_space<vmem>>, vector<16xf32>,
      %get3A_385 = arith.index_cast %scan3A_42 : i32 to index
      %get3A_386 = arith.constant 544 : index
      %get3A_387 = tpu.vector_load %arg9[%get3A_385, %get3A_386] {strides = array<i32>} : memref<32x1024xf32, #tpu.memory_space<vmem>>, vector<16xf32>,
      %add3A_388 = arith.addf %get3A_384, %get3A_387 : vector<16xf32>
      %swap3A_389 = arith.index_cast %scan3A_42 : i32 to index
      %swap3A_390 = arith.constant 544 : index
      %swap3A_391 = tpu.vector_load %arg8[%swap3A_389, %swap3A_390] {strides = array<i32>} : memref<32x1024xf32, #tpu.memory_space<vmem>>, vector<16xf32>,
      tpu.vector_store %arg8[%swap3A_389, %swap3A_390], %add3A_388 {strides = array<i32>} : memref<32x1024xf32, #tpu.memory_space<vmem>>, vector<16xf32>,
      %get3A_392 = arith.index_cast %scan3A_42 : i32 to index
      %get3A_393 = arith.constant 560 : index
      %get3A_394 = tpu.vector_load %arg8[%get3A_392, %get3A_393] {strides = array<i32>} : memref<32x1024xf32, #tpu.memory_space<vmem>>, vector<16xf32>,
      %get3A_395 = arith.index_cast %scan3A_42 : i32 to index
      %get3A_396 = arith.constant 560 : index
      %get3A_397 = tpu.vector_load %arg9[%get3A_395, %get3A_396] {strides = array<i32>} : memref<32x1024xf32, #tpu.memory_space<vmem>>, vector<16xf32>,
      %add3A_398 = arith.addf %get3A_394, %get3A_397 : vector<16xf32>
      %swap3A_399 = arith.index_cast %scan3A_42 : i32 to index
      %swap3A_400 = arith.constant 560 : index
      %swap3A_401 = tpu.vector_load %arg8[%swap3A_399, %swap3A_400] {strides = array<i32>} : memref<32x1024xf32, #tpu.memory_space<vmem>>, vector<16xf32>,
      tpu.vector_store %arg8[%swap3A_399, %swap3A_400], %add3A_398 {strides = array<i32>} : memref<32x1024xf32, #tpu.memory_space<vmem>>, vector<16xf32>,
      %get3A_402 = arith.index_cast %scan3A_42 : i32 to index
      %get3A_403 = arith.constant 576 : index
      %get3A_404 = tpu.vector_load %arg8[%get3A_402, %get3A_403] {strides = array<i32>} : memref<32x1024xf32, #tpu.memory_space<vmem>>, vector<16xf32>,
      %get3A_405 = arith.index_cast %scan3A_42 : i32 to index
      %get3A_406 = arith.constant 576 : index
      %get3A_407 = tpu.vector_load %arg9[%get3A_405, %get3A_406] {strides = array<i32>} : memref<32x1024xf32, #tpu.memory_space<vmem>>, vector<16xf32>,
      %add3A_408 = arith.addf %get3A_404, %get3A_407 : vector<16xf32>
      %swap3A_409 = arith.index_cast %scan3A_42 : i32 to index
      %swap3A_410 = arith.constant 576 : index
      %swap3A_411 = tpu.vector_load %arg8[%swap3A_409, %swap3A_410] {strides = array<i32>} : memref<32x1024xf32, #tpu.memory_space<vmem>>, vector<16xf32>,
      tpu.vector_store %arg8[%swap3A_409, %swap3A_410], %add3A_408 {strides = array<i32>} : memref<32x1024xf32, #tpu.memory_space<vmem>>, vector<16xf32>,
      %get3A_412 = arith.index_cast %scan3A_42 : i32 to index
      %get3A_413 = arith.constant 592 : index
      %get3A_414 = tpu.vector_load %arg8[%get3A_412, %get3A_413] {strides = array<i32>} : memref<32x1024xf32, #tpu.memory_space<vmem>>, vector<16xf32>,
      %get3A_415 = arith.index_cast %scan3A_42 : i32 to index
      %get3A_416 = arith.constant 592 : index
      %get3A_417 = tpu.vector_load %arg9[%get3A_415, %get3A_416] {strides = array<i32>} : memref<32x1024xf32, #tpu.memory_space<vmem>>, vector<16xf32>,
      %add3A_418 = arith.addf %get3A_414, %get3A_417 : vector<16xf32>
      %swap3A_419 = arith.index_cast %scan3A_42 : i32 to index
      %swap3A_420 = arith.constant 592 : index
      %swap3A_421 = tpu.vector_load %arg8[%swap3A_419, %swap3A_420] {strides = array<i32>} : memref<32x1024xf32, #tpu.memory_space<vmem>>, vector<16xf32>,
      tpu.vector_store %arg8[%swap3A_419, %swap3A_420], %add3A_418 {strides = array<i32>} : memref<32x1024xf32, #tpu.memory_space<vmem>>, vector<16xf32>,
      %get3A_422 = arith.index_cast %scan3A_42 : i32 to index
      %get3A_423 = arith.constant 608 : index
      %get3A_424 = tpu.vector_load %arg8[%get3A_422, %get3A_423] {strides = array<i32>} : memref<32x1024xf32, #tpu.memory_space<vmem>>, vector<16xf32>,
      %get3A_425 = arith.index_cast %scan3A_42 : i32 to index
      %get3A_426 = arith.constant 608 : index
      %get3A_427 = tpu.vector_load %arg9[%get3A_425, %get3A_426] {strides = array<i32>} : memref<32x1024xf32, #tpu.memory_space<vmem>>, vector<16xf32>,
      %add3A_428 = arith.addf %get3A_424, %get3A_427 : vector<16xf32>
      %swap3A_429 = arith.index_cast %scan3A_42 : i32 to index
      %swap3A_430 = arith.constant 608 : index
      %swap3A_431 = tpu.vector_load %arg8[%swap3A_429, %swap3A_430] {strides = array<i32>} : memref<32x1024xf32, #tpu.memory_space<vmem>>, vector<16xf32>,
      tpu.vector_store %arg8[%swap3A_429, %swap3A_430], %add3A_428 {strides = array<i32>} : memref<32x1024xf32, #tpu.memory_space<vmem>>, vector<16xf32>,
      %get3A_432 = arith.index_cast %scan3A_42 : i32 to index
      %get3A_433 = arith.constant 624 : index
      %get3A_434 = tpu.vector_load %arg8[%get3A_432, %get3A_433] {strides = array<i32>} : memref<32x1024xf32, #tpu.memory_space<vmem>>, vector<16xf32>,
      %get3A_435 = arith.index_cast %scan3A_42 : i32 to index
      %get3A_436 = arith.constant 624 : index
      %get3A_437 = tpu.vector_load %arg9[%get3A_435, %get3A_436] {strides = array<i32>} : memref<32x1024xf32, #tpu.memory_space<vmem>>, vector<16xf32>,
      %add3A_438 = arith.addf %get3A_434, %get3A_437 : vector<16xf32>
      %swap3A_439 = arith.index_cast %scan3A_42 : i32 to index
      %swap3A_440 = arith.constant 624 : index
      %swap3A_441 = tpu.vector_load %arg8[%swap3A_439, %swap3A_440] {strides = array<i32>} : memref<32x1024xf32, #tpu.memory_space<vmem>>, vector<16xf32>,
      tpu.vector_store %arg8[%swap3A_439, %swap3A_440], %add3A_438 {strides = array<i32>} : memref<32x1024xf32, #tpu.memory_space<vmem>>, vector<16xf32>,
      %get3A_442 = arith.index_cast %scan3A_42 : i32 to index
      %get3A_443 = arith.constant 640 : index
      %get3A_444 = tpu.vector_load %arg8[%get3A_442, %get3A_443] {strides = array<i32>} : memref<32x1024xf32, #tpu.memory_space<vmem>>, vector<16xf32>,
      %get3A_445 = arith.index_cast %scan3A_42 : i32 to index
      %get3A_446 = arith.constant 640 : index
      %get3A_447 = tpu.vector_load %arg9[%get3A_445, %get3A_446] {strides = array<i32>} : memref<32x1024xf32, #tpu.memory_space<vmem>>, vector<16xf32>,
      %add3A_448 = arith.addf %get3A_444, %get3A_447 : vector<16xf32>
      %swap3A_449 = arith.index_cast %scan3A_42 : i32 to index
      %swap3A_450 = arith.constant 640 : index
      %swap3A_451 = tpu.vector_load %arg8[%swap3A_449, %swap3A_450] {strides = array<i32>} : memref<32x1024xf32, #tpu.memory_space<vmem>>, vector<16xf32>,
      tpu.vector_store %arg8[%swap3A_449, %swap3A_450], %add3A_448 {strides = array<i32>} : memref<32x1024xf32, #tpu.memory_space<vmem>>, vector<16xf32>,
      %get3A_452 = arith.index_cast %scan3A_42 : i32 to index
      %get3A_453 = arith.constant 656 : index
      %get3A_454 = tpu.vector_load %arg8[%get3A_452, %get3A_453] {strides = array<i32>} : memref<32x1024xf32, #tpu.memory_space<vmem>>, vector<16xf32>,
      %get3A_455 = arith.index_cast %scan3A_42 : i32 to index
      %get3A_456 = arith.constant 656 : index
      %get3A_457 = tpu.vector_load %arg9[%get3A_455, %get3A_456] {strides = array<i32>} : memref<32x1024xf32, #tpu.memory_space<vmem>>, vector<16xf32>,
      %add3A_458 = arith.addf %get3A_454, %get3A_457 : vector<16xf32>
      %swap3A_459 = arith.index_cast %scan3A_42 : i32 to index
      %swap3A_460 = arith.constant 656 : index
      %swap3A_461 = tpu.vector_load %arg8[%swap3A_459, %swap3A_460] {strides = array<i32>} : memref<32x1024xf32, #tpu.memory_space<vmem>>, vector<16xf32>,
      tpu.vector_store %arg8[%swap3A_459, %swap3A_460], %add3A_458 {strides = array<i32>} : memref<32x1024xf32, #tpu.memory_space<vmem>>, vector<16xf32>,
      %get3A_462 = arith.index_cast %scan3A_42 : i32 to index
      %get3A_463 = arith.constant 672 : index
      %get3A_464 = tpu.vector_load %arg8[%get3A_462, %get3A_463] {strides = array<i32>} : memref<32x1024xf32, #tpu.memory_space<vmem>>, vector<16xf32>,
      %get3A_465 = arith.index_cast %scan3A_42 : i32 to index
      %get3A_466 = arith.constant 672 : index
      %get3A_467 = tpu.vector_load %arg9[%get3A_465, %get3A_466] {strides = array<i32>} : memref<32x1024xf32, #tpu.memory_space<vmem>>, vector<16xf32>,
      %add3A_468 = arith.addf %get3A_464, %get3A_467 : vector<16xf32>
      %swap3A_469 = arith.index_cast %scan3A_42 : i32 to index
      %swap3A_470 = arith.constant 672 : index
      %swap3A_471 = tpu.vector_load %arg8[%swap3A_469, %swap3A_470] {strides = array<i32>} : memref<32x1024xf32, #tpu.memory_space<vmem>>, vector<16xf32>,
      tpu.vector_store %arg8[%swap3A_469, %swap3A_470], %add3A_468 {strides = array<i32>} : memref<32x1024xf32, #tpu.memory_space<vmem>>, vector<16xf32>,
      %get3A_472 = arith.index_cast %scan3A_42 : i32 to index
      %get3A_473 = arith.constant 688 : index
      %get3A_474 = tpu.vector_load %arg8[%get3A_472, %get3A_473] {strides = array<i32>} : memref<32x1024xf32, #tpu.memory_space<vmem>>, vector<16xf32>,
      %get3A_475 = arith.index_cast %scan3A_42 : i32 to index
      %get3A_476 = arith.constant 688 : index
      %get3A_477 = tpu.vector_load %arg9[%get3A_475, %get3A_476] {strides = array<i32>} : memref<32x1024xf32, #tpu.memory_space<vmem>>, vector<16xf32>,
      %add3A_478 = arith.addf %get3A_474, %get3A_477 : vector<16xf32>
      %swap3A_479 = arith.index_cast %scan3A_42 : i32 to index
      %swap3A_480 = arith.constant 688 : index
      %swap3A_481 = tpu.vector_load %arg8[%swap3A_479, %swap3A_480] {strides = array<i32>} : memref<32x1024xf32, #tpu.memory_space<vmem>>, vector<16xf32>,
      tpu.vector_store %arg8[%swap3A_479, %swap3A_480], %add3A_478 {strides = array<i32>} : memref<32x1024xf32, #tpu.memory_space<vmem>>, vector<16xf32>,
      %get3A_482 = arith.index_cast %scan3A_42 : i32 to index
      %get3A_483 = arith.constant 704 : index
      %get3A_484 = tpu.vector_load %arg8[%get3A_482, %get3A_483] {strides = array<i32>} : memref<32x1024xf32, #tpu.memory_space<vmem>>, vector<16xf32>,
      %get3A_485 = arith.index_cast %scan3A_42 : i32 to index
      %get3A_486 = arith.constant 704 : index
      %get3A_487 = tpu.vector_load %arg9[%get3A_485, %get3A_486] {strides = array<i32>} : memref<32x1024xf32, #tpu.memory_space<vmem>>, vector<16xf32>,
      %add3A_488 = arith.addf %get3A_484, %get3A_487 : vector<16xf32>
      %swap3A_489 = arith.index_cast %scan3A_42 : i32 to index
      %swap3A_490 = arith.constant 704 : index
      %swap3A_491 = tpu.vector_load %arg8[%swap3A_489, %swap3A_490] {strides = array<i32>} : memref<32x1024xf32, #tpu.memory_space<vmem>>, vector<16xf32>,
      tpu.vector_store %arg8[%swap3A_489, %swap3A_490], %add3A_488 {strides = array<i32>} : memref<32x1024xf32, #tpu.memory_space<vmem>>, vector<16xf32>,
      %get3A_492 = arith.index_cast %scan3A_42 : i32 to index
      %get3A_493 = arith.constant 720 : index
      %get3A_494 = tpu.vector_load %arg8[%get3A_492, %get3A_493] {strides = array<i32>} : memref<32x1024xf32, #tpu.memory_space<vmem>>, vector<16xf32>,
      %get3A_495 = arith.index_cast %scan3A_42 : i32 to index
      %get3A_496 = arith.constant 720 : index
      %get3A_497 = tpu.vector_load %arg9[%get3A_495, %get3A_496] {strides = array<i32>} : memref<32x1024xf32, #tpu.memory_space<vmem>>, vector<16xf32>,
      %add3A_498 = arith.addf %get3A_494, %get3A_497 : vector<16xf32>
      %swap3A_499 = arith.index_cast %scan3A_42 : i32 to index
      %swap3A_500 = arith.constant 720 : index
      %swap3A_501 = tpu.vector_load %arg8[%swap3A_499, %swap3A_500] {strides = array<i32>} : memref<32x1024xf32, #tpu.memory_space<vmem>>, vector<16xf32>,
      tpu.vector_store %arg8[%swap3A_499, %swap3A_500], %add3A_498 {strides = array<i32>} : memref<32x1024xf32, #tpu.memory_space<vmem>>, vector<16xf32>,
      %get3A_502 = arith.index_cast %scan3A_42 : i32 to index
      %get3A_503 = arith.constant 736 : index
      %get3A_504 = tpu.vector_load %arg8[%get3A_502, %get3A_503] {strides = array<i32>} : memref<32x1024xf32, #tpu.memory_space<vmem>>, vector<16xf32>,
      %get3A_505 = arith.index_cast %scan3A_42 : i32 to index
      %get3A_506 = arith.constant 736 : index
      %get3A_507 = tpu.vector_load %arg9[%get3A_505, %get3A_506] {strides = array<i32>} : memref<32x1024xf32, #tpu.memory_space<vmem>>, vector<16xf32>,
      %add3A_508 = arith.addf %get3A_504, %get3A_507 : vector<16xf32>
      %swap3A_509 = arith.index_cast %scan3A_42 : i32 to index
      %swap3A_510 = arith.constant 736 : index
      %swap3A_511 = tpu.vector_load %arg8[%swap3A_509, %swap3A_510] {strides = array<i32>} : memref<32x1024xf32, #tpu.memory_space<vmem>>, vector<16xf32>,
      tpu.vector_store %arg8[%swap3A_509, %swap3A_510], %add3A_508 {strides = array<i32>} : memref<32x1024xf32, #tpu.memory_space<vmem>>, vector<16xf32>,
      %get3A_512 = arith.index_cast %scan3A_42 : i32 to index
      %get3A_513 = arith.constant 752 : index
      %get3A_514 = tpu.vector_load %arg8[%get3A_512, %get3A_513] {strides = array<i32>} : memref<32x1024xf32, #tpu.memory_space<vmem>>, vector<16xf32>,
      %get3A_515 = arith.index_cast %scan3A_42 : i32 to index
      %get3A_516 = arith.constant 752 : index
      %get3A_517 = tpu.vector_load %arg9[%get3A_515, %get3A_516] {strides = array<i32>} : memref<32x1024xf32, #tpu.memory_space<vmem>>, vector<16xf32>,
      %add3A_518 = arith.addf %get3A_514, %get3A_517 : vector<16xf32>
      %swap3A_519 = arith.index_cast %scan3A_42 : i32 to index
      %swap3A_520 = arith.constant 752 : index
      %swap3A_521 = tpu.vector_load %arg8[%swap3A_519, %swap3A_520] {strides = array<i32>} : memref<32x1024xf32, #tpu.memory_space<vmem>>, vector<16xf32>,
      tpu.vector_store %arg8[%swap3A_519, %swap3A_520], %add3A_518 {strides = array<i32>} : memref<32x1024xf32, #tpu.memory_space<vmem>>, vector<16xf32>,
      %get3A_522 = arith.index_cast %scan3A_42 : i32 to index
      %get3A_523 = arith.constant 768 : index
      %get3A_524 = tpu.vector_load %arg8[%get3A_522, %get3A_523] {strides = array<i32>} : memref<32x1024xf32, #tpu.memory_space<vmem>>, vector<16xf32>,
      %get3A_525 = arith.index_cast %scan3A_42 : i32 to index
      %get3A_526 = arith.constant 768 : index
      %get3A_527 = tpu.vector_load %arg9[%get3A_525, %get3A_526] {strides = array<i32>} : memref<32x1024xf32, #tpu.memory_space<vmem>>, vector<16xf32>,
      %add3A_528 = arith.addf %get3A_524, %get3A_527 : vector<16xf32>
      %swap3A_529 = arith.index_cast %scan3A_42 : i32 to index
      %swap3A_530 = arith.constant 768 : index
      %swap3A_531 = tpu.vector_load %arg8[%swap3A_529, %swap3A_530] {strides = array<i32>} : memref<32x1024xf32, #tpu.memory_space<vmem>>, vector<16xf32>,
      tpu.vector_store %arg8[%swap3A_529, %swap3A_530], %add3A_528 {strides = array<i32>} : memref<32x1024xf32, #tpu.memory_space<vmem>>, vector<16xf32>,
      %get3A_532 = arith.index_cast %scan3A_42 : i32 to index
      %get3A_533 = arith.constant 784 : index
      %get3A_534 = tpu.vector_load %arg8[%get3A_532, %get3A_533] {strides = array<i32>} : memref<32x1024xf32, #tpu.memory_space<vmem>>, vector<16xf32>,
      %get3A_535 = arith.index_cast %scan3A_42 : i32 to index
      %get3A_536 = arith.constant 784 : index
      %get3A_537 = tpu.vector_load %arg9[%get3A_535, %get3A_536] {strides = array<i32>} : memref<32x1024xf32, #tpu.memory_space<vmem>>, vector<16xf32>,
      %add3A_538 = arith.addf %get3A_534, %get3A_537 : vector<16xf32>
      %swap3A_539 = arith.index_cast %scan3A_42 : i32 to index
      %swap3A_540 = arith.constant 784 : index
      %swap3A_541 = tpu.vector_load %arg8[%swap3A_539, %swap3A_540] {strides = array<i32>} : memref<32x1024xf32, #tpu.memory_space<vmem>>, vector<16xf32>,
      tpu.vector_store %arg8[%swap3A_539, %swap3A_540], %add3A_538 {strides = array<i32>} : memref<32x1024xf32, #tpu.memory_space<vmem>>, vector<16xf32>,
      %get3A_542 = arith.index_cast %scan3A_42 : i32 to index
      %get3A_543 = arith.constant 800 : index
      %get3A_544 = tpu.vector_load %arg8[%get3A_542, %get3A_543] {strides = array<i32>} : memref<32x1024xf32, #tpu.memory_space<vmem>>, vector<16xf32>,
      %get3A_545 = arith.index_cast %scan3A_42 : i32 to index
      %get3A_546 = arith.constant 800 : index
      %get3A_547 = tpu.vector_load %arg9[%get3A_545, %get3A_546] {strides = array<i32>} : memref<32x1024xf32, #tpu.memory_space<vmem>>, vector<16xf32>,
      %add3A_548 = arith.addf %get3A_544, %get3A_547 : vector<16xf32>
      %swap3A_549 = arith.index_cast %scan3A_42 : i32 to index
      %swap3A_550 = arith.constant 800 : index
      %swap3A_551 = tpu.vector_load %arg8[%swap3A_549, %swap3A_550] {strides = array<i32>} : memref<32x1024xf32, #tpu.memory_space<vmem>>, vector<16xf32>,
      tpu.vector_store %arg8[%swap3A_549, %swap3A_550], %add3A_548 {strides = array<i32>} : memref<32x1024xf32, #tpu.memory_space<vmem>>, vector<16xf32>,
      %get3A_552 = arith.index_cast %scan3A_42 : i32 to index
      %get3A_553 = arith.constant 816 : index
      %get3A_554 = tpu.vector_load %arg8[%get3A_552, %get3A_553] {strides = array<i32>} : memref<32x1024xf32, #tpu.memory_space<vmem>>, vector<16xf32>,
      %get3A_555 = arith.index_cast %scan3A_42 : i32 to index
      %get3A_556 = arith.constant 816 : index
      %get3A_557 = tpu.vector_load %arg9[%get3A_555, %get3A_556] {strides = array<i32>} : memref<32x1024xf32, #tpu.memory_space<vmem>>, vector<16xf32>,
      %add3A_558 = arith.addf %get3A_554, %get3A_557 : vector<16xf32>
      %swap3A_559 = arith.index_cast %scan3A_42 : i32 to index
      %swap3A_560 = arith.constant 816 : index
      %swap3A_561 = tpu.vector_load %arg8[%swap3A_559, %swap3A_560] {strides = array<i32>} : memref<32x1024xf32, #tpu.memory_space<vmem>>, vector<16xf32>,
      tpu.vector_store %arg8[%swap3A_559, %swap3A_560], %add3A_558 {strides = array<i32>} : memref<32x1024xf32, #tpu.memory_space<vmem>>, vector<16xf32>,
      %get3A_562 = arith.index_cast %scan3A_42 : i32 to index
      %get3A_563 = arith.constant 832 : index
      %get3A_564 = tpu.vector_load %arg8[%get3A_562, %get3A_563] {strides = array<i32>} : memref<32x1024xf32, #tpu.memory_space<vmem>>, vector<16xf32>,
      %get3A_565 = arith.index_cast %scan3A_42 : i32 to index
      %get3A_566 = arith.constant 832 : index
      %get3A_567 = tpu.vector_load %arg9[%get3A_565, %get3A_566] {strides = array<i32>} : memref<32x1024xf32, #tpu.memory_space<vmem>>, vector<16xf32>,
      %add3A_568 = arith.addf %get3A_564, %get3A_567 : vector<16xf32>
      %swap3A_569 = arith.index_cast %scan3A_42 : i32 to index
      %swap3A_570 = arith.constant 832 : index
      %swap3A_571 = tpu.vector_load %arg8[%swap3A_569, %swap3A_570] {strides = array<i32>} : memref<32x1024xf32, #tpu.memory_space<vmem>>, vector<16xf32>,
      tpu.vector_store %arg8[%swap3A_569, %swap3A_570], %add3A_568 {strides = array<i32>} : memref<32x1024xf32, #tpu.memory_space<vmem>>, vector<16xf32>,
      %get3A_572 = arith.index_cast %scan3A_42 : i32 to index
      %get3A_573 = arith.constant 848 : index
      %get3A_574 = tpu.vector_load %arg8[%get3A_572, %get3A_573] {strides = array<i32>} : memref<32x1024xf32, #tpu.memory_space<vmem>>, vector<16xf32>,
      %get3A_575 = arith.index_cast %scan3A_42 : i32 to index
      %get3A_576 = arith.constant 848 : index
      %get3A_577 = tpu.vector_load %arg9[%get3A_575, %get3A_576] {strides = array<i32>} : memref<32x1024xf32, #tpu.memory_space<vmem>>, vector<16xf32>,
      %add3A_578 = arith.addf %get3A_574, %get3A_577 : vector<16xf32>
      %swap3A_579 = arith.index_cast %scan3A_42 : i32 to index
      %swap3A_580 = arith.constant 848 : index
      %swap3A_581 = tpu.vector_load %arg8[%swap3A_579, %swap3A_580] {strides = array<i32>} : memref<32x1024xf32, #tpu.memory_space<vmem>>, vector<16xf32>,
      tpu.vector_store %arg8[%swap3A_579, %swap3A_580], %add3A_578 {strides = array<i32>} : memref<32x1024xf32, #tpu.memory_space<vmem>>, vector<16xf32>,
      %get3A_582 = arith.index_cast %scan3A_42 : i32 to index
      %get3A_583 = arith.constant 864 : index
      %get3A_584 = tpu.vector_load %arg8[%get3A_582, %get3A_583] {strides = array<i32>} : memref<32x1024xf32, #tpu.memory_space<vmem>>, vector<16xf32>,
      %get3A_585 = arith.index_cast %scan3A_42 : i32 to index
      %get3A_586 = arith.constant 864 : index
      %get3A_587 = tpu.vector_load %arg9[%get3A_585, %get3A_586] {strides = array<i32>} : memref<32x1024xf32, #tpu.memory_space<vmem>>, vector<16xf32>,
      %add3A_588 = arith.addf %get3A_584, %get3A_587 : vector<16xf32>
      %swap3A_589 = arith.index_cast %scan3A_42 : i32 to index
      %swap3A_590 = arith.constant 864 : index
      %swap3A_591 = tpu.vector_load %arg8[%swap3A_589, %swap3A_590] {strides = array<i32>} : memref<32x1024xf32, #tpu.memory_space<vmem>>, vector<16xf32>,
      tpu.vector_store %arg8[%swap3A_589, %swap3A_590], %add3A_588 {strides = array<i32>} : memref<32x1024xf32, #tpu.memory_space<vmem>>, vector<16xf32>,
      %get3A_592 = arith.index_cast %scan3A_42 : i32 to index
      %get3A_593 = arith.constant 880 : index
      %get3A_594 = tpu.vector_load %arg8[%get3A_592, %get3A_593] {strides = array<i32>} : memref<32x1024xf32, #tpu.memory_space<vmem>>, vector<16xf32>,
      %get3A_595 = arith.index_cast %scan3A_42 : i32 to index
      %get3A_596 = arith.constant 880 : index
      %get3A_597 = tpu.vector_load %arg9[%get3A_595, %get3A_596] {strides = array<i32>} : memref<32x1024xf32, #tpu.memory_space<vmem>>, vector<16xf32>,
      %add3A_598 = arith.addf %get3A_594, %get3A_597 : vector<16xf32>
      %swap3A_599 = arith.index_cast %scan3A_42 : i32 to index
      %swap3A_600 = arith.constant 880 : index
      %swap3A_601 = tpu.vector_load %arg8[%swap3A_599, %swap3A_600] {strides = array<i32>} : memref<32x1024xf32, #tpu.memory_space<vmem>>, vector<16xf32>,
      tpu.vector_store %arg8[%swap3A_599, %swap3A_600], %add3A_598 {strides = array<i32>} : memref<32x1024xf32, #tpu.memory_space<vmem>>, vector<16xf32>,
      %get3A_602 = arith.index_cast %scan3A_42 : i32 to index
      %get3A_603 = arith.constant 896 : index
      %get3A_604 = tpu.vector_load %arg8[%get3A_602, %get3A_603] {strides = array<i32>} : memref<32x1024xf32, #tpu.memory_space<vmem>>, vector<16xf32>,
      %get3A_605 = arith.index_cast %scan3A_42 : i32 to index
      %get3A_606 = arith.constant 896 : index
      %get3A_607 = tpu.vector_load %arg9[%get3A_605, %get3A_606] {strides = array<i32>} : memref<32x1024xf32, #tpu.memory_space<vmem>>, vector<16xf32>,
      %add3A_608 = arith.addf %get3A_604, %get3A_607 : vector<16xf32>
      %swap3A_609 = arith.index_cast %scan3A_42 : i32 to index
      %swap3A_610 = arith.constant 896 : index
      %swap3A_611 = tpu.vector_load %arg8[%swap3A_609, %swap3A_610] {strides = array<i32>} : memref<32x1024xf32, #tpu.memory_space<vmem>>, vector<16xf32>,
      tpu.vector_store %arg8[%swap3A_609, %swap3A_610], %add3A_608 {strides = array<i32>} : memref<32x1024xf32, #tpu.memory_space<vmem>>, vector<16xf32>,
      %get3A_612 = arith.index_cast %scan3A_42 : i32 to index
      %get3A_613 = arith.constant 912 : index
      %get3A_614 = tpu.vector_load %arg8[%get3A_612, %get3A_613] {strides = array<i32>} : memref<32x1024xf32, #tpu.memory_space<vmem>>, vector<16xf32>,
      %get3A_615 = arith.index_cast %scan3A_42 : i32 to index
      %get3A_616 = arith.constant 912 : index
      %get3A_617 = tpu.vector_load %arg9[%get3A_615, %get3A_616] {strides = array<i32>} : memref<32x1024xf32, #tpu.memory_space<vmem>>, vector<16xf32>,
      %add3A_618 = arith.addf %get3A_614, %get3A_617 : vector<16xf32>
      %swap3A_619 = arith.index_cast %scan3A_42 : i32 to index
      %swap3A_620 = arith.constant 912 : index
      %swap3A_621 = tpu.vector_load %arg8[%swap3A_619, %swap3A_620] {strides = array<i32>} : memref<32x1024xf32, #tpu.memory_space<vmem>>, vector<16xf32>,
      tpu.vector_store %arg8[%swap3A_619, %swap3A_620], %add3A_618 {strides = array<i32>} : memref<32x1024xf32, #tpu.memory_space<vmem>>, vector<16xf32>,
      %get3A_622 = arith.index_cast %scan3A_42 : i32 to index
      %get3A_623 = arith.constant 928 : index
      %get3A_624 = tpu.vector_load %arg8[%get3A_622, %get3A_623] {strides = array<i32>} : memref<32x1024xf32, #tpu.memory_space<vmem>>, vector<16xf32>,
      %get3A_625 = arith.index_cast %scan3A_42 : i32 to index
      %get3A_626 = arith.constant 928 : index
      %get3A_627 = tpu.vector_load %arg9[%get3A_625, %get3A_626] {strides = array<i32>} : memref<32x1024xf32, #tpu.memory_space<vmem>>, vector<16xf32>,
      %add3A_628 = arith.addf %get3A_624, %get3A_627 : vector<16xf32>
      %swap3A_629 = arith.index_cast %scan3A_42 : i32 to index
      %swap3A_630 = arith.constant 928 : index
      %swap3A_631 = tpu.vector_load %arg8[%swap3A_629, %swap3A_630] {strides = array<i32>} : memref<32x1024xf32, #tpu.memory_space<vmem>>, vector<16xf32>,
      tpu.vector_store %arg8[%swap3A_629, %swap3A_630], %add3A_628 {strides = array<i32>} : memref<32x1024xf32, #tpu.memory_space<vmem>>, vector<16xf32>,
      %get3A_632 = arith.index_cast %scan3A_42 : i32 to index
      %get3A_633 = arith.constant 944 : index
      %get3A_634 = tpu.vector_load %arg8[%get3A_632, %get3A_633] {strides = array<i32>} : memref<32x1024xf32, #tpu.memory_space<vmem>>, vector<16xf32>,
      %get3A_635 = arith.index_cast %scan3A_42 : i32 to index
      %get3A_636 = arith.constant 944 : index
      %get3A_637 = tpu.vector_load %arg9[%get3A_635, %get3A_636] {strides = array<i32>} : memref<32x1024xf32, #tpu.memory_space<vmem>>, vector<16xf32>,
      %add3A_638 = arith.addf %get3A_634, %get3A_637 : vector<16xf32>
      %swap3A_639 = arith.index_cast %scan3A_42 : i32 to index
      %swap3A_640 = arith.constant 944 : index
      %swap3A_641 = tpu.vector_load %arg8[%swap3A_639, %swap3A_640] {strides = array<i32>} : memref<32x1024xf32, #tpu.memory_space<vmem>>, vector<16xf32>,
      tpu.vector_store %arg8[%swap3A_639, %swap3A_640], %add3A_638 {strides = array<i32>} : memref<32x1024xf32, #tpu.memory_space<vmem>>, vector<16xf32>,
      %get3A_642 = arith.index_cast %scan3A_42 : i32 to index
      %get3A_643 = arith.constant 960 : index
      %get3A_644 = tpu.vector_load %arg8[%get3A_642, %get3A_643] {strides = array<i32>} : memref<32x1024xf32, #tpu.memory_space<vmem>>, vector<16xf32>,
      %get3A_645 = arith.index_cast %scan3A_42 : i32 to index
      %get3A_646 = arith.constant 960 : index
      %get3A_647 = tpu.vector_load %arg9[%get3A_645, %get3A_646] {strides = array<i32>} : memref<32x1024xf32, #tpu.memory_space<vmem>>, vector<16xf32>,
      %add3A_648 = arith.addf %get3A_644, %get3A_647 : vector<16xf32>
      %swap3A_649 = arith.index_cast %scan3A_42 : i32 to index
      %swap3A_650 = arith.constant 960 : index
      %swap3A_651 = tpu.vector_load %arg8[%swap3A_649, %swap3A_650] {strides = array<i32>} : memref<32x1024xf32, #tpu.memory_space<vmem>>, vector<16xf32>,
      tpu.vector_store %arg8[%swap3A_649, %swap3A_650], %add3A_648 {strides = array<i32>} : memref<32x1024xf32, #tpu.memory_space<vmem>>, vector<16xf32>,
      %get3A_652 = arith.index_cast %scan3A_42 : i32 to index
      %get3A_653 = arith.constant 976 : index
      %get3A_654 = tpu.vector_load %arg8[%get3A_652, %get3A_653] {strides = array<i32>} : memref<32x1024xf32, #tpu.memory_space<vmem>>, vector<16xf32>,
      %get3A_655 = arith.index_cast %scan3A_42 : i32 to index
      %get3A_656 = arith.constant 976 : index
      %get3A_657 = tpu.vector_load %arg9[%get3A_655, %get3A_656] {strides = array<i32>} : memref<32x1024xf32, #tpu.memory_space<vmem>>, vector<16xf32>,
      %add3A_658 = arith.addf %get3A_654, %get3A_657 : vector<16xf32>
      %swap3A_659 = arith.index_cast %scan3A_42 : i32 to index
      %swap3A_660 = arith.constant 976 : index
      %swap3A_661 = tpu.vector_load %arg8[%swap3A_659, %swap3A_660] {strides = array<i32>} : memref<32x1024xf32, #tpu.memory_space<vmem>>, vector<16xf32>,
      tpu.vector_store %arg8[%swap3A_659, %swap3A_660], %add3A_658 {strides = array<i32>} : memref<32x1024xf32, #tpu.memory_space<vmem>>, vector<16xf32>,
      %get3A_662 = arith.index_cast %scan3A_42 : i32 to index
      %get3A_663 = arith.constant 992 : index
      %get3A_664 = tpu.vector_load %arg8[%get3A_662, %get3A_663] {strides = array<i32>} : memref<32x1024xf32, #tpu.memory_space<vmem>>, vector<16xf32>,
      %get3A_665 = arith.index_cast %scan3A_42 : i32 to index
      %get3A_666 = arith.constant 992 : index
      %get3A_667 = tpu.vector_load %arg9[%get3A_665, %get3A_666] {strides = array<i32>} : memref<32x1024xf32, #tpu.memory_space<vmem>>, vector<16xf32>,
      %add3A_668 = arith.addf %get3A_664, %get3A_667 : vector<16xf32>
      %swap3A_669 = arith.index_cast %scan3A_42 : i32 to index
      %swap3A_670 = arith.constant 992 : index
      %swap3A_671 = tpu.vector_load %arg8[%swap3A_669, %swap3A_670] {strides = array<i32>} : memref<32x1024xf32, #tpu.memory_space<vmem>>, vector<16xf32>,
      tpu.vector_store %arg8[%swap3A_669, %swap3A_670], %add3A_668 {strides = array<i32>} : memref<32x1024xf32, #tpu.memory_space<vmem>>, vector<16xf32>,
      %get3A_672 = arith.index_cast %scan3A_42 : i32 to index
      %get3A_673 = arith.constant 1008 : index
      %get3A_674 = tpu.vector_load %arg8[%get3A_672, %get3A_673] {strides = array<i32>} : memref<32x1024xf32, #tpu.memory_space<vmem>>, vector<16xf32>,
      %get3A_675 = arith.index_cast %scan3A_42 : i32 to index
      %get3A_676 = arith.constant 1008 : index
      %get3A_677 = tpu.vector_load %arg9[%get3A_675, %get3A_676] {strides = array<i32>} : memref<32x1024xf32, #tpu.memory_space<vmem>>, vector<16xf32>,
      %add3A_678 = arith.addf %get3A_674, %get3A_677 : vector<16xf32>
      %swap3A_679 = arith.index_cast %scan3A_42 : i32 to index
      %swap3A_680 = arith.constant 1008 : index
      %swap3A_681 = tpu.vector_load %arg8[%swap3A_679, %swap3A_680] {strides = array<i32>} : memref<32x1024xf32, #tpu.memory_space<vmem>>, vector<16xf32>,
      tpu.vector_store %arg8[%swap3A_679, %swap3A_680], %add3A_678 {strides = array<i32>} : memref<32x1024xf32, #tpu.memory_space<vmem>>, vector<16xf32>,
      %scan3A_682 = arith.constant 0 : i32
      scf.yield %scan3A_682 : i32
    }
    %scan3A_20 = arith.constant 32 : i32
    "tpu.region"() ({
      %run_scoped3A = tpu.sem_alloc : memref<!tpu.dma_semaphore, #tpu.memory_space<semaphore_mem>>
      %dma_start3A_42 = arith.constant 0 : i32
      %dma_start3A_43 = tpu.memref_slice %arg5[%add3A_4, %dma_start3A_42] : memref<2048x1024xf32, #tpu.memory_space<hbm>> -> memref<32x1024xf32, #tpu.memory_space<hbm>>
      %dma_start3A_44 = arith.constant 0 : i32
      %dma_start3A_45 = tpu.memref_slice %arg5[%add3A_4, %dma_start3A_44] : memref<2048x1024xf32, #tpu.memory_space<hbm>> -> memref<32x1024xf32, #tpu.memory_space<hbm>>
      tpu.enqueue_dma source(%arg8 : memref<32x1024xf32, #tpu.memory_space<vmem>>) target(%dma_start3A_45 : memref<32x1024xf32, #tpu.memory_space<hbm>>) target_semaphore(%run_scoped3A : memref<!tpu.dma_semaphore, #tpu.memory_space<semaphore_mem>>)
      %dma_wait3A_46 = arith.constant 0 : i32
      %dma_wait3A_47 = tpu.memref_slice %arg5[%add3A_4, %dma_wait3A_46] : memref<2048x1024xf32, #tpu.memory_space<hbm>> -> memref<32x1024xf32, #tpu.memory_space<hbm>>
      %dma_wait3A_48 = arith.constant 0 : i32
      %dma_wait3A_49 = tpu.memref_slice %arg5[%add3A_4, %dma_wait3A_48] : memref<2048x1024xf32, #tpu.memory_space<hbm>> -> memref<32x1024xf32, #tpu.memory_space<hbm>>
      tpu.wait_dma2 semaphore(%run_scoped3A : memref<!tpu.dma_semaphore, #tpu.memory_space<semaphore_mem>>) src(%arg8 : memref<32x1024xf32, #tpu.memory_space<vmem>>) dst(%dma_wait3A_49 : memref<32x1024xf32, #tpu.memory_space<hbm>>)
      tpu.yield
    }) : () -> ()
    %add3A_21 = arith.constant 32 : i32
    %add3A_22 = arith.addi %mul3A_2, %add3A_21 : i32
    "tpu.region"() ({
      %run_scoped3A = tpu.sem_alloc : memref<!tpu.dma_semaphore, #tpu.memory_space<semaphore_mem>>
      %dma_start3A_42 = tpu.memref_slice %arg3[%add3A_22] : memref<2048xi32, #tpu.memory_space<hbm>> -> memref<32xi32, #tpu.memory_space<hbm>>
      %dma_start3A_43 = tpu.memref_slice %arg3[%add3A_22] : memref<2048xi32, #tpu.memory_space<hbm>> -> memref<32xi32, #tpu.memory_space<hbm>>
      tpu.enqueue_dma source(%dma_start3A_43 : memref<32xi32, #tpu.memory_space<hbm>>) target(%arg6 : memref<32xi32, #tpu.memory_space<vmem>>) target_semaphore(%run_scoped3A : memref<!tpu.dma_semaphore, #tpu.memory_space<semaphore_mem>>)
      %dma_wait3A_44 = tpu.memref_slice %arg3[%add3A_22] : memref<2048xi32, #tpu.memory_space<hbm>> -> memref<32xi32, #tpu.memory_space<hbm>>
      %dma_wait3A_45 = tpu.memref_slice %arg3[%add3A_22] : memref<2048xi32, #tpu.memory_space<hbm>> -> memref<32xi32, #tpu.memory_space<hbm>>
      tpu.wait_dma2 semaphore(%run_scoped3A : memref<!tpu.dma_semaphore, #tpu.memory_space<semaphore_mem>>) src(%dma_wait3A_45 : memref<32xi32, #tpu.memory_space<hbm>>) dst(%arg6 : memref<32xi32, #tpu.memory_space<vmem>>)
      tpu.yield
    }) : () -> ()
    "tpu.region"() ({
      %run_scoped3A = tpu.sem_alloc : memref<!tpu.dma_semaphore, #tpu.memory_space<semaphore_mem>>
      %dma_start3A_42 = tpu.memref_slice %arg4[%add3A_22] : memref<2048xi32, #tpu.memory_space<hbm>> -> memref<32xi32, #tpu.memory_space<hbm>>
      %dma_start3A_43 = tpu.memref_slice %arg4[%add3A_22] : memref<2048xi32, #tpu.memory_space<hbm>> -> memref<32xi32, #tpu.memory_space<hbm>>
      tpu.enqueue_dma source(%dma_start3A_43 : memref<32xi32, #tpu.memory_space<hbm>>) target(%arg7 : memref<32xi32, #tpu.memory_space<vmem>>) target_semaphore(%run_scoped3A : memref<!tpu.dma_semaphore, #tpu.memory_space<semaphore_mem>>)
      %dma_wait3A_44 = tpu.memref_slice %arg4[%add3A_22] : memref<2048xi32, #tpu.memory_space<hbm>> -> memref<32xi32, #tpu.memory_space<hbm>>
      %dma_wait3A_45 = tpu.memref_slice %arg4[%add3A_22] : memref<2048xi32, #tpu.memory_space<hbm>> -> memref<32xi32, #tpu.memory_space<hbm>>
      tpu.wait_dma2 semaphore(%run_scoped3A : memref<!tpu.dma_semaphore, #tpu.memory_space<semaphore_mem>>) src(%dma_wait3A_45 : memref<32xi32, #tpu.memory_space<hbm>>) dst(%arg7 : memref<32xi32, #tpu.memory_space<vmem>>)
      tpu.yield
    }) : () -> ()
    %dma_start3A_23 = arith.constant 0 : i32
    %dma_start3A_24 = arith.constant 0 : i32
    %dma_start3A_25 = tpu.memref_slice %arg2[%dma_start3A_23, %dma_start3A_24] : memref<5888x1024xf32, #tpu.memory_space<hbm>> -> memref<5888x1024xf32, #tpu.memory_space<hbm>>
    tpu.enqueue_indirect_dma source(%dma_start3A_25 : memref<5888x1024xf32, #tpu.memory_space<hbm>>) target(%arg8 : memref<32x1024xf32, #tpu.memory_space<vmem>>) offsets(%arg6 : memref<32xi32, #tpu.memory_space<vmem>>) semaphore(%arg10 : memref<!tpu.dma_semaphore, #tpu.memory_space<semaphore_mem>>)
    %dma_start3A_26 = arith.constant 0 : i32
    %dma_start3A_27 = arith.constant 0 : i32
    %dma_start3A_28 = tpu.memref_slice %arg2[%dma_start3A_26, %dma_start3A_27] : memref<5888x1024xf32, #tpu.memory_space<hbm>> -> memref<5888x1024xf32, #tpu.memory_space<hbm>>
    tpu.enqueue_indirect_dma source(%dma_start3A_28 : memref<5888x1024xf32, #tpu.memory_space<hbm>>) target(%arg9 : memref<32x1024xf32, #tpu.memory_space<vmem>>) offsets(%arg7 : memref<32xi32, #tpu.memory_space<vmem>>) semaphore(%arg11 : memref<!tpu.dma_semaphore, #tpu.memory_space<semaphore_mem>>)
    %dma_wait3A_29 = arith.constant 0 : i32
    %dma_wait3A_30 = arith.constant 0 : i32
    %dma_wait3A_31 = tpu.memref_slice %arg2[%dma_wait3A_29, %dma_wait3A_30] : memref<5888x1024xf32, #tpu.memory_space<hbm>> -> memref<5888x1024xf32, #tpu.memory_space<hbm>>
    tpu.wait_indirect_dma semaphore(%arg10 : memref<!tpu.dma_semaphore, #tpu.memory_space<semaphore_mem>>) src(%dma_wait3A_31 : memref<5888x1024xf32, #tpu.memory_space<hbm>>) dst(%arg8 : memref<32x1024xf32, #tpu.memory_space<vmem>>)
    %dma_wait3A_32 = arith.constant 0 : i32
    %dma_wait3A_33 = arith.constant 0 : i32
    %dma_wait3A_34 = tpu.memref_slice %arg2[%dma_wait3A_32, %dma_wait3A_33] : memref<5888x1024xf32, #tpu.memory_space<hbm>> -> memref<5888x1024xf32, #tpu.memory_space<hbm>>
    tpu.wait_indirect_dma semaphore(%arg11 : memref<!tpu.dma_semaphore, #tpu.memory_space<semaphore_mem>>) src(%dma_wait3A_34 : memref<5888x1024xf32, #tpu.memory_space<hbm>>) dst(%arg9 : memref<32x1024xf32, #tpu.memory_space<vmem>>)
    %scan3A_35 = arith.constant 0 : i32
    %scan3A_36 = arith.constant 0 : i32
    %scan3A_37 = arith.constant 32 : i32
    %scan3A_38 = arith.addi %scan3A_36, %scan3A_37 : i32
    %scan3A_39 = arith.constant 1 : i32
    %scan3A_40 = scf.for %scan3A_42 = %scan3A_36 to %scan3A_38 step %scan3A_39 iter_args(%scan3A_43 = %scan3A_35) -> (i32)  : i32 {
      %get3A = arith.index_cast %scan3A_42 : i32 to index
      %get3A_44 = arith.constant 0 : index
      %get3A_45 = tpu.vector_load %arg8[%get3A, %get3A_44] {strides = array<i32>} : memref<32x1024xf32, #tpu.memory_space<vmem>>, vector<16xf32>,
      %get3A_46 = arith.index_cast %scan3A_42 : i32 to index
      %get3A_47 = arith.constant 0 : index
      %get3A_48 = tpu.vector_load %arg9[%get3A_46, %get3A_47] {strides = array<i32>} : memref<32x1024xf32, #tpu.memory_space<vmem>>, vector<16xf32>,
      %add3A_49 = arith.addf %get3A_45, %get3A_48 : vector<16xf32>
      %swap3A = arith.index_cast %scan3A_42 : i32 to index
      %swap3A_50 = arith.constant 0 : index
      %swap3A_51 = tpu.vector_load %arg8[%swap3A, %swap3A_50] {strides = array<i32>} : memref<32x1024xf32, #tpu.memory_space<vmem>>, vector<16xf32>,
      tpu.vector_store %arg8[%swap3A, %swap3A_50], %add3A_49 {strides = array<i32>} : memref<32x1024xf32, #tpu.memory_space<vmem>>, vector<16xf32>,
      %get3A_52 = arith.index_cast %scan3A_42 : i32 to index
      %get3A_53 = arith.constant 16 : index
      %get3A_54 = tpu.vector_load %arg8[%get3A_52, %get3A_53] {strides = array<i32>} : memref<32x1024xf32, #tpu.memory_space<vmem>>, vector<16xf32>,
      %get3A_55 = arith.index_cast %scan3A_42 : i32 to index
      %get3A_56 = arith.constant 16 : index
      %get3A_57 = tpu.vector_load %arg9[%get3A_55, %get3A_56] {strides = array<i32>} : memref<32x1024xf32, #tpu.memory_space<vmem>>, vector<16xf32>,
      %add3A_58 = arith.addf %get3A_54, %get3A_57 : vector<16xf32>
      %swap3A_59 = arith.index_cast %scan3A_42 : i32 to index
      %swap3A_60 = arith.constant 16 : index
      %swap3A_61 = tpu.vector_load %arg8[%swap3A_59, %swap3A_60] {strides = array<i32>} : memref<32x1024xf32, #tpu.memory_space<vmem>>, vector<16xf32>,
      tpu.vector_store %arg8[%swap3A_59, %swap3A_60], %add3A_58 {strides = array<i32>} : memref<32x1024xf32, #tpu.memory_space<vmem>>, vector<16xf32>,
      %get3A_62 = arith.index_cast %scan3A_42 : i32 to index
      %get3A_63 = arith.constant 32 : index
      %get3A_64 = tpu.vector_load %arg8[%get3A_62, %get3A_63] {strides = array<i32>} : memref<32x1024xf32, #tpu.memory_space<vmem>>, vector<16xf32>,
      %get3A_65 = arith.index_cast %scan3A_42 : i32 to index
      %get3A_66 = arith.constant 32 : index
      %get3A_67 = tpu.vector_load %arg9[%get3A_65, %get3A_66] {strides = array<i32>} : memref<32x1024xf32, #tpu.memory_space<vmem>>, vector<16xf32>,
      %add3A_68 = arith.addf %get3A_64, %get3A_67 : vector<16xf32>
      %swap3A_69 = arith.index_cast %scan3A_42 : i32 to index
      %swap3A_70 = arith.constant 32 : index
      %swap3A_71 = tpu.vector_load %arg8[%swap3A_69, %swap3A_70] {strides = array<i32>} : memref<32x1024xf32, #tpu.memory_space<vmem>>, vector<16xf32>,
      tpu.vector_store %arg8[%swap3A_69, %swap3A_70], %add3A_68 {strides = array<i32>} : memref<32x1024xf32, #tpu.memory_space<vmem>>, vector<16xf32>,
      %get3A_72 = arith.index_cast %scan3A_42 : i32 to index
      %get3A_73 = arith.constant 48 : index
      %get3A_74 = tpu.vector_load %arg8[%get3A_72, %get3A_73] {strides = array<i32>} : memref<32x1024xf32, #tpu.memory_space<vmem>>, vector<16xf32>,
      %get3A_75 = arith.index_cast %scan3A_42 : i32 to index
      %get3A_76 = arith.constant 48 : index
      %get3A_77 = tpu.vector_load %arg9[%get3A_75, %get3A_76] {strides = array<i32>} : memref<32x1024xf32, #tpu.memory_space<vmem>>, vector<16xf32>,
      %add3A_78 = arith.addf %get3A_74, %get3A_77 : vector<16xf32>
      %swap3A_79 = arith.index_cast %scan3A_42 : i32 to index
      %swap3A_80 = arith.constant 48 : index
      %swap3A_81 = tpu.vector_load %arg8[%swap3A_79, %swap3A_80] {strides = array<i32>} : memref<32x1024xf32, #tpu.memory_space<vmem>>, vector<16xf32>,
      tpu.vector_store %arg8[%swap3A_79, %swap3A_80], %add3A_78 {strides = array<i32>} : memref<32x1024xf32, #tpu.memory_space<vmem>>, vector<16xf32>,
      %get3A_82 = arith.index_cast %scan3A_42 : i32 to index
      %get3A_83 = arith.constant 64 : index
      %get3A_84 = tpu.vector_load %arg8[%get3A_82, %get3A_83] {strides = array<i32>} : memref<32x1024xf32, #tpu.memory_space<vmem>>, vector<16xf32>,
      %get3A_85 = arith.index_cast %scan3A_42 : i32 to index
      %get3A_86 = arith.constant 64 : index
      %get3A_87 = tpu.vector_load %arg9[%get3A_85, %get3A_86] {strides = array<i32>} : memref<32x1024xf32, #tpu.memory_space<vmem>>, vector<16xf32>,
      %add3A_88 = arith.addf %get3A_84, %get3A_87 : vector<16xf32>
      %swap3A_89 = arith.index_cast %scan3A_42 : i32 to index
      %swap3A_90 = arith.constant 64 : index
      %swap3A_91 = tpu.vector_load %arg8[%swap3A_89, %swap3A_90] {strides = array<i32>} : memref<32x1024xf32, #tpu.memory_space<vmem>>, vector<16xf32>,
      tpu.vector_store %arg8[%swap3A_89, %swap3A_90], %add3A_88 {strides = array<i32>} : memref<32x1024xf32, #tpu.memory_space<vmem>>, vector<16xf32>,
      %get3A_92 = arith.index_cast %scan3A_42 : i32 to index
      %get3A_93 = arith.constant 80 : index
      %get3A_94 = tpu.vector_load %arg8[%get3A_92, %get3A_93] {strides = array<i32>} : memref<32x1024xf32, #tpu.memory_space<vmem>>, vector<16xf32>,
      %get3A_95 = arith.index_cast %scan3A_42 : i32 to index
      %get3A_96 = arith.constant 80 : index
      %get3A_97 = tpu.vector_load %arg9[%get3A_95, %get3A_96] {strides = array<i32>} : memref<32x1024xf32, #tpu.memory_space<vmem>>, vector<16xf32>,
      %add3A_98 = arith.addf %get3A_94, %get3A_97 : vector<16xf32>
      %swap3A_99 = arith.index_cast %scan3A_42 : i32 to index
      %swap3A_100 = arith.constant 80 : index
      %swap3A_101 = tpu.vector_load %arg8[%swap3A_99, %swap3A_100] {strides = array<i32>} : memref<32x1024xf32, #tpu.memory_space<vmem>>, vector<16xf32>,
      tpu.vector_store %arg8[%swap3A_99, %swap3A_100], %add3A_98 {strides = array<i32>} : memref<32x1024xf32, #tpu.memory_space<vmem>>, vector<16xf32>,
      %get3A_102 = arith.index_cast %scan3A_42 : i32 to index
      %get3A_103 = arith.constant 96 : index
      %get3A_104 = tpu.vector_load %arg8[%get3A_102, %get3A_103] {strides = array<i32>} : memref<32x1024xf32, #tpu.memory_space<vmem>>, vector<16xf32>,
      %get3A_105 = arith.index_cast %scan3A_42 : i32 to index
      %get3A_106 = arith.constant 96 : index
      %get3A_107 = tpu.vector_load %arg9[%get3A_105, %get3A_106] {strides = array<i32>} : memref<32x1024xf32, #tpu.memory_space<vmem>>, vector<16xf32>,
      %add3A_108 = arith.addf %get3A_104, %get3A_107 : vector<16xf32>
      %swap3A_109 = arith.index_cast %scan3A_42 : i32 to index
      %swap3A_110 = arith.constant 96 : index
      %swap3A_111 = tpu.vector_load %arg8[%swap3A_109, %swap3A_110] {strides = array<i32>} : memref<32x1024xf32, #tpu.memory_space<vmem>>, vector<16xf32>,
      tpu.vector_store %arg8[%swap3A_109, %swap3A_110], %add3A_108 {strides = array<i32>} : memref<32x1024xf32, #tpu.memory_space<vmem>>, vector<16xf32>,
      %get3A_112 = arith.index_cast %scan3A_42 : i32 to index
      %get3A_113 = arith.constant 112 : index
      %get3A_114 = tpu.vector_load %arg8[%get3A_112, %get3A_113] {strides = array<i32>} : memref<32x1024xf32, #tpu.memory_space<vmem>>, vector<16xf32>,
      %get3A_115 = arith.index_cast %scan3A_42 : i32 to index
      %get3A_116 = arith.constant 112 : index
      %get3A_117 = tpu.vector_load %arg9[%get3A_115, %get3A_116] {strides = array<i32>} : memref<32x1024xf32, #tpu.memory_space<vmem>>, vector<16xf32>,
      %add3A_118 = arith.addf %get3A_114, %get3A_117 : vector<16xf32>
      %swap3A_119 = arith.index_cast %scan3A_42 : i32 to index
      %swap3A_120 = arith.constant 112 : index
      %swap3A_121 = tpu.vector_load %arg8[%swap3A_119, %swap3A_120] {strides = array<i32>} : memref<32x1024xf32, #tpu.memory_space<vmem>>, vector<16xf32>,
      tpu.vector_store %arg8[%swap3A_119, %swap3A_120], %add3A_118 {strides = array<i32>} : memref<32x1024xf32, #tpu.memory_space<vmem>>, vector<16xf32>,
      %get3A_122 = arith.index_cast %scan3A_42 : i32 to index
      %get3A_123 = arith.constant 128 : index
      %get3A_124 = tpu.vector_load %arg8[%get3A_122, %get3A_123] {strides = array<i32>} : memref<32x1024xf32, #tpu.memory_space<vmem>>, vector<16xf32>,
      %get3A_125 = arith.index_cast %scan3A_42 : i32 to index
      %get3A_126 = arith.constant 128 : index
      %get3A_127 = tpu.vector_load %arg9[%get3A_125, %get3A_126] {strides = array<i32>} : memref<32x1024xf32, #tpu.memory_space<vmem>>, vector<16xf32>,
      %add3A_128 = arith.addf %get3A_124, %get3A_127 : vector<16xf32>
      %swap3A_129 = arith.index_cast %scan3A_42 : i32 to index
      %swap3A_130 = arith.constant 128 : index
      %swap3A_131 = tpu.vector_load %arg8[%swap3A_129, %swap3A_130] {strides = array<i32>} : memref<32x1024xf32, #tpu.memory_space<vmem>>, vector<16xf32>,
      tpu.vector_store %arg8[%swap3A_129, %swap3A_130], %add3A_128 {strides = array<i32>} : memref<32x1024xf32, #tpu.memory_space<vmem>>, vector<16xf32>,
      %get3A_132 = arith.index_cast %scan3A_42 : i32 to index
      %get3A_133 = arith.constant 144 : index
      %get3A_134 = tpu.vector_load %arg8[%get3A_132, %get3A_133] {strides = array<i32>} : memref<32x1024xf32, #tpu.memory_space<vmem>>, vector<16xf32>,
      %get3A_135 = arith.index_cast %scan3A_42 : i32 to index
      %get3A_136 = arith.constant 144 : index
      %get3A_137 = tpu.vector_load %arg9[%get3A_135, %get3A_136] {strides = array<i32>} : memref<32x1024xf32, #tpu.memory_space<vmem>>, vector<16xf32>,
      %add3A_138 = arith.addf %get3A_134, %get3A_137 : vector<16xf32>
      %swap3A_139 = arith.index_cast %scan3A_42 : i32 to index
      %swap3A_140 = arith.constant 144 : index
      %swap3A_141 = tpu.vector_load %arg8[%swap3A_139, %swap3A_140] {strides = array<i32>} : memref<32x1024xf32, #tpu.memory_space<vmem>>, vector<16xf32>,
      tpu.vector_store %arg8[%swap3A_139, %swap3A_140], %add3A_138 {strides = array<i32>} : memref<32x1024xf32, #tpu.memory_space<vmem>>, vector<16xf32>,
      %get3A_142 = arith.index_cast %scan3A_42 : i32 to index
      %get3A_143 = arith.constant 160 : index
      %get3A_144 = tpu.vector_load %arg8[%get3A_142, %get3A_143] {strides = array<i32>} : memref<32x1024xf32, #tpu.memory_space<vmem>>, vector<16xf32>,
      %get3A_145 = arith.index_cast %scan3A_42 : i32 to index
      %get3A_146 = arith.constant 160 : index
      %get3A_147 = tpu.vector_load %arg9[%get3A_145, %get3A_146] {strides = array<i32>} : memref<32x1024xf32, #tpu.memory_space<vmem>>, vector<16xf32>,
      %add3A_148 = arith.addf %get3A_144, %get3A_147 : vector<16xf32>
      %swap3A_149 = arith.index_cast %scan3A_42 : i32 to index
      %swap3A_150 = arith.constant 160 : index
      %swap3A_151 = tpu.vector_load %arg8[%swap3A_149, %swap3A_150] {strides = array<i32>} : memref<32x1024xf32, #tpu.memory_space<vmem>>, vector<16xf32>,
      tpu.vector_store %arg8[%swap3A_149, %swap3A_150], %add3A_148 {strides = array<i32>} : memref<32x1024xf32, #tpu.memory_space<vmem>>, vector<16xf32>,
      %get3A_152 = arith.index_cast %scan3A_42 : i32 to index
      %get3A_153 = arith.constant 176 : index
      %get3A_154 = tpu.vector_load %arg8[%get3A_152, %get3A_153] {strides = array<i32>} : memref<32x1024xf32, #tpu.memory_space<vmem>>, vector<16xf32>,
      %get3A_155 = arith.index_cast %scan3A_42 : i32 to index
      %get3A_156 = arith.constant 176 : index
      %get3A_157 = tpu.vector_load %arg9[%get3A_155, %get3A_156] {strides = array<i32>} : memref<32x1024xf32, #tpu.memory_space<vmem>>, vector<16xf32>,
      %add3A_158 = arith.addf %get3A_154, %get3A_157 : vector<16xf32>
      %swap3A_159 = arith.index_cast %scan3A_42 : i32 to index
      %swap3A_160 = arith.constant 176 : index
      %swap3A_161 = tpu.vector_load %arg8[%swap3A_159, %swap3A_160] {strides = array<i32>} : memref<32x1024xf32, #tpu.memory_space<vmem>>, vector<16xf32>,
      tpu.vector_store %arg8[%swap3A_159, %swap3A_160], %add3A_158 {strides = array<i32>} : memref<32x1024xf32, #tpu.memory_space<vmem>>, vector<16xf32>,
      %get3A_162 = arith.index_cast %scan3A_42 : i32 to index
      %get3A_163 = arith.constant 192 : index
      %get3A_164 = tpu.vector_load %arg8[%get3A_162, %get3A_163] {strides = array<i32>} : memref<32x1024xf32, #tpu.memory_space<vmem>>, vector<16xf32>,
      %get3A_165 = arith.index_cast %scan3A_42 : i32 to index
      %get3A_166 = arith.constant 192 : index
      %get3A_167 = tpu.vector_load %arg9[%get3A_165, %get3A_166] {strides = array<i32>} : memref<32x1024xf32, #tpu.memory_space<vmem>>, vector<16xf32>,
      %add3A_168 = arith.addf %get3A_164, %get3A_167 : vector<16xf32>
      %swap3A_169 = arith.index_cast %scan3A_42 : i32 to index
      %swap3A_170 = arith.constant 192 : index
      %swap3A_171 = tpu.vector_load %arg8[%swap3A_169, %swap3A_170] {strides = array<i32>} : memref<32x1024xf32, #tpu.memory_space<vmem>>, vector<16xf32>,
      tpu.vector_store %arg8[%swap3A_169, %swap3A_170], %add3A_168 {strides = array<i32>} : memref<32x1024xf32, #tpu.memory_space<vmem>>, vector<16xf32>,
      %get3A_172 = arith.index_cast %scan3A_42 : i32 to index
      %get3A_173 = arith.constant 208 : index
      %get3A_174 = tpu.vector_load %arg8[%get3A_172, %get3A_173] {strides = array<i32>} : memref<32x1024xf32, #tpu.memory_space<vmem>>, vector<16xf32>,
      %get3A_175 = arith.index_cast %scan3A_42 : i32 to index
      %get3A_176 = arith.constant 208 : index
      %get3A_177 = tpu.vector_load %arg9[%get3A_175, %get3A_176] {strides = array<i32>} : memref<32x1024xf32, #tpu.memory_space<vmem>>, vector<16xf32>,
      %add3A_178 = arith.addf %get3A_174, %get3A_177 : vector<16xf32>
      %swap3A_179 = arith.index_cast %scan3A_42 : i32 to index
      %swap3A_180 = arith.constant 208 : index
      %swap3A_181 = tpu.vector_load %arg8[%swap3A_179, %swap3A_180] {strides = array<i32>} : memref<32x1024xf32, #tpu.memory_space<vmem>>, vector<16xf32>,
      tpu.vector_store %arg8[%swap3A_179, %swap3A_180], %add3A_178 {strides = array<i32>} : memref<32x1024xf32, #tpu.memory_space<vmem>>, vector<16xf32>,
      %get3A_182 = arith.index_cast %scan3A_42 : i32 to index
      %get3A_183 = arith.constant 224 : index
      %get3A_184 = tpu.vector_load %arg8[%get3A_182, %get3A_183] {strides = array<i32>} : memref<32x1024xf32, #tpu.memory_space<vmem>>, vector<16xf32>,
      %get3A_185 = arith.index_cast %scan3A_42 : i32 to index
      %get3A_186 = arith.constant 224 : index
      %get3A_187 = tpu.vector_load %arg9[%get3A_185, %get3A_186] {strides = array<i32>} : memref<32x1024xf32, #tpu.memory_space<vmem>>, vector<16xf32>,
      %add3A_188 = arith.addf %get3A_184, %get3A_187 : vector<16xf32>
      %swap3A_189 = arith.index_cast %scan3A_42 : i32 to index
      %swap3A_190 = arith.constant 224 : index
      %swap3A_191 = tpu.vector_load %arg8[%swap3A_189, %swap3A_190] {strides = array<i32>} : memref<32x1024xf32, #tpu.memory_space<vmem>>, vector<16xf32>,
      tpu.vector_store %arg8[%swap3A_189, %swap3A_190], %add3A_188 {strides = array<i32>} : memref<32x1024xf32, #tpu.memory_space<vmem>>, vector<16xf32>,
      %get3A_192 = arith.index_cast %scan3A_42 : i32 to index
      %get3A_193 = arith.constant 240 : index
      %get3A_194 = tpu.vector_load %arg8[%get3A_192, %get3A_193] {strides = array<i32>} : memref<32x1024xf32, #tpu.memory_space<vmem>>, vector<16xf32>,
      %get3A_195 = arith.index_cast %scan3A_42 : i32 to index
      %get3A_196 = arith.constant 240 : index
      %get3A_197 = tpu.vector_load %arg9[%get3A_195, %get3A_196] {strides = array<i32>} : memref<32x1024xf32, #tpu.memory_space<vmem>>, vector<16xf32>,
      %add3A_198 = arith.addf %get3A_194, %get3A_197 : vector<16xf32>
      %swap3A_199 = arith.index_cast %scan3A_42 : i32 to index
      %swap3A_200 = arith.constant 240 : index
      %swap3A_201 = tpu.vector_load %arg8[%swap3A_199, %swap3A_200] {strides = array<i32>} : memref<32x1024xf32, #tpu.memory_space<vmem>>, vector<16xf32>,
      tpu.vector_store %arg8[%swap3A_199, %swap3A_200], %add3A_198 {strides = array<i32>} : memref<32x1024xf32, #tpu.memory_space<vmem>>, vector<16xf32>,
      %get3A_202 = arith.index_cast %scan3A_42 : i32 to index
      %get3A_203 = arith.constant 256 : index
      %get3A_204 = tpu.vector_load %arg8[%get3A_202, %get3A_203] {strides = array<i32>} : memref<32x1024xf32, #tpu.memory_space<vmem>>, vector<16xf32>,
      %get3A_205 = arith.index_cast %scan3A_42 : i32 to index
      %get3A_206 = arith.constant 256 : index
      %get3A_207 = tpu.vector_load %arg9[%get3A_205, %get3A_206] {strides = array<i32>} : memref<32x1024xf32, #tpu.memory_space<vmem>>, vector<16xf32>,
      %add3A_208 = arith.addf %get3A_204, %get3A_207 : vector<16xf32>
      %swap3A_209 = arith.index_cast %scan3A_42 : i32 to index
      %swap3A_210 = arith.constant 256 : index
      %swap3A_211 = tpu.vector_load %arg8[%swap3A_209, %swap3A_210] {strides = array<i32>} : memref<32x1024xf32, #tpu.memory_space<vmem>>, vector<16xf32>,
      tpu.vector_store %arg8[%swap3A_209, %swap3A_210], %add3A_208 {strides = array<i32>} : memref<32x1024xf32, #tpu.memory_space<vmem>>, vector<16xf32>,
      %get3A_212 = arith.index_cast %scan3A_42 : i32 to index
      %get3A_213 = arith.constant 272 : index
      %get3A_214 = tpu.vector_load %arg8[%get3A_212, %get3A_213] {strides = array<i32>} : memref<32x1024xf32, #tpu.memory_space<vmem>>, vector<16xf32>,
      %get3A_215 = arith.index_cast %scan3A_42 : i32 to index
      %get3A_216 = arith.constant 272 : index
      %get3A_217 = tpu.vector_load %arg9[%get3A_215, %get3A_216] {strides = array<i32>} : memref<32x1024xf32, #tpu.memory_space<vmem>>, vector<16xf32>,
      %add3A_218 = arith.addf %get3A_214, %get3A_217 : vector<16xf32>
      %swap3A_219 = arith.index_cast %scan3A_42 : i32 to index
      %swap3A_220 = arith.constant 272 : index
      %swap3A_221 = tpu.vector_load %arg8[%swap3A_219, %swap3A_220] {strides = array<i32>} : memref<32x1024xf32, #tpu.memory_space<vmem>>, vector<16xf32>,
      tpu.vector_store %arg8[%swap3A_219, %swap3A_220], %add3A_218 {strides = array<i32>} : memref<32x1024xf32, #tpu.memory_space<vmem>>, vector<16xf32>,
      %get3A_222 = arith.index_cast %scan3A_42 : i32 to index
      %get3A_223 = arith.constant 288 : index
      %get3A_224 = tpu.vector_load %arg8[%get3A_222, %get3A_223] {strides = array<i32>} : memref<32x1024xf32, #tpu.memory_space<vmem>>, vector<16xf32>,
      %get3A_225 = arith.index_cast %scan3A_42 : i32 to index
      %get3A_226 = arith.constant 288 : index
      %get3A_227 = tpu.vector_load %arg9[%get3A_225, %get3A_226] {strides = array<i32>} : memref<32x1024xf32, #tpu.memory_space<vmem>>, vector<16xf32>,
      %add3A_228 = arith.addf %get3A_224, %get3A_227 : vector<16xf32>
      %swap3A_229 = arith.index_cast %scan3A_42 : i32 to index
      %swap3A_230 = arith.constant 288 : index
      %swap3A_231 = tpu.vector_load %arg8[%swap3A_229, %swap3A_230] {strides = array<i32>} : memref<32x1024xf32, #tpu.memory_space<vmem>>, vector<16xf32>,
      tpu.vector_store %arg8[%swap3A_229, %swap3A_230], %add3A_228 {strides = array<i32>} : memref<32x1024xf32, #tpu.memory_space<vmem>>, vector<16xf32>,
      %get3A_232 = arith.index_cast %scan3A_42 : i32 to index
      %get3A_233 = arith.constant 304 : index
      %get3A_234 = tpu.vector_load %arg8[%get3A_232, %get3A_233] {strides = array<i32>} : memref<32x1024xf32, #tpu.memory_space<vmem>>, vector<16xf32>,
      %get3A_235 = arith.index_cast %scan3A_42 : i32 to index
      %get3A_236 = arith.constant 304 : index
      %get3A_237 = tpu.vector_load %arg9[%get3A_235, %get3A_236] {strides = array<i32>} : memref<32x1024xf32, #tpu.memory_space<vmem>>, vector<16xf32>,
      %add3A_238 = arith.addf %get3A_234, %get3A_237 : vector<16xf32>
      %swap3A_239 = arith.index_cast %scan3A_42 : i32 to index
      %swap3A_240 = arith.constant 304 : index
      %swap3A_241 = tpu.vector_load %arg8[%swap3A_239, %swap3A_240] {strides = array<i32>} : memref<32x1024xf32, #tpu.memory_space<vmem>>, vector<16xf32>,
      tpu.vector_store %arg8[%swap3A_239, %swap3A_240], %add3A_238 {strides = array<i32>} : memref<32x1024xf32, #tpu.memory_space<vmem>>, vector<16xf32>,
      %get3A_242 = arith.index_cast %scan3A_42 : i32 to index
      %get3A_243 = arith.constant 320 : index
      %get3A_244 = tpu.vector_load %arg8[%get3A_242, %get3A_243] {strides = array<i32>} : memref<32x1024xf32, #tpu.memory_space<vmem>>, vector<16xf32>,
      %get3A_245 = arith.index_cast %scan3A_42 : i32 to index
      %get3A_246 = arith.constant 320 : index
      %get3A_247 = tpu.vector_load %arg9[%get3A_245, %get3A_246] {strides = array<i32>} : memref<32x1024xf32, #tpu.memory_space<vmem>>, vector<16xf32>,
      %add3A_248 = arith.addf %get3A_244, %get3A_247 : vector<16xf32>
      %swap3A_249 = arith.index_cast %scan3A_42 : i32 to index
      %swap3A_250 = arith.constant 320 : index
      %swap3A_251 = tpu.vector_load %arg8[%swap3A_249, %swap3A_250] {strides = array<i32>} : memref<32x1024xf32, #tpu.memory_space<vmem>>, vector<16xf32>,
      tpu.vector_store %arg8[%swap3A_249, %swap3A_250], %add3A_248 {strides = array<i32>} : memref<32x1024xf32, #tpu.memory_space<vmem>>, vector<16xf32>,
      %get3A_252 = arith.index_cast %scan3A_42 : i32 to index
      %get3A_253 = arith.constant 336 : index
      %get3A_254 = tpu.vector_load %arg8[%get3A_252, %get3A_253] {strides = array<i32>} : memref<32x1024xf32, #tpu.memory_space<vmem>>, vector<16xf32>,
      %get3A_255 = arith.index_cast %scan3A_42 : i32 to index
      %get3A_256 = arith.constant 336 : index
      %get3A_257 = tpu.vector_load %arg9[%get3A_255, %get3A_256] {strides = array<i32>} : memref<32x1024xf32, #tpu.memory_space<vmem>>, vector<16xf32>,
      %add3A_258 = arith.addf %get3A_254, %get3A_257 : vector<16xf32>
      %swap3A_259 = arith.index_cast %scan3A_42 : i32 to index
      %swap3A_260 = arith.constant 336 : index
      %swap3A_261 = tpu.vector_load %arg8[%swap3A_259, %swap3A_260] {strides = array<i32>} : memref<32x1024xf32, #tpu.memory_space<vmem>>, vector<16xf32>,
      tpu.vector_store %arg8[%swap3A_259, %swap3A_260], %add3A_258 {strides = array<i32>} : memref<32x1024xf32, #tpu.memory_space<vmem>>, vector<16xf32>,
      %get3A_262 = arith.index_cast %scan3A_42 : i32 to index
      %get3A_263 = arith.constant 352 : index
      %get3A_264 = tpu.vector_load %arg8[%get3A_262, %get3A_263] {strides = array<i32>} : memref<32x1024xf32, #tpu.memory_space<vmem>>, vector<16xf32>,
      %get3A_265 = arith.index_cast %scan3A_42 : i32 to index
      %get3A_266 = arith.constant 352 : index
      %get3A_267 = tpu.vector_load %arg9[%get3A_265, %get3A_266] {strides = array<i32>} : memref<32x1024xf32, #tpu.memory_space<vmem>>, vector<16xf32>,
      %add3A_268 = arith.addf %get3A_264, %get3A_267 : vector<16xf32>
      %swap3A_269 = arith.index_cast %scan3A_42 : i32 to index
      %swap3A_270 = arith.constant 352 : index
      %swap3A_271 = tpu.vector_load %arg8[%swap3A_269, %swap3A_270] {strides = array<i32>} : memref<32x1024xf32, #tpu.memory_space<vmem>>, vector<16xf32>,
      tpu.vector_store %arg8[%swap3A_269, %swap3A_270], %add3A_268 {strides = array<i32>} : memref<32x1024xf32, #tpu.memory_space<vmem>>, vector<16xf32>,
      %get3A_272 = arith.index_cast %scan3A_42 : i32 to index
      %get3A_273 = arith.constant 368 : index
      %get3A_274 = tpu.vector_load %arg8[%get3A_272, %get3A_273] {strides = array<i32>} : memref<32x1024xf32, #tpu.memory_space<vmem>>, vector<16xf32>,
      %get3A_275 = arith.index_cast %scan3A_42 : i32 to index
      %get3A_276 = arith.constant 368 : index
      %get3A_277 = tpu.vector_load %arg9[%get3A_275, %get3A_276] {strides = array<i32>} : memref<32x1024xf32, #tpu.memory_space<vmem>>, vector<16xf32>,
      %add3A_278 = arith.addf %get3A_274, %get3A_277 : vector<16xf32>
      %swap3A_279 = arith.index_cast %scan3A_42 : i32 to index
      %swap3A_280 = arith.constant 368 : index
      %swap3A_281 = tpu.vector_load %arg8[%swap3A_279, %swap3A_280] {strides = array<i32>} : memref<32x1024xf32, #tpu.memory_space<vmem>>, vector<16xf32>,
      tpu.vector_store %arg8[%swap3A_279, %swap3A_280], %add3A_278 {strides = array<i32>} : memref<32x1024xf32, #tpu.memory_space<vmem>>, vector<16xf32>,
      %get3A_282 = arith.index_cast %scan3A_42 : i32 to index
      %get3A_283 = arith.constant 384 : index
      %get3A_284 = tpu.vector_load %arg8[%get3A_282, %get3A_283] {strides = array<i32>} : memref<32x1024xf32, #tpu.memory_space<vmem>>, vector<16xf32>,
      %get3A_285 = arith.index_cast %scan3A_42 : i32 to index
      %get3A_286 = arith.constant 384 : index
      %get3A_287 = tpu.vector_load %arg9[%get3A_285, %get3A_286] {strides = array<i32>} : memref<32x1024xf32, #tpu.memory_space<vmem>>, vector<16xf32>,
      %add3A_288 = arith.addf %get3A_284, %get3A_287 : vector<16xf32>
      %swap3A_289 = arith.index_cast %scan3A_42 : i32 to index
      %swap3A_290 = arith.constant 384 : index
      %swap3A_291 = tpu.vector_load %arg8[%swap3A_289, %swap3A_290] {strides = array<i32>} : memref<32x1024xf32, #tpu.memory_space<vmem>>, vector<16xf32>,
      tpu.vector_store %arg8[%swap3A_289, %swap3A_290], %add3A_288 {strides = array<i32>} : memref<32x1024xf32, #tpu.memory_space<vmem>>, vector<16xf32>,
      %get3A_292 = arith.index_cast %scan3A_42 : i32 to index
      %get3A_293 = arith.constant 400 : index
      %get3A_294 = tpu.vector_load %arg8[%get3A_292, %get3A_293] {strides = array<i32>} : memref<32x1024xf32, #tpu.memory_space<vmem>>, vector<16xf32>,
      %get3A_295 = arith.index_cast %scan3A_42 : i32 to index
      %get3A_296 = arith.constant 400 : index
      %get3A_297 = tpu.vector_load %arg9[%get3A_295, %get3A_296] {strides = array<i32>} : memref<32x1024xf32, #tpu.memory_space<vmem>>, vector<16xf32>,
      %add3A_298 = arith.addf %get3A_294, %get3A_297 : vector<16xf32>
      %swap3A_299 = arith.index_cast %scan3A_42 : i32 to index
      %swap3A_300 = arith.constant 400 : index
      %swap3A_301 = tpu.vector_load %arg8[%swap3A_299, %swap3A_300] {strides = array<i32>} : memref<32x1024xf32, #tpu.memory_space<vmem>>, vector<16xf32>,
      tpu.vector_store %arg8[%swap3A_299, %swap3A_300], %add3A_298 {strides = array<i32>} : memref<32x1024xf32, #tpu.memory_space<vmem>>, vector<16xf32>,
      %get3A_302 = arith.index_cast %scan3A_42 : i32 to index
      %get3A_303 = arith.constant 416 : index
      %get3A_304 = tpu.vector_load %arg8[%get3A_302, %get3A_303] {strides = array<i32>} : memref<32x1024xf32, #tpu.memory_space<vmem>>, vector<16xf32>,
      %get3A_305 = arith.index_cast %scan3A_42 : i32 to index
      %get3A_306 = arith.constant 416 : index
      %get3A_307 = tpu.vector_load %arg9[%get3A_305, %get3A_306] {strides = array<i32>} : memref<32x1024xf32, #tpu.memory_space<vmem>>, vector<16xf32>,
      %add3A_308 = arith.addf %get3A_304, %get3A_307 : vector<16xf32>
      %swap3A_309 = arith.index_cast %scan3A_42 : i32 to index
      %swap3A_310 = arith.constant 416 : index
      %swap3A_311 = tpu.vector_load %arg8[%swap3A_309, %swap3A_310] {strides = array<i32>} : memref<32x1024xf32, #tpu.memory_space<vmem>>, vector<16xf32>,
      tpu.vector_store %arg8[%swap3A_309, %swap3A_310], %add3A_308 {strides = array<i32>} : memref<32x1024xf32, #tpu.memory_space<vmem>>, vector<16xf32>,
      %get3A_312 = arith.index_cast %scan3A_42 : i32 to index
      %get3A_313 = arith.constant 432 : index
      %get3A_314 = tpu.vector_load %arg8[%get3A_312, %get3A_313] {strides = array<i32>} : memref<32x1024xf32, #tpu.memory_space<vmem>>, vector<16xf32>,
      %get3A_315 = arith.index_cast %scan3A_42 : i32 to index
      %get3A_316 = arith.constant 432 : index
      %get3A_317 = tpu.vector_load %arg9[%get3A_315, %get3A_316] {strides = array<i32>} : memref<32x1024xf32, #tpu.memory_space<vmem>>, vector<16xf32>,
      %add3A_318 = arith.addf %get3A_314, %get3A_317 : vector<16xf32>
      %swap3A_319 = arith.index_cast %scan3A_42 : i32 to index
      %swap3A_320 = arith.constant 432 : index
      %swap3A_321 = tpu.vector_load %arg8[%swap3A_319, %swap3A_320] {strides = array<i32>} : memref<32x1024xf32, #tpu.memory_space<vmem>>, vector<16xf32>,
      tpu.vector_store %arg8[%swap3A_319, %swap3A_320], %add3A_318 {strides = array<i32>} : memref<32x1024xf32, #tpu.memory_space<vmem>>, vector<16xf32>,
      %get3A_322 = arith.index_cast %scan3A_42 : i32 to index
      %get3A_323 = arith.constant 448 : index
      %get3A_324 = tpu.vector_load %arg8[%get3A_322, %get3A_323] {strides = array<i32>} : memref<32x1024xf32, #tpu.memory_space<vmem>>, vector<16xf32>,
      %get3A_325 = arith.index_cast %scan3A_42 : i32 to index
      %get3A_326 = arith.constant 448 : index
      %get3A_327 = tpu.vector_load %arg9[%get3A_325, %get3A_326] {strides = array<i32>} : memref<32x1024xf32, #tpu.memory_space<vmem>>, vector<16xf32>,
      %add3A_328 = arith.addf %get3A_324, %get3A_327 : vector<16xf32>
      %swap3A_329 = arith.index_cast %scan3A_42 : i32 to index
      %swap3A_330 = arith.constant 448 : index
      %swap3A_331 = tpu.vector_load %arg8[%swap3A_329, %swap3A_330] {strides = array<i32>} : memref<32x1024xf32, #tpu.memory_space<vmem>>, vector<16xf32>,
      tpu.vector_store %arg8[%swap3A_329, %swap3A_330], %add3A_328 {strides = array<i32>} : memref<32x1024xf32, #tpu.memory_space<vmem>>, vector<16xf32>,
      %get3A_332 = arith.index_cast %scan3A_42 : i32 to index
      %get3A_333 = arith.constant 464 : index
      %get3A_334 = tpu.vector_load %arg8[%get3A_332, %get3A_333] {strides = array<i32>} : memref<32x1024xf32, #tpu.memory_space<vmem>>, vector<16xf32>,
      %get3A_335 = arith.index_cast %scan3A_42 : i32 to index
      %get3A_336 = arith.constant 464 : index
      %get3A_337 = tpu.vector_load %arg9[%get3A_335, %get3A_336] {strides = array<i32>} : memref<32x1024xf32, #tpu.memory_space<vmem>>, vector<16xf32>,
      %add3A_338 = arith.addf %get3A_334, %get3A_337 : vector<16xf32>
      %swap3A_339 = arith.index_cast %scan3A_42 : i32 to index
      %swap3A_340 = arith.constant 464 : index
      %swap3A_341 = tpu.vector_load %arg8[%swap3A_339, %swap3A_340] {strides = array<i32>} : memref<32x1024xf32, #tpu.memory_space<vmem>>, vector<16xf32>,
      tpu.vector_store %arg8[%swap3A_339, %swap3A_340], %add3A_338 {strides = array<i32>} : memref<32x1024xf32, #tpu.memory_space<vmem>>, vector<16xf32>,
      %get3A_342 = arith.index_cast %scan3A_42 : i32 to index
      %get3A_343 = arith.constant 480 : index
      %get3A_344 = tpu.vector_load %arg8[%get3A_342, %get3A_343] {strides = array<i32>} : memref<32x1024xf32, #tpu.memory_space<vmem>>, vector<16xf32>,
      %get3A_345 = arith.index_cast %scan3A_42 : i32 to index
      %get3A_346 = arith.constant 480 : index
      %get3A_347 = tpu.vector_load %arg9[%get3A_345, %get3A_346] {strides = array<i32>} : memref<32x1024xf32, #tpu.memory_space<vmem>>, vector<16xf32>,
      %add3A_348 = arith.addf %get3A_344, %get3A_347 : vector<16xf32>
      %swap3A_349 = arith.index_cast %scan3A_42 : i32 to index
      %swap3A_350 = arith.constant 480 : index
      %swap3A_351 = tpu.vector_load %arg8[%swap3A_349, %swap3A_350] {strides = array<i32>} : memref<32x1024xf32, #tpu.memory_space<vmem>>, vector<16xf32>,
      tpu.vector_store %arg8[%swap3A_349, %swap3A_350], %add3A_348 {strides = array<i32>} : memref<32x1024xf32, #tpu.memory_space<vmem>>, vector<16xf32>,
      %get3A_352 = arith.index_cast %scan3A_42 : i32 to index
      %get3A_353 = arith.constant 496 : index
      %get3A_354 = tpu.vector_load %arg8[%get3A_352, %get3A_353] {strides = array<i32>} : memref<32x1024xf32, #tpu.memory_space<vmem>>, vector<16xf32>,
      %get3A_355 = arith.index_cast %scan3A_42 : i32 to index
      %get3A_356 = arith.constant 496 : index
      %get3A_357 = tpu.vector_load %arg9[%get3A_355, %get3A_356] {strides = array<i32>} : memref<32x1024xf32, #tpu.memory_space<vmem>>, vector<16xf32>,
      %add3A_358 = arith.addf %get3A_354, %get3A_357 : vector<16xf32>
      %swap3A_359 = arith.index_cast %scan3A_42 : i32 to index
      %swap3A_360 = arith.constant 496 : index
      %swap3A_361 = tpu.vector_load %arg8[%swap3A_359, %swap3A_360] {strides = array<i32>} : memref<32x1024xf32, #tpu.memory_space<vmem>>, vector<16xf32>,
      tpu.vector_store %arg8[%swap3A_359, %swap3A_360], %add3A_358 {strides = array<i32>} : memref<32x1024xf32, #tpu.memory_space<vmem>>, vector<16xf32>,
      %get3A_362 = arith.index_cast %scan3A_42 : i32 to index
      %get3A_363 = arith.constant 512 : index
      %get3A_364 = tpu.vector_load %arg8[%get3A_362, %get3A_363] {strides = array<i32>} : memref<32x1024xf32, #tpu.memory_space<vmem>>, vector<16xf32>,
      %get3A_365 = arith.index_cast %scan3A_42 : i32 to index
      %get3A_366 = arith.constant 512 : index
      %get3A_367 = tpu.vector_load %arg9[%get3A_365, %get3A_366] {strides = array<i32>} : memref<32x1024xf32, #tpu.memory_space<vmem>>, vector<16xf32>,
      %add3A_368 = arith.addf %get3A_364, %get3A_367 : vector<16xf32>
      %swap3A_369 = arith.index_cast %scan3A_42 : i32 to index
      %swap3A_370 = arith.constant 512 : index
      %swap3A_371 = tpu.vector_load %arg8[%swap3A_369, %swap3A_370] {strides = array<i32>} : memref<32x1024xf32, #tpu.memory_space<vmem>>, vector<16xf32>,
      tpu.vector_store %arg8[%swap3A_369, %swap3A_370], %add3A_368 {strides = array<i32>} : memref<32x1024xf32, #tpu.memory_space<vmem>>, vector<16xf32>,
      %get3A_372 = arith.index_cast %scan3A_42 : i32 to index
      %get3A_373 = arith.constant 528 : index
      %get3A_374 = tpu.vector_load %arg8[%get3A_372, %get3A_373] {strides = array<i32>} : memref<32x1024xf32, #tpu.memory_space<vmem>>, vector<16xf32>,
      %get3A_375 = arith.index_cast %scan3A_42 : i32 to index
      %get3A_376 = arith.constant 528 : index
      %get3A_377 = tpu.vector_load %arg9[%get3A_375, %get3A_376] {strides = array<i32>} : memref<32x1024xf32, #tpu.memory_space<vmem>>, vector<16xf32>,
      %add3A_378 = arith.addf %get3A_374, %get3A_377 : vector<16xf32>
      %swap3A_379 = arith.index_cast %scan3A_42 : i32 to index
      %swap3A_380 = arith.constant 528 : index
      %swap3A_381 = tpu.vector_load %arg8[%swap3A_379, %swap3A_380] {strides = array<i32>} : memref<32x1024xf32, #tpu.memory_space<vmem>>, vector<16xf32>,
      tpu.vector_store %arg8[%swap3A_379, %swap3A_380], %add3A_378 {strides = array<i32>} : memref<32x1024xf32, #tpu.memory_space<vmem>>, vector<16xf32>,
      %get3A_382 = arith.index_cast %scan3A_42 : i32 to index
      %get3A_383 = arith.constant 544 : index
      %get3A_384 = tpu.vector_load %arg8[%get3A_382, %get3A_383] {strides = array<i32>} : memref<32x1024xf32, #tpu.memory_space<vmem>>, vector<16xf32>,
      %get3A_385 = arith.index_cast %scan3A_42 : i32 to index
      %get3A_386 = arith.constant 544 : index
      %get3A_387 = tpu.vector_load %arg9[%get3A_385, %get3A_386] {strides = array<i32>} : memref<32x1024xf32, #tpu.memory_space<vmem>>, vector<16xf32>,
      %add3A_388 = arith.addf %get3A_384, %get3A_387 : vector<16xf32>
      %swap3A_389 = arith.index_cast %scan3A_42 : i32 to index
      %swap3A_390 = arith.constant 544 : index
      %swap3A_391 = tpu.vector_load %arg8[%swap3A_389, %swap3A_390] {strides = array<i32>} : memref<32x1024xf32, #tpu.memory_space<vmem>>, vector<16xf32>,
      tpu.vector_store %arg8[%swap3A_389, %swap3A_390], %add3A_388 {strides = array<i32>} : memref<32x1024xf32, #tpu.memory_space<vmem>>, vector<16xf32>,
      %get3A_392 = arith.index_cast %scan3A_42 : i32 to index
      %get3A_393 = arith.constant 560 : index
      %get3A_394 = tpu.vector_load %arg8[%get3A_392, %get3A_393] {strides = array<i32>} : memref<32x1024xf32, #tpu.memory_space<vmem>>, vector<16xf32>,
      %get3A_395 = arith.index_cast %scan3A_42 : i32 to index
      %get3A_396 = arith.constant 560 : index
      %get3A_397 = tpu.vector_load %arg9[%get3A_395, %get3A_396] {strides = array<i32>} : memref<32x1024xf32, #tpu.memory_space<vmem>>, vector<16xf32>,
      %add3A_398 = arith.addf %get3A_394, %get3A_397 : vector<16xf32>
      %swap3A_399 = arith.index_cast %scan3A_42 : i32 to index
      %swap3A_400 = arith.constant 560 : index
      %swap3A_401 = tpu.vector_load %arg8[%swap3A_399, %swap3A_400] {strides = array<i32>} : memref<32x1024xf32, #tpu.memory_space<vmem>>, vector<16xf32>,
      tpu.vector_store %arg8[%swap3A_399, %swap3A_400], %add3A_398 {strides = array<i32>} : memref<32x1024xf32, #tpu.memory_space<vmem>>, vector<16xf32>,
      %get3A_402 = arith.index_cast %scan3A_42 : i32 to index
      %get3A_403 = arith.constant 576 : index
      %get3A_404 = tpu.vector_load %arg8[%get3A_402, %get3A_403] {strides = array<i32>} : memref<32x1024xf32, #tpu.memory_space<vmem>>, vector<16xf32>,
      %get3A_405 = arith.index_cast %scan3A_42 : i32 to index
      %get3A_406 = arith.constant 576 : index
      %get3A_407 = tpu.vector_load %arg9[%get3A_405, %get3A_406] {strides = array<i32>} : memref<32x1024xf32, #tpu.memory_space<vmem>>, vector<16xf32>,
      %add3A_408 = arith.addf %get3A_404, %get3A_407 : vector<16xf32>
      %swap3A_409 = arith.index_cast %scan3A_42 : i32 to index
      %swap3A_410 = arith.constant 576 : index
      %swap3A_411 = tpu.vector_load %arg8[%swap3A_409, %swap3A_410] {strides = array<i32>} : memref<32x1024xf32, #tpu.memory_space<vmem>>, vector<16xf32>,
      tpu.vector_store %arg8[%swap3A_409, %swap3A_410], %add3A_408 {strides = array<i32>} : memref<32x1024xf32, #tpu.memory_space<vmem>>, vector<16xf32>,
      %get3A_412 = arith.index_cast %scan3A_42 : i32 to index
      %get3A_413 = arith.constant 592 : index
      %get3A_414 = tpu.vector_load %arg8[%get3A_412, %get3A_413] {strides = array<i32>} : memref<32x1024xf32, #tpu.memory_space<vmem>>, vector<16xf32>,
      %get3A_415 = arith.index_cast %scan3A_42 : i32 to index
      %get3A_416 = arith.constant 592 : index
      %get3A_417 = tpu.vector_load %arg9[%get3A_415, %get3A_416] {strides = array<i32>} : memref<32x1024xf32, #tpu.memory_space<vmem>>, vector<16xf32>,
      %add3A_418 = arith.addf %get3A_414, %get3A_417 : vector<16xf32>
      %swap3A_419 = arith.index_cast %scan3A_42 : i32 to index
      %swap3A_420 = arith.constant 592 : index
      %swap3A_421 = tpu.vector_load %arg8[%swap3A_419, %swap3A_420] {strides = array<i32>} : memref<32x1024xf32, #tpu.memory_space<vmem>>, vector<16xf32>,
      tpu.vector_store %arg8[%swap3A_419, %swap3A_420], %add3A_418 {strides = array<i32>} : memref<32x1024xf32, #tpu.memory_space<vmem>>, vector<16xf32>,
      %get3A_422 = arith.index_cast %scan3A_42 : i32 to index
      %get3A_423 = arith.constant 608 : index
      %get3A_424 = tpu.vector_load %arg8[%get3A_422, %get3A_423] {strides = array<i32>} : memref<32x1024xf32, #tpu.memory_space<vmem>>, vector<16xf32>,
      %get3A_425 = arith.index_cast %scan3A_42 : i32 to index
      %get3A_426 = arith.constant 608 : index
      %get3A_427 = tpu.vector_load %arg9[%get3A_425, %get3A_426] {strides = array<i32>} : memref<32x1024xf32, #tpu.memory_space<vmem>>, vector<16xf32>,
      %add3A_428 = arith.addf %get3A_424, %get3A_427 : vector<16xf32>
      %swap3A_429 = arith.index_cast %scan3A_42 : i32 to index
      %swap3A_430 = arith.constant 608 : index
      %swap3A_431 = tpu.vector_load %arg8[%swap3A_429, %swap3A_430] {strides = array<i32>} : memref<32x1024xf32, #tpu.memory_space<vmem>>, vector<16xf32>,
      tpu.vector_store %arg8[%swap3A_429, %swap3A_430], %add3A_428 {strides = array<i32>} : memref<32x1024xf32, #tpu.memory_space<vmem>>, vector<16xf32>,
      %get3A_432 = arith.index_cast %scan3A_42 : i32 to index
      %get3A_433 = arith.constant 624 : index
      %get3A_434 = tpu.vector_load %arg8[%get3A_432, %get3A_433] {strides = array<i32>} : memref<32x1024xf32, #tpu.memory_space<vmem>>, vector<16xf32>,
      %get3A_435 = arith.index_cast %scan3A_42 : i32 to index
      %get3A_436 = arith.constant 624 : index
      %get3A_437 = tpu.vector_load %arg9[%get3A_435, %get3A_436] {strides = array<i32>} : memref<32x1024xf32, #tpu.memory_space<vmem>>, vector<16xf32>,
      %add3A_438 = arith.addf %get3A_434, %get3A_437 : vector<16xf32>
      %swap3A_439 = arith.index_cast %scan3A_42 : i32 to index
      %swap3A_440 = arith.constant 624 : index
      %swap3A_441 = tpu.vector_load %arg8[%swap3A_439, %swap3A_440] {strides = array<i32>} : memref<32x1024xf32, #tpu.memory_space<vmem>>, vector<16xf32>,
      tpu.vector_store %arg8[%swap3A_439, %swap3A_440], %add3A_438 {strides = array<i32>} : memref<32x1024xf32, #tpu.memory_space<vmem>>, vector<16xf32>,
      %get3A_442 = arith.index_cast %scan3A_42 : i32 to index
      %get3A_443 = arith.constant 640 : index
      %get3A_444 = tpu.vector_load %arg8[%get3A_442, %get3A_443] {strides = array<i32>} : memref<32x1024xf32, #tpu.memory_space<vmem>>, vector<16xf32>,
      %get3A_445 = arith.index_cast %scan3A_42 : i32 to index
      %get3A_446 = arith.constant 640 : index
      %get3A_447 = tpu.vector_load %arg9[%get3A_445, %get3A_446] {strides = array<i32>} : memref<32x1024xf32, #tpu.memory_space<vmem>>, vector<16xf32>,
      %add3A_448 = arith.addf %get3A_444, %get3A_447 : vector<16xf32>
      %swap3A_449 = arith.index_cast %scan3A_42 : i32 to index
      %swap3A_450 = arith.constant 640 : index
      %swap3A_451 = tpu.vector_load %arg8[%swap3A_449, %swap3A_450] {strides = array<i32>} : memref<32x1024xf32, #tpu.memory_space<vmem>>, vector<16xf32>,
      tpu.vector_store %arg8[%swap3A_449, %swap3A_450], %add3A_448 {strides = array<i32>} : memref<32x1024xf32, #tpu.memory_space<vmem>>, vector<16xf32>,
      %get3A_452 = arith.index_cast %scan3A_42 : i32 to index
      %get3A_453 = arith.constant 656 : index
      %get3A_454 = tpu.vector_load %arg8[%get3A_452, %get3A_453] {strides = array<i32>} : memref<32x1024xf32, #tpu.memory_space<vmem>>, vector<16xf32>,
      %get3A_455 = arith.index_cast %scan3A_42 : i32 to index
      %get3A_456 = arith.constant 656 : index
      %get3A_457 = tpu.vector_load %arg9[%get3A_455, %get3A_456] {strides = array<i32>} : memref<32x1024xf32, #tpu.memory_space<vmem>>, vector<16xf32>,
      %add3A_458 = arith.addf %get3A_454, %get3A_457 : vector<16xf32>
      %swap3A_459 = arith.index_cast %scan3A_42 : i32 to index
      %swap3A_460 = arith.constant 656 : index
      %swap3A_461 = tpu.vector_load %arg8[%swap3A_459, %swap3A_460] {strides = array<i32>} : memref<32x1024xf32, #tpu.memory_space<vmem>>, vector<16xf32>,
      tpu.vector_store %arg8[%swap3A_459, %swap3A_460], %add3A_458 {strides = array<i32>} : memref<32x1024xf32, #tpu.memory_space<vmem>>, vector<16xf32>,
      %get3A_462 = arith.index_cast %scan3A_42 : i32 to index
      %get3A_463 = arith.constant 672 : index
      %get3A_464 = tpu.vector_load %arg8[%get3A_462, %get3A_463] {strides = array<i32>} : memref<32x1024xf32, #tpu.memory_space<vmem>>, vector<16xf32>,
      %get3A_465 = arith.index_cast %scan3A_42 : i32 to index
      %get3A_466 = arith.constant 672 : index
      %get3A_467 = tpu.vector_load %arg9[%get3A_465, %get3A_466] {strides = array<i32>} : memref<32x1024xf32, #tpu.memory_space<vmem>>, vector<16xf32>,
      %add3A_468 = arith.addf %get3A_464, %get3A_467 : vector<16xf32>
      %swap3A_469 = arith.index_cast %scan3A_42 : i32 to index
      %swap3A_470 = arith.constant 672 : index
      %swap3A_471 = tpu.vector_load %arg8[%swap3A_469, %swap3A_470] {strides = array<i32>} : memref<32x1024xf32, #tpu.memory_space<vmem>>, vector<16xf32>,
      tpu.vector_store %arg8[%swap3A_469, %swap3A_470], %add3A_468 {strides = array<i32>} : memref<32x1024xf32, #tpu.memory_space<vmem>>, vector<16xf32>,
      %get3A_472 = arith.index_cast %scan3A_42 : i32 to index
      %get3A_473 = arith.constant 688 : index
      %get3A_474 = tpu.vector_load %arg8[%get3A_472, %get3A_473] {strides = array<i32>} : memref<32x1024xf32, #tpu.memory_space<vmem>>, vector<16xf32>,
      %get3A_475 = arith.index_cast %scan3A_42 : i32 to index
      %get3A_476 = arith.constant 688 : index
      %get3A_477 = tpu.vector_load %arg9[%get3A_475, %get3A_476] {strides = array<i32>} : memref<32x1024xf32, #tpu.memory_space<vmem>>, vector<16xf32>,
      %add3A_478 = arith.addf %get3A_474, %get3A_477 : vector<16xf32>
      %swap3A_479 = arith.index_cast %scan3A_42 : i32 to index
      %swap3A_480 = arith.constant 688 : index
      %swap3A_481 = tpu.vector_load %arg8[%swap3A_479, %swap3A_480] {strides = array<i32>} : memref<32x1024xf32, #tpu.memory_space<vmem>>, vector<16xf32>,
      tpu.vector_store %arg8[%swap3A_479, %swap3A_480], %add3A_478 {strides = array<i32>} : memref<32x1024xf32, #tpu.memory_space<vmem>>, vector<16xf32>,
      %get3A_482 = arith.index_cast %scan3A_42 : i32 to index
      %get3A_483 = arith.constant 704 : index
      %get3A_484 = tpu.vector_load %arg8[%get3A_482, %get3A_483] {strides = array<i32>} : memref<32x1024xf32, #tpu.memory_space<vmem>>, vector<16xf32>,
      %get3A_485 = arith.index_cast %scan3A_42 : i32 to index
      %get3A_486 = arith.constant 704 : index
      %get3A_487 = tpu.vector_load %arg9[%get3A_485, %get3A_486] {strides = array<i32>} : memref<32x1024xf32, #tpu.memory_space<vmem>>, vector<16xf32>,
      %add3A_488 = arith.addf %get3A_484, %get3A_487 : vector<16xf32>
      %swap3A_489 = arith.index_cast %scan3A_42 : i32 to index
      %swap3A_490 = arith.constant 704 : index
      %swap3A_491 = tpu.vector_load %arg8[%swap3A_489, %swap3A_490] {strides = array<i32>} : memref<32x1024xf32, #tpu.memory_space<vmem>>, vector<16xf32>,
      tpu.vector_store %arg8[%swap3A_489, %swap3A_490], %add3A_488 {strides = array<i32>} : memref<32x1024xf32, #tpu.memory_space<vmem>>, vector<16xf32>,
      %get3A_492 = arith.index_cast %scan3A_42 : i32 to index
      %get3A_493 = arith.constant 720 : index
      %get3A_494 = tpu.vector_load %arg8[%get3A_492, %get3A_493] {strides = array<i32>} : memref<32x1024xf32, #tpu.memory_space<vmem>>, vector<16xf32>,
      %get3A_495 = arith.index_cast %scan3A_42 : i32 to index
      %get3A_496 = arith.constant 720 : index
      %get3A_497 = tpu.vector_load %arg9[%get3A_495, %get3A_496] {strides = array<i32>} : memref<32x1024xf32, #tpu.memory_space<vmem>>, vector<16xf32>,
      %add3A_498 = arith.addf %get3A_494, %get3A_497 : vector<16xf32>
      %swap3A_499 = arith.index_cast %scan3A_42 : i32 to index
      %swap3A_500 = arith.constant 720 : index
      %swap3A_501 = tpu.vector_load %arg8[%swap3A_499, %swap3A_500] {strides = array<i32>} : memref<32x1024xf32, #tpu.memory_space<vmem>>, vector<16xf32>,
      tpu.vector_store %arg8[%swap3A_499, %swap3A_500], %add3A_498 {strides = array<i32>} : memref<32x1024xf32, #tpu.memory_space<vmem>>, vector<16xf32>,
      %get3A_502 = arith.index_cast %scan3A_42 : i32 to index
      %get3A_503 = arith.constant 736 : index
      %get3A_504 = tpu.vector_load %arg8[%get3A_502, %get3A_503] {strides = array<i32>} : memref<32x1024xf32, #tpu.memory_space<vmem>>, vector<16xf32>,
      %get3A_505 = arith.index_cast %scan3A_42 : i32 to index
      %get3A_506 = arith.constant 736 : index
      %get3A_507 = tpu.vector_load %arg9[%get3A_505, %get3A_506] {strides = array<i32>} : memref<32x1024xf32, #tpu.memory_space<vmem>>, vector<16xf32>,
      %add3A_508 = arith.addf %get3A_504, %get3A_507 : vector<16xf32>
      %swap3A_509 = arith.index_cast %scan3A_42 : i32 to index
      %swap3A_510 = arith.constant 736 : index
      %swap3A_511 = tpu.vector_load %arg8[%swap3A_509, %swap3A_510] {strides = array<i32>} : memref<32x1024xf32, #tpu.memory_space<vmem>>, vector<16xf32>,
      tpu.vector_store %arg8[%swap3A_509, %swap3A_510], %add3A_508 {strides = array<i32>} : memref<32x1024xf32, #tpu.memory_space<vmem>>, vector<16xf32>,
      %get3A_512 = arith.index_cast %scan3A_42 : i32 to index
      %get3A_513 = arith.constant 752 : index
      %get3A_514 = tpu.vector_load %arg8[%get3A_512, %get3A_513] {strides = array<i32>} : memref<32x1024xf32, #tpu.memory_space<vmem>>, vector<16xf32>,
      %get3A_515 = arith.index_cast %scan3A_42 : i32 to index
      %get3A_516 = arith.constant 752 : index
      %get3A_517 = tpu.vector_load %arg9[%get3A_515, %get3A_516] {strides = array<i32>} : memref<32x1024xf32, #tpu.memory_space<vmem>>, vector<16xf32>,
      %add3A_518 = arith.addf %get3A_514, %get3A_517 : vector<16xf32>
      %swap3A_519 = arith.index_cast %scan3A_42 : i32 to index
      %swap3A_520 = arith.constant 752 : index
      %swap3A_521 = tpu.vector_load %arg8[%swap3A_519, %swap3A_520] {strides = array<i32>} : memref<32x1024xf32, #tpu.memory_space<vmem>>, vector<16xf32>,
      tpu.vector_store %arg8[%swap3A_519, %swap3A_520], %add3A_518 {strides = array<i32>} : memref<32x1024xf32, #tpu.memory_space<vmem>>, vector<16xf32>,
      %get3A_522 = arith.index_cast %scan3A_42 : i32 to index
      %get3A_523 = arith.constant 768 : index
      %get3A_524 = tpu.vector_load %arg8[%get3A_522, %get3A_523] {strides = array<i32>} : memref<32x1024xf32, #tpu.memory_space<vmem>>, vector<16xf32>,
      %get3A_525 = arith.index_cast %scan3A_42 : i32 to index
      %get3A_526 = arith.constant 768 : index
      %get3A_527 = tpu.vector_load %arg9[%get3A_525, %get3A_526] {strides = array<i32>} : memref<32x1024xf32, #tpu.memory_space<vmem>>, vector<16xf32>,
      %add3A_528 = arith.addf %get3A_524, %get3A_527 : vector<16xf32>
      %swap3A_529 = arith.index_cast %scan3A_42 : i32 to index
      %swap3A_530 = arith.constant 768 : index
      %swap3A_531 = tpu.vector_load %arg8[%swap3A_529, %swap3A_530] {strides = array<i32>} : memref<32x1024xf32, #tpu.memory_space<vmem>>, vector<16xf32>,
      tpu.vector_store %arg8[%swap3A_529, %swap3A_530], %add3A_528 {strides = array<i32>} : memref<32x1024xf32, #tpu.memory_space<vmem>>, vector<16xf32>,
      %get3A_532 = arith.index_cast %scan3A_42 : i32 to index
      %get3A_533 = arith.constant 784 : index
      %get3A_534 = tpu.vector_load %arg8[%get3A_532, %get3A_533] {strides = array<i32>} : memref<32x1024xf32, #tpu.memory_space<vmem>>, vector<16xf32>,
      %get3A_535 = arith.index_cast %scan3A_42 : i32 to index
      %get3A_536 = arith.constant 784 : index
      %get3A_537 = tpu.vector_load %arg9[%get3A_535, %get3A_536] {strides = array<i32>} : memref<32x1024xf32, #tpu.memory_space<vmem>>, vector<16xf32>,
      %add3A_538 = arith.addf %get3A_534, %get3A_537 : vector<16xf32>
      %swap3A_539 = arith.index_cast %scan3A_42 : i32 to index
      %swap3A_540 = arith.constant 784 : index
      %swap3A_541 = tpu.vector_load %arg8[%swap3A_539, %swap3A_540] {strides = array<i32>} : memref<32x1024xf32, #tpu.memory_space<vmem>>, vector<16xf32>,
      tpu.vector_store %arg8[%swap3A_539, %swap3A_540], %add3A_538 {strides = array<i32>} : memref<32x1024xf32, #tpu.memory_space<vmem>>, vector<16xf32>,
      %get3A_542 = arith.index_cast %scan3A_42 : i32 to index
      %get3A_543 = arith.constant 800 : index
      %get3A_544 = tpu.vector_load %arg8[%get3A_542, %get3A_543] {strides = array<i32>} : memref<32x1024xf32, #tpu.memory_space<vmem>>, vector<16xf32>,
      %get3A_545 = arith.index_cast %scan3A_42 : i32 to index
      %get3A_546 = arith.constant 800 : index
      %get3A_547 = tpu.vector_load %arg9[%get3A_545, %get3A_546] {strides = array<i32>} : memref<32x1024xf32, #tpu.memory_space<vmem>>, vector<16xf32>,
      %add3A_548 = arith.addf %get3A_544, %get3A_547 : vector<16xf32>
      %swap3A_549 = arith.index_cast %scan3A_42 : i32 to index
      %swap3A_550 = arith.constant 800 : index
      %swap3A_551 = tpu.vector_load %arg8[%swap3A_549, %swap3A_550] {strides = array<i32>} : memref<32x1024xf32, #tpu.memory_space<vmem>>, vector<16xf32>,
      tpu.vector_store %arg8[%swap3A_549, %swap3A_550], %add3A_548 {strides = array<i32>} : memref<32x1024xf32, #tpu.memory_space<vmem>>, vector<16xf32>,
      %get3A_552 = arith.index_cast %scan3A_42 : i32 to index
      %get3A_553 = arith.constant 816 : index
      %get3A_554 = tpu.vector_load %arg8[%get3A_552, %get3A_553] {strides = array<i32>} : memref<32x1024xf32, #tpu.memory_space<vmem>>, vector<16xf32>,
      %get3A_555 = arith.index_cast %scan3A_42 : i32 to index
      %get3A_556 = arith.constant 816 : index
      %get3A_557 = tpu.vector_load %arg9[%get3A_555, %get3A_556] {strides = array<i32>} : memref<32x1024xf32, #tpu.memory_space<vmem>>, vector<16xf32>,
      %add3A_558 = arith.addf %get3A_554, %get3A_557 : vector<16xf32>
      %swap3A_559 = arith.index_cast %scan3A_42 : i32 to index
      %swap3A_560 = arith.constant 816 : index
      %swap3A_561 = tpu.vector_load %arg8[%swap3A_559, %swap3A_560] {strides = array<i32>} : memref<32x1024xf32, #tpu.memory_space<vmem>>, vector<16xf32>,
      tpu.vector_store %arg8[%swap3A_559, %swap3A_560], %add3A_558 {strides = array<i32>} : memref<32x1024xf32, #tpu.memory_space<vmem>>, vector<16xf32>,
      %get3A_562 = arith.index_cast %scan3A_42 : i32 to index
      %get3A_563 = arith.constant 832 : index
      %get3A_564 = tpu.vector_load %arg8[%get3A_562, %get3A_563] {strides = array<i32>} : memref<32x1024xf32, #tpu.memory_space<vmem>>, vector<16xf32>,
      %get3A_565 = arith.index_cast %scan3A_42 : i32 to index
      %get3A_566 = arith.constant 832 : index
      %get3A_567 = tpu.vector_load %arg9[%get3A_565, %get3A_566] {strides = array<i32>} : memref<32x1024xf32, #tpu.memory_space<vmem>>, vector<16xf32>,
      %add3A_568 = arith.addf %get3A_564, %get3A_567 : vector<16xf32>
      %swap3A_569 = arith.index_cast %scan3A_42 : i32 to index
      %swap3A_570 = arith.constant 832 : index
      %swap3A_571 = tpu.vector_load %arg8[%swap3A_569, %swap3A_570] {strides = array<i32>} : memref<32x1024xf32, #tpu.memory_space<vmem>>, vector<16xf32>,
      tpu.vector_store %arg8[%swap3A_569, %swap3A_570], %add3A_568 {strides = array<i32>} : memref<32x1024xf32, #tpu.memory_space<vmem>>, vector<16xf32>,
      %get3A_572 = arith.index_cast %scan3A_42 : i32 to index
      %get3A_573 = arith.constant 848 : index
      %get3A_574 = tpu.vector_load %arg8[%get3A_572, %get3A_573] {strides = array<i32>} : memref<32x1024xf32, #tpu.memory_space<vmem>>, vector<16xf32>,
      %get3A_575 = arith.index_cast %scan3A_42 : i32 to index
      %get3A_576 = arith.constant 848 : index
      %get3A_577 = tpu.vector_load %arg9[%get3A_575, %get3A_576] {strides = array<i32>} : memref<32x1024xf32, #tpu.memory_space<vmem>>, vector<16xf32>,
      %add3A_578 = arith.addf %get3A_574, %get3A_577 : vector<16xf32>
      %swap3A_579 = arith.index_cast %scan3A_42 : i32 to index
      %swap3A_580 = arith.constant 848 : index
      %swap3A_581 = tpu.vector_load %arg8[%swap3A_579, %swap3A_580] {strides = array<i32>} : memref<32x1024xf32, #tpu.memory_space<vmem>>, vector<16xf32>,
      tpu.vector_store %arg8[%swap3A_579, %swap3A_580], %add3A_578 {strides = array<i32>} : memref<32x1024xf32, #tpu.memory_space<vmem>>, vector<16xf32>,
      %get3A_582 = arith.index_cast %scan3A_42 : i32 to index
      %get3A_583 = arith.constant 864 : index
      %get3A_584 = tpu.vector_load %arg8[%get3A_582, %get3A_583] {strides = array<i32>} : memref<32x1024xf32, #tpu.memory_space<vmem>>, vector<16xf32>,
      %get3A_585 = arith.index_cast %scan3A_42 : i32 to index
      %get3A_586 = arith.constant 864 : index
      %get3A_587 = tpu.vector_load %arg9[%get3A_585, %get3A_586] {strides = array<i32>} : memref<32x1024xf32, #tpu.memory_space<vmem>>, vector<16xf32>,
      %add3A_588 = arith.addf %get3A_584, %get3A_587 : vector<16xf32>
      %swap3A_589 = arith.index_cast %scan3A_42 : i32 to index
      %swap3A_590 = arith.constant 864 : index
      %swap3A_591 = tpu.vector_load %arg8[%swap3A_589, %swap3A_590] {strides = array<i32>} : memref<32x1024xf32, #tpu.memory_space<vmem>>, vector<16xf32>,
      tpu.vector_store %arg8[%swap3A_589, %swap3A_590], %add3A_588 {strides = array<i32>} : memref<32x1024xf32, #tpu.memory_space<vmem>>, vector<16xf32>,
      %get3A_592 = arith.index_cast %scan3A_42 : i32 to index
      %get3A_593 = arith.constant 880 : index
      %get3A_594 = tpu.vector_load %arg8[%get3A_592, %get3A_593] {strides = array<i32>} : memref<32x1024xf32, #tpu.memory_space<vmem>>, vector<16xf32>,
      %get3A_595 = arith.index_cast %scan3A_42 : i32 to index
      %get3A_596 = arith.constant 880 : index
      %get3A_597 = tpu.vector_load %arg9[%get3A_595, %get3A_596] {strides = array<i32>} : memref<32x1024xf32, #tpu.memory_space<vmem>>, vector<16xf32>,
      %add3A_598 = arith.addf %get3A_594, %get3A_597 : vector<16xf32>
      %swap3A_599 = arith.index_cast %scan3A_42 : i32 to index
      %swap3A_600 = arith.constant 880 : index
      %swap3A_601 = tpu.vector_load %arg8[%swap3A_599, %swap3A_600] {strides = array<i32>} : memref<32x1024xf32, #tpu.memory_space<vmem>>, vector<16xf32>,
      tpu.vector_store %arg8[%swap3A_599, %swap3A_600], %add3A_598 {strides = array<i32>} : memref<32x1024xf32, #tpu.memory_space<vmem>>, vector<16xf32>,
      %get3A_602 = arith.index_cast %scan3A_42 : i32 to index
      %get3A_603 = arith.constant 896 : index
      %get3A_604 = tpu.vector_load %arg8[%get3A_602, %get3A_603] {strides = array<i32>} : memref<32x1024xf32, #tpu.memory_space<vmem>>, vector<16xf32>,
      %get3A_605 = arith.index_cast %scan3A_42 : i32 to index
      %get3A_606 = arith.constant 896 : index
      %get3A_607 = tpu.vector_load %arg9[%get3A_605, %get3A_606] {strides = array<i32>} : memref<32x1024xf32, #tpu.memory_space<vmem>>, vector<16xf32>,
      %add3A_608 = arith.addf %get3A_604, %get3A_607 : vector<16xf32>
      %swap3A_609 = arith.index_cast %scan3A_42 : i32 to index
      %swap3A_610 = arith.constant 896 : index
      %swap3A_611 = tpu.vector_load %arg8[%swap3A_609, %swap3A_610] {strides = array<i32>} : memref<32x1024xf32, #tpu.memory_space<vmem>>, vector<16xf32>,
      tpu.vector_store %arg8[%swap3A_609, %swap3A_610], %add3A_608 {strides = array<i32>} : memref<32x1024xf32, #tpu.memory_space<vmem>>, vector<16xf32>,
      %get3A_612 = arith.index_cast %scan3A_42 : i32 to index
      %get3A_613 = arith.constant 912 : index
      %get3A_614 = tpu.vector_load %arg8[%get3A_612, %get3A_613] {strides = array<i32>} : memref<32x1024xf32, #tpu.memory_space<vmem>>, vector<16xf32>,
      %get3A_615 = arith.index_cast %scan3A_42 : i32 to index
      %get3A_616 = arith.constant 912 : index
      %get3A_617 = tpu.vector_load %arg9[%get3A_615, %get3A_616] {strides = array<i32>} : memref<32x1024xf32, #tpu.memory_space<vmem>>, vector<16xf32>,
      %add3A_618 = arith.addf %get3A_614, %get3A_617 : vector<16xf32>
      %swap3A_619 = arith.index_cast %scan3A_42 : i32 to index
      %swap3A_620 = arith.constant 912 : index
      %swap3A_621 = tpu.vector_load %arg8[%swap3A_619, %swap3A_620] {strides = array<i32>} : memref<32x1024xf32, #tpu.memory_space<vmem>>, vector<16xf32>,
      tpu.vector_store %arg8[%swap3A_619, %swap3A_620], %add3A_618 {strides = array<i32>} : memref<32x1024xf32, #tpu.memory_space<vmem>>, vector<16xf32>,
      %get3A_622 = arith.index_cast %scan3A_42 : i32 to index
      %get3A_623 = arith.constant 928 : index
      %get3A_624 = tpu.vector_load %arg8[%get3A_622, %get3A_623] {strides = array<i32>} : memref<32x1024xf32, #tpu.memory_space<vmem>>, vector<16xf32>,
      %get3A_625 = arith.index_cast %scan3A_42 : i32 to index
      %get3A_626 = arith.constant 928 : index
      %get3A_627 = tpu.vector_load %arg9[%get3A_625, %get3A_626] {strides = array<i32>} : memref<32x1024xf32, #tpu.memory_space<vmem>>, vector<16xf32>,
      %add3A_628 = arith.addf %get3A_624, %get3A_627 : vector<16xf32>
      %swap3A_629 = arith.index_cast %scan3A_42 : i32 to index
      %swap3A_630 = arith.constant 928 : index
      %swap3A_631 = tpu.vector_load %arg8[%swap3A_629, %swap3A_630] {strides = array<i32>} : memref<32x1024xf32, #tpu.memory_space<vmem>>, vector<16xf32>,
      tpu.vector_store %arg8[%swap3A_629, %swap3A_630], %add3A_628 {strides = array<i32>} : memref<32x1024xf32, #tpu.memory_space<vmem>>, vector<16xf32>,
      %get3A_632 = arith.index_cast %scan3A_42 : i32 to index
      %get3A_633 = arith.constant 944 : index
      %get3A_634 = tpu.vector_load %arg8[%get3A_632, %get3A_633] {strides = array<i32>} : memref<32x1024xf32, #tpu.memory_space<vmem>>, vector<16xf32>,
      %get3A_635 = arith.index_cast %scan3A_42 : i32 to index
      %get3A_636 = arith.constant 944 : index
      %get3A_637 = tpu.vector_load %arg9[%get3A_635, %get3A_636] {strides = array<i32>} : memref<32x1024xf32, #tpu.memory_space<vmem>>, vector<16xf32>,
      %add3A_638 = arith.addf %get3A_634, %get3A_637 : vector<16xf32>
      %swap3A_639 = arith.index_cast %scan3A_42 : i32 to index
      %swap3A_640 = arith.constant 944 : index
      %swap3A_641 = tpu.vector_load %arg8[%swap3A_639, %swap3A_640] {strides = array<i32>} : memref<32x1024xf32, #tpu.memory_space<vmem>>, vector<16xf32>,
      tpu.vector_store %arg8[%swap3A_639, %swap3A_640], %add3A_638 {strides = array<i32>} : memref<32x1024xf32, #tpu.memory_space<vmem>>, vector<16xf32>,
      %get3A_642 = arith.index_cast %scan3A_42 : i32 to index
      %get3A_643 = arith.constant 960 : index
      %get3A_644 = tpu.vector_load %arg8[%get3A_642, %get3A_643] {strides = array<i32>} : memref<32x1024xf32, #tpu.memory_space<vmem>>, vector<16xf32>,
      %get3A_645 = arith.index_cast %scan3A_42 : i32 to index
      %get3A_646 = arith.constant 960 : index
      %get3A_647 = tpu.vector_load %arg9[%get3A_645, %get3A_646] {strides = array<i32>} : memref<32x1024xf32, #tpu.memory_space<vmem>>, vector<16xf32>,
      %add3A_648 = arith.addf %get3A_644, %get3A_647 : vector<16xf32>
      %swap3A_649 = arith.index_cast %scan3A_42 : i32 to index
      %swap3A_650 = arith.constant 960 : index
      %swap3A_651 = tpu.vector_load %arg8[%swap3A_649, %swap3A_650] {strides = array<i32>} : memref<32x1024xf32, #tpu.memory_space<vmem>>, vector<16xf32>,
      tpu.vector_store %arg8[%swap3A_649, %swap3A_650], %add3A_648 {strides = array<i32>} : memref<32x1024xf32, #tpu.memory_space<vmem>>, vector<16xf32>,
      %get3A_652 = arith.index_cast %scan3A_42 : i32 to index
      %get3A_653 = arith.constant 976 : index
      %get3A_654 = tpu.vector_load %arg8[%get3A_652, %get3A_653] {strides = array<i32>} : memref<32x1024xf32, #tpu.memory_space<vmem>>, vector<16xf32>,
      %get3A_655 = arith.index_cast %scan3A_42 : i32 to index
      %get3A_656 = arith.constant 976 : index
      %get3A_657 = tpu.vector_load %arg9[%get3A_655, %get3A_656] {strides = array<i32>} : memref<32x1024xf32, #tpu.memory_space<vmem>>, vector<16xf32>,
      %add3A_658 = arith.addf %get3A_654, %get3A_657 : vector<16xf32>
      %swap3A_659 = arith.index_cast %scan3A_42 : i32 to index
      %swap3A_660 = arith.constant 976 : index
      %swap3A_661 = tpu.vector_load %arg8[%swap3A_659, %swap3A_660] {strides = array<i32>} : memref<32x1024xf32, #tpu.memory_space<vmem>>, vector<16xf32>,
      tpu.vector_store %arg8[%swap3A_659, %swap3A_660], %add3A_658 {strides = array<i32>} : memref<32x1024xf32, #tpu.memory_space<vmem>>, vector<16xf32>,
      %get3A_662 = arith.index_cast %scan3A_42 : i32 to index
      %get3A_663 = arith.constant 992 : index
      %get3A_664 = tpu.vector_load %arg8[%get3A_662, %get3A_663] {strides = array<i32>} : memref<32x1024xf32, #tpu.memory_space<vmem>>, vector<16xf32>,
      %get3A_665 = arith.index_cast %scan3A_42 : i32 to index
      %get3A_666 = arith.constant 992 : index
      %get3A_667 = tpu.vector_load %arg9[%get3A_665, %get3A_666] {strides = array<i32>} : memref<32x1024xf32, #tpu.memory_space<vmem>>, vector<16xf32>,
      %add3A_668 = arith.addf %get3A_664, %get3A_667 : vector<16xf32>
      %swap3A_669 = arith.index_cast %scan3A_42 : i32 to index
      %swap3A_670 = arith.constant 992 : index
      %swap3A_671 = tpu.vector_load %arg8[%swap3A_669, %swap3A_670] {strides = array<i32>} : memref<32x1024xf32, #tpu.memory_space<vmem>>, vector<16xf32>,
      tpu.vector_store %arg8[%swap3A_669, %swap3A_670], %add3A_668 {strides = array<i32>} : memref<32x1024xf32, #tpu.memory_space<vmem>>, vector<16xf32>,
      %get3A_672 = arith.index_cast %scan3A_42 : i32 to index
      %get3A_673 = arith.constant 1008 : index
      %get3A_674 = tpu.vector_load %arg8[%get3A_672, %get3A_673] {strides = array<i32>} : memref<32x1024xf32, #tpu.memory_space<vmem>>, vector<16xf32>,
      %get3A_675 = arith.index_cast %scan3A_42 : i32 to index
      %get3A_676 = arith.constant 1008 : index
      %get3A_677 = tpu.vector_load %arg9[%get3A_675, %get3A_676] {strides = array<i32>} : memref<32x1024xf32, #tpu.memory_space<vmem>>, vector<16xf32>,
      %add3A_678 = arith.addf %get3A_674, %get3A_677 : vector<16xf32>
      %swap3A_679 = arith.index_cast %scan3A_42 : i32 to index
      %swap3A_680 = arith.constant 1008 : index
      %swap3A_681 = tpu.vector_load %arg8[%swap3A_679, %swap3A_680] {strides = array<i32>} : memref<32x1024xf32, #tpu.memory_space<vmem>>, vector<16xf32>,
      tpu.vector_store %arg8[%swap3A_679, %swap3A_680], %add3A_678 {strides = array<i32>} : memref<32x1024xf32, #tpu.memory_space<vmem>>, vector<16xf32>,
      %scan3A_682 = arith.constant 0 : i32
      scf.yield %scan3A_682 : i32
    }
    %scan3A_41 = arith.constant 32 : i32
    "tpu.region"() ({
      %run_scoped3A = tpu.sem_alloc : memref<!tpu.dma_semaphore, #tpu.memory_space<semaphore_mem>>
      %dma_start3A_42 = arith.constant 0 : i32
      %dma_start3A_43 = tpu.memref_slice %arg5[%add3A_22, %dma_start3A_42] : memref<2048x1024xf32, #tpu.memory_space<hbm>> -> memref<32x1024xf32, #tpu.memory_space<hbm>>
      %dma_start3A_44 = arith.constant 0 : i32
      %dma_start3A_45 = tpu.memref_slice %arg5[%add3A_22, %dma_start3A_44] : memref<2048x1024xf32, #tpu.memory_space<hbm>> -> memref<32x1024xf32, #tpu.memory_space<hbm>>
      tpu.enqueue_dma source(%arg8 : memref<32x1024xf32, #tpu.memory_space<vmem>>) target(%dma_start3A_45 : memref<32x1024xf32, #tpu.memory_space<hbm>>) target_semaphore(%run_scoped3A : memref<!tpu.dma_semaphore, #tpu.memory_space<semaphore_mem>>)
      %dma_wait3A_46 = arith.constant 0 : i32
      %dma_wait3A_47 = tpu.memref_slice %arg5[%add3A_22, %dma_wait3A_46] : memref<2048x1024xf32, #tpu.memory_space<hbm>> -> memref<32x1024xf32, #tpu.memory_space<hbm>>
      %dma_wait3A_48 = arith.constant 0 : i32
      %dma_wait3A_49 = tpu.memref_slice %arg5[%add3A_22, %dma_wait3A_48] : memref<2048x1024xf32, #tpu.memory_space<hbm>> -> memref<32x1024xf32, #tpu.memory_space<hbm>>
      tpu.wait_dma2 semaphore(%run_scoped3A : memref<!tpu.dma_semaphore, #tpu.memory_space<semaphore_mem>>) src(%arg8 : memref<32x1024xf32, #tpu.memory_space<vmem>>) dst(%dma_wait3A_49 : memref<32x1024xf32, #tpu.memory_space<hbm>>)
      tpu.yield
    }) : () -> ()
    return
  }
}

module attributes {stable_mosaic.version = 14 : i64} {
  func.func @_router_body(%arg0: i32, %arg1: memref<256x1024xf32, #tpu.memory_space<vmem>>, %arg2: memref<8x1024xf32, #tpu.memory_space<vmem>>, %arg3: memref<256x1xi32, #tpu.memory_space<vmem>>, %arg4: memref<256x1xi32, #tpu.memory_space<vmem>>, %arg5: memref<256x1xi32, #tpu.memory_space<vmem>>, %arg6: memref<256x1xi32, #tpu.memory_space<vmem>>, %arg7: memref<256x1xf32, #tpu.memory_space<vmem>>, %arg8: memref<256x1xf32, #tpu.memory_space<vmem>>, %arg9: memref<1x16xi32, #tpu.memory_space<vmem>>, %arg10: memref<256x512xi32, #tpu.memory_space<vmem>>, %arg11: memref<1x8xf32, #tpu.memory_space<vmem>>) attributes {dimension_semantics = [#tpu.dimension_semantics<arbitrary>], iteration_bounds = array<i64: 8>, scalar_prefetch = 0 : i64, scratch_operands = 1 : i64, tpu.core_type = #tpu.core_type<tc>, window_params = [{transform_indices = @transform_0, window_bounds = array<i64: 256, 1024>}, {pipeline_mode = #tpu.pipeline_mode<synchronous>, transform_indices = @transform_1, window_bounds = array<i64: 8, 1024>}, {transform_indices = @transform_2, window_bounds = array<i64: 256, 1>}, {transform_indices = @transform_3, window_bounds = array<i64: 256, 1>}, {transform_indices = @transform_4, window_bounds = array<i64: 256, 1>}, {transform_indices = @transform_5, window_bounds = array<i64: 256, 1>}, {transform_indices = @transform_6, window_bounds = array<i64: 256, 1>}, {transform_indices = @transform_7, window_bounds = array<i64: 256, 1>}, {pipeline_mode = #tpu.pipeline_mode<synchronous>, transform_indices = @transform_8, window_bounds = array<i64: 1, 16>}, {transform_indices = @transform_9, window_bounds = array<i64: 256, 512>}]} {
    %eq3A = arith.constant 0 : i32
    %eq3A_0 = arith.cmpi eq, %arg0, %eq3A : i32
    %convert_element_type3A = arith.extui %eq3A_0 : i1 to i32
    %cond3A = arith.constant 0 : i32
    %cond3A_1 = arith.cmpi ne, %convert_element_type3A, %cond3A : i32
    scf.if %cond3A_1 {
      %broadcast_in_dim3A_116 = arith.constant 0.000000e+00 : f32
      %broadcast_in_dim3A_117 = vector.broadcast %broadcast_in_dim3A_116 : f32 to vector<1x8xf32>
      %swap3A_118 = arith.constant 0 : index
      %swap3A_119 = arith.constant 0 : index
      %swap3A_120 = vector.load %arg11[%swap3A_118, %swap3A_119] : memref<1x8xf32, #tpu.memory_space<vmem>>, vector<1x8xf32>
      tpu.vector_store %arg11[%swap3A_118, %swap3A_119], %broadcast_in_dim3A_117 {strides = array<i32>} : memref<1x8xf32, #tpu.memory_space<vmem>>, vector<1x8xf32>,
    } else {
    }
    %get3A = arith.constant 0 : index
    %get3A_2 = arith.constant 0 : index
    %get3A_3 = vector.load %arg1[%get3A, %get3A_2] : memref<256x1024xf32, #tpu.memory_space<vmem>>, vector<256x1024xf32>
    %convert_element_type3A_4 = arith.truncf %get3A_3 : vector<256x1024xf32> to vector<256x1024xbf16>
    %bitcast_convert_type3A = tpu.bitcast %convert_element_type3A_4 : vector<256x1024xbf16> -> vector<256x1024xi16>
    %convert_element_type3A_5 = arith.extui %bitcast_convert_type3A : vector<256x1024xi16> to vector<256x1024xi32>
    %slice3A = vector.extract_strided_slice %convert_element_type3A_5 {offsets = [0, 0], sizes = [256, 512], strides = [1, 1]} : vector<256x1024xi32> to vector<256x512xi32>
    %slice3A_6 = vector.extract_strided_slice %convert_element_type3A_5 {offsets = [0, 512], sizes = [256, 512], strides = [1, 1]} : vector<256x1024xi32> to vector<256x512xi32>
    %shift_left3A = arith.constant 16 : i32
    %shift_left3A_7 = vector.broadcast %shift_left3A : i32 to vector<256x512xi32>
    %shift_left3A_8 = arith.shli %slice3A_6, %shift_left3A_7 : vector<256x512xi32>
    %or3A = arith.ori %slice3A, %shift_left3A_8 : vector<256x512xi32>
    %swap3A = arith.constant 0 : index
    %swap3A_9 = arith.constant 0 : index
    %swap3A_10 = vector.load %arg10[%swap3A, %swap3A_9] : memref<256x512xi32, #tpu.memory_space<vmem>>, vector<256x512xi32>
    tpu.vector_store %arg10[%swap3A, %swap3A_9], %or3A {strides = array<i32>} : memref<256x512xi32, #tpu.memory_space<vmem>>, vector<256x512xi32>,
    %get3A_11 = arith.constant 0 : index
    %get3A_12 = arith.constant 0 : index
    %get3A_13 = vector.load %arg2[%get3A_11, %get3A_12] : memref<8x1024xf32, #tpu.memory_space<vmem>>, vector<8x1024xf32>
    %dot_general3A = arith.constant dense<0.000000e+00> : vector<256x8xf32>
    %dot_general3A_14 = tpu.matmul %get3A_3, %get3A_13, %dot_general3A {dimension_numbers = #tpu.dot_dimension_numbers<[1], [1], [0], [0], [0, 0, 1, 0], [], []>, transpose_lhs_hint = false} : vector<256x1024xf32>, vector<8x1024xf32>, vector<256x8xf32> -> vector<256x8xf32>
    %reduce_max3A = arith.constant dense<0xFF800000> : vector<256xf32>
    %reduce_max3A_15 = vector.multi_reduction <maximumf>, %dot_general3A_14, %reduce_max3A [1] : vector<256x8xf32> to vector<256xf32>
    %broadcast_in_dim3A = vector.shape_cast %reduce_max3A_15 : vector<256xf32> to vector<256x1xf32>
    %sub3A = vector.broadcast %broadcast_in_dim3A : vector<256x1xf32> to vector<256x8xf32>
    %sub3A_16 = arith.subf %dot_general3A_14, %sub3A : vector<256x8xf32>
    %exp3A = math.exp %sub3A_16 : vector<256x8xf32>
    %reduce_sum3A = arith.constant dense<0.000000e+00> : vector<256xf32>
    %reduce_sum3A_17 = vector.multi_reduction <add>, %exp3A, %reduce_sum3A [1] : vector<256x8xf32> to vector<256xf32>
    %broadcast_in_dim3A_18 = vector.shape_cast %reduce_sum3A_17 : vector<256xf32> to vector<256x1xf32>
    %div3A = vector.broadcast %broadcast_in_dim3A_18 : vector<256x1xf32> to vector<256x8xf32>
    %div3A_19 = arith.divf %exp3A, %div3A : vector<256x8xf32>
    %iota3A = tpu.iota {dimensions = array<i32: 1>} : vector<256x8xi32>
    %reduce_max3A_20 = arith.constant dense<0xFF800000> : vector<256xf32>
    %reduce_max3A_21 = vector.multi_reduction <maximumf>, %div3A_19, %reduce_max3A_20 [1] : vector<256x8xf32> to vector<256xf32>
    %broadcast_in_dim3A_22 = vector.shape_cast %reduce_max3A_21 : vector<256xf32> to vector<256x1xf32>
    %eq3A_23 = vector.broadcast %broadcast_in_dim3A_22 : vector<256x1xf32> to vector<256x8xf32>
    %eq3A_24 = arith.cmpf oeq, %div3A_19, %eq3A_23 : vector<256x8xf32>
    %jit3A = arith.constant 8 : i32
    %broadcast_in_dim3A_25 = vector.broadcast %jit3A : i32 to vector<256x8xi32>
    %select_n3A = arith.select %eq3A_24, %iota3A, %broadcast_in_dim3A_25 : vector<256x8xi1>, vector<256x8xi32>
    %reduce_min3A = arith.constant dense<2147483647> : vector<256xi32>
    %reduce_min3A_26 = vector.multi_reduction <minsi>, %select_n3A, %reduce_min3A [1] : vector<256x8xi32> to vector<256xi32>
    %broadcast_in_dim3A_27 = vector.shape_cast %reduce_min3A_26 : vector<256xi32> to vector<256x1xi32>
    %eq3A_28 = vector.broadcast %broadcast_in_dim3A_27 : vector<256x1xi32> to vector<256x8xi32>
    %eq3A_29 = arith.cmpi eq, %iota3A, %eq3A_28 : vector<256x8xi32>
    %jit3A_30 = arith.constant -1.000000e+00 : f32
    %broadcast_in_dim3A_31 = vector.broadcast %jit3A_30 : f32 to vector<256x8xf32>
    %select_n3A_32 = arith.select %eq3A_29, %broadcast_in_dim3A_31, %div3A_19 : vector<256x8xi1>, vector<256x8xf32>
    %reduce_max3A_33 = arith.constant dense<0xFF800000> : vector<256xf32>
    %reduce_max3A_34 = vector.multi_reduction <maximumf>, %select_n3A_32, %reduce_max3A_33 [1] : vector<256x8xf32> to vector<256xf32>
    %broadcast_in_dim3A_35 = vector.shape_cast %reduce_max3A_34 : vector<256xf32> to vector<256x1xf32>
    %eq3A_36 = vector.broadcast %broadcast_in_dim3A_35 : vector<256x1xf32> to vector<256x8xf32>
    %eq3A_37 = arith.cmpf oeq, %select_n3A_32, %eq3A_36 : vector<256x8xf32>
    %jit3A_38 = arith.constant 8 : i32
    %broadcast_in_dim3A_39 = vector.broadcast %jit3A_38 : i32 to vector<256x8xi32>
    %select_n3A_40 = arith.select %eq3A_37, %iota3A, %broadcast_in_dim3A_39 : vector<256x8xi1>, vector<256x8xi32>
    %reduce_min3A_41 = arith.constant dense<2147483647> : vector<256xi32>
    %reduce_min3A_42 = vector.multi_reduction <minsi>, %select_n3A_40, %reduce_min3A_41 [1] : vector<256x8xi32> to vector<256xi32>
    %broadcast_in_dim3A_43 = vector.shape_cast %reduce_min3A_42 : vector<256xi32> to vector<256x1xi32>
    %add3A = arith.addf %broadcast_in_dim3A_22, %broadcast_in_dim3A_35 : vector<256x1xf32>
    %eq3A_44 = vector.broadcast %broadcast_in_dim3A_27 : vector<256x1xi32> to vector<256x8xi32>
    %eq3A_45 = arith.cmpi eq, %iota3A, %eq3A_44 : vector<256x8xi32>
    %eq3A_46 = vector.broadcast %broadcast_in_dim3A_43 : vector<256x1xi32> to vector<256x8xi32>
    %eq3A_47 = arith.cmpi eq, %iota3A, %eq3A_46 : vector<256x8xi32>
    %or3A_48 = arith.ori %eq3A_45, %eq3A_47 : vector<256x8xi1>
    %convert_element_type3A_49 = arith.extui %or3A_48 : vector<256x8xi1> to vector<256x8xi32>
    %convert_element_type3A_50 = arith.sitofp %convert_element_type3A_49 : vector<256x8xi32> to vector<256x8xf32>
    %iota3A_51 = tpu.iota {dimensions = array<i32: 0>} : vector<256x256xi32>
    %iota3A_52 = tpu.iota {dimensions = array<i32: 1>} : vector<256x256xi32>
    %lt3A = arith.cmpi slt, %iota3A_52, %iota3A_51 : vector<256x256xi32>
    %convert_element_type3A_53 = arith.extui %lt3A : vector<256x256xi1> to vector<256x256xi32>
    %convert_element_type3A_54 = arith.sitofp %convert_element_type3A_53 : vector<256x256xi32> to vector<256x256xf32>
    %dot_general3A_55 = arith.constant dense<0.000000e+00> : vector<256x8xf32>
    %dot_general3A_56 = tpu.matmul %convert_element_type3A_54, %convert_element_type3A_50, %dot_general3A_55 {dimension_numbers = #tpu.dot_dimension_numbers<[1], [0], [0], [1], [0, 0, 1, 1], [], []>, transpose_lhs_hint = false} : vector<256x256xf32>, vector<256x8xf32>, vector<256x8xf32> -> vector<256x8xf32>
    %get3A_57 = arith.constant 0 : index
    %get3A_58 = arith.constant 0 : index
    %get3A_59 = vector.load %arg11[%get3A_57, %get3A_58] : memref<1x8xf32, #tpu.memory_space<vmem>>, vector<1x8xf32>
    %add3A_60 = vector.broadcast %get3A_59 : vector<1x8xf32> to vector<256x8xf32>
    %add3A_61 = arith.addf %dot_general3A_56, %add3A_60 : vector<256x8xf32>
    %swap3A_62 = arith.constant 0 : index
    %swap3A_63 = arith.constant 0 : index
    %swap3A_64 = vector.load %arg3[%swap3A_62, %swap3A_63] : memref<256x1xi32, #tpu.memory_space<vmem>>, vector<256x1xi32>
    tpu.vector_store %arg3[%swap3A_62, %swap3A_63], %broadcast_in_dim3A_27 {strides = array<i32>} : memref<256x1xi32, #tpu.memory_space<vmem>>, vector<256x1xi32>,
    %swap3A_65 = arith.constant 0 : index
    %swap3A_66 = arith.constant 0 : index
    %swap3A_67 = vector.load %arg4[%swap3A_65, %swap3A_66] : memref<256x1xi32, #tpu.memory_space<vmem>>, vector<256x1xi32>
    tpu.vector_store %arg4[%swap3A_65, %swap3A_66], %broadcast_in_dim3A_43 {strides = array<i32>} : memref<256x1xi32, #tpu.memory_space<vmem>>, vector<256x1xi32>,
    %eq3A_68 = vector.broadcast %broadcast_in_dim3A_27 : vector<256x1xi32> to vector<256x8xi32>
    %eq3A_69 = arith.cmpi eq, %iota3A, %eq3A_68 : vector<256x8xi32>
    %jit3A_70 = arith.constant 0.000000e+00 : f32
    %broadcast_in_dim3A_71 = vector.broadcast %jit3A_70 : f32 to vector<256x8xf32>
    %select_n3A_72 = arith.select %eq3A_69, %add3A_61, %broadcast_in_dim3A_71 : vector<256x8xi1>, vector<256x8xf32>
    %reduce_sum3A_73 = arith.constant dense<0.000000e+00> : vector<256xf32>
    %reduce_sum3A_74 = vector.multi_reduction <add>, %select_n3A_72, %reduce_sum3A_73 [1] : vector<256x8xf32> to vector<256xf32>
    %broadcast_in_dim3A_75 = vector.shape_cast %reduce_sum3A_74 : vector<256xf32> to vector<256x1xf32>
    %convert_element_type3A_76 = arith.fptosi %broadcast_in_dim3A_75 : vector<256x1xf32> to vector<256x1xi32>
    %swap3A_77 = arith.constant 0 : index
    %swap3A_78 = arith.constant 0 : index
    %swap3A_79 = vector.load %arg5[%swap3A_77, %swap3A_78] : memref<256x1xi32, #tpu.memory_space<vmem>>, vector<256x1xi32>
    tpu.vector_store %arg5[%swap3A_77, %swap3A_78], %convert_element_type3A_76 {strides = array<i32>} : memref<256x1xi32, #tpu.memory_space<vmem>>, vector<256x1xi32>,
    %eq3A_80 = vector.broadcast %broadcast_in_dim3A_43 : vector<256x1xi32> to vector<256x8xi32>
    %eq3A_81 = arith.cmpi eq, %iota3A, %eq3A_80 : vector<256x8xi32>
    %jit3A_82 = arith.constant 0.000000e+00 : f32
    %broadcast_in_dim3A_83 = vector.broadcast %jit3A_82 : f32 to vector<256x8xf32>
    %select_n3A_84 = arith.select %eq3A_81, %add3A_61, %broadcast_in_dim3A_83 : vector<256x8xi1>, vector<256x8xf32>
    %reduce_sum3A_85 = arith.constant dense<0.000000e+00> : vector<256xf32>
    %reduce_sum3A_86 = vector.multi_reduction <add>, %select_n3A_84, %reduce_sum3A_85 [1] : vector<256x8xf32> to vector<256xf32>
    %broadcast_in_dim3A_87 = vector.shape_cast %reduce_sum3A_86 : vector<256xf32> to vector<256x1xf32>
    %convert_element_type3A_88 = arith.fptosi %broadcast_in_dim3A_87 : vector<256x1xf32> to vector<256x1xi32>
    %swap3A_89 = arith.constant 0 : index
    %swap3A_90 = arith.constant 0 : index
    %swap3A_91 = vector.load %arg6[%swap3A_89, %swap3A_90] : memref<256x1xi32, #tpu.memory_space<vmem>>, vector<256x1xi32>
    tpu.vector_store %arg6[%swap3A_89, %swap3A_90], %convert_element_type3A_88 {strides = array<i32>} : memref<256x1xi32, #tpu.memory_space<vmem>>, vector<256x1xi32>,
    %div3A_92 = arith.divf %broadcast_in_dim3A_22, %add3A : vector<256x1xf32>
    %swap3A_93 = arith.constant 0 : index
    %swap3A_94 = arith.constant 0 : index
    %swap3A_95 = vector.load %arg7[%swap3A_93, %swap3A_94] : memref<256x1xf32, #tpu.memory_space<vmem>>, vector<256x1xf32>
    tpu.vector_store %arg7[%swap3A_93, %swap3A_94], %div3A_92 {strides = array<i32>} : memref<256x1xf32, #tpu.memory_space<vmem>>, vector<256x1xf32>,
    %div3A_96 = arith.divf %broadcast_in_dim3A_35, %add3A : vector<256x1xf32>
    %swap3A_97 = arith.constant 0 : index
    %swap3A_98 = arith.constant 0 : index
    %swap3A_99 = vector.load %arg8[%swap3A_97, %swap3A_98] : memref<256x1xf32, #tpu.memory_space<vmem>>, vector<256x1xf32>
    tpu.vector_store %arg8[%swap3A_97, %swap3A_98], %div3A_96 {strides = array<i32>} : memref<256x1xf32, #tpu.memory_space<vmem>>, vector<256x1xf32>,
    %get3A_100 = arith.constant 0 : index
    %get3A_101 = arith.constant 0 : index
    %get3A_102 = vector.load %arg11[%get3A_100, %get3A_101] : memref<1x8xf32, #tpu.memory_space<vmem>>, vector<1x8xf32>
    %reduce_sum3A_103 = arith.constant dense<0.000000e+00> : vector<8xf32>
    %reduce_sum3A_104 = vector.multi_reduction <add>, %convert_element_type3A_50, %reduce_sum3A_103 [0] : vector<256x8xf32> to vector<8xf32>
    %broadcast_in_dim3A_105 = vector.shape_cast %reduce_sum3A_104 : vector<8xf32> to vector<1x8xf32>
    %add3A_106 = arith.addf %get3A_102, %broadcast_in_dim3A_105 : vector<1x8xf32>
    %swap3A_107 = arith.constant 0 : index
    %swap3A_108 = arith.constant 0 : index
    %swap3A_109 = vector.load %arg11[%swap3A_107, %swap3A_108] : memref<1x8xf32, #tpu.memory_space<vmem>>, vector<1x8xf32>
    tpu.vector_store %arg11[%swap3A_107, %swap3A_108], %add3A_106 {strides = array<i32>} : memref<1x8xf32, #tpu.memory_space<vmem>>, vector<1x8xf32>,
    %convert_element_type3A_110 = arith.fptosi %add3A_106 : vector<1x8xf32> to vector<1x8xi32>
    %broadcast_in_dim3A_111 = arith.constant 0 : i32
    %broadcast_in_dim3A_112 = vector.broadcast %broadcast_in_dim3A_111 : i32 to vector<1x8xi32>
    %concatenate3A = tpu.concatenate %convert_element_type3A_110, %broadcast_in_dim3A_112 in 1 : vector<1x8xi32>, vector<1x8xi32> -> vector<1x16xi32>
    %swap3A_113 = arith.constant 0 : index
    %swap3A_114 = arith.constant 0 : index
    %swap3A_115 = vector.load %arg9[%swap3A_113, %swap3A_114] : memref<1x16xi32, #tpu.memory_space<vmem>>, vector<1x16xi32>
    tpu.vector_store %arg9[%swap3A_113, %swap3A_114], %concatenate3A {strides = array<i32>} : memref<1x16xi32, #tpu.memory_space<vmem>>, vector<1x16xi32>,
    return
  }
  func.func @transform_0(%arg0: i32) -> (i32, i32) {
    %c0_i32 = arith.constant 0 : i32
    %c0_i32_0 = arith.constant 0 : i32
    return %arg0, %c0_i32 : i32, i32
  }
  func.func @transform_1(%arg0: i32) -> (i32, i32) {
    %c0_i32 = arith.constant 0 : i32
    %c0_i32_0 = arith.constant 0 : i32
    %c0_i32_1 = arith.constant 0 : i32
    return %c0_i32, %c0_i32_0 : i32, i32
  }
  func.func @transform_2(%arg0: i32) -> (i32, i32) {
    %c0_i32 = arith.constant 0 : i32
    %c0_i32_0 = arith.constant 0 : i32
    return %arg0, %c0_i32 : i32, i32
  }
  func.func @transform_3(%arg0: i32) -> (i32, i32) {
    %c0_i32 = arith.constant 0 : i32
    %c0_i32_0 = arith.constant 0 : i32
    return %arg0, %c0_i32 : i32, i32
  }
  func.func @transform_4(%arg0: i32) -> (i32, i32) {
    %c0_i32 = arith.constant 0 : i32
    %c0_i32_0 = arith.constant 0 : i32
    return %arg0, %c0_i32 : i32, i32
  }
  func.func @transform_5(%arg0: i32) -> (i32, i32) {
    %c0_i32 = arith.constant 0 : i32
    %c0_i32_0 = arith.constant 0 : i32
    return %arg0, %c0_i32 : i32, i32
  }
  func.func @transform_6(%arg0: i32) -> (i32, i32) {
    %c0_i32 = arith.constant 0 : i32
    %c0_i32_0 = arith.constant 0 : i32
    return %arg0, %c0_i32 : i32, i32
  }
  func.func @transform_7(%arg0: i32) -> (i32, i32) {
    %c0_i32 = arith.constant 0 : i32
    %c0_i32_0 = arith.constant 0 : i32
    return %arg0, %c0_i32 : i32, i32
  }
  func.func @transform_8(%arg0: i32) -> (i32, i32) {
    %c0_i32 = arith.constant 0 : i32
    %c0_i32_0 = arith.constant 0 : i32
    %c0_i32_1 = arith.constant 0 : i32
    return %c0_i32, %c0_i32_0 : i32, i32
  }
  func.func @transform_9(%arg0: i32) -> (i32, i32) {
    %c0_i32 = arith.constant 0 : i32
    %c0_i32_0 = arith.constant 0 : i32
    return %arg0, %c0_i32 : i32, i32
  }
}

module attributes {stable_mosaic.version = 14 : i64} {
  func.func @_expert_body(%arg0: i32, %arg1: memref<32xi32, #tpu.memory_space<smem>>, %arg2: memref<256x512xi32, #tpu.memory_space<vmem>>, %arg3: memref<1x256x1xf32, #tpu.memory_space<vmem>>, %arg4: memref<1x2048x1024xf32, #tpu.memory_space<vmem>>, %arg5: memref<1x1024x1024xf32, #tpu.memory_space<vmem>>, %arg6: memref<256x1024xf32, #tpu.memory_space<vmem>>) attributes {dimension_semantics = [#tpu.dimension_semantics<arbitrary>], iteration_bounds = array<i64: 23>, scalar_prefetch = 1 : i64, scratch_operands = 0 : i64, tpu.core_type = #tpu.core_type<tc>, window_params = [{transform_indices = @transform_0, window_bounds = array<i64: 256, 512>}, {transform_indices = @transform_1, window_bounds = array<i64: 1, 256, 1>}, {transform_indices = @transform_2, window_bounds = array<i64: 1, 2048, 1024>}, {transform_indices = @transform_3, window_bounds = array<i64: 1, 1024, 1024>}, {transform_indices = @transform_4, window_bounds = array<i64: 256, 1024>}]} {
    %get3A = arith.constant 31 : index
    %get3A_0 = memref.load %arg1[%get3A] : memref<32xi32, #tpu.memory_space<smem>>
    %lt3A = arith.cmpi slt, %arg0, %get3A_0 : i32
    %convert_element_type3A = arith.extui %lt3A : i1 to i32
    %cond3A = arith.constant 0 : i32
    %cond3A_1 = arith.cmpi ne, %convert_element_type3A, %cond3A : i32
    scf.if %cond3A_1 {
      %get3A_2 = arith.constant 0 : index
      %get3A_3 = arith.constant 0 : index
      %get3A_4 = vector.load %arg2[%get3A_2, %get3A_3] : memref<256x512xi32, #tpu.memory_space<vmem>>, vector<256x512xi32>
      %and3A = arith.constant 65535 : i32
      %and3A_5 = vector.broadcast %and3A : i32 to vector<256x512xi32>
      %and3A_6 = arith.andi %get3A_4, %and3A_5 : vector<256x512xi32>
      %convert_element_type3A_7 = arith.trunci %and3A_6 : vector<256x512xi32> to vector<256x512xi16>
      %bitcast_convert_type3A = tpu.bitcast %convert_element_type3A_7 : vector<256x512xi16> -> vector<256x512xbf16>
      %shift_right_arithmetic3A = arith.constant 16 : i32
      %shift_right_arithmetic3A_8 = vector.broadcast %shift_right_arithmetic3A : i32 to vector<256x512xi32>
      %shift_right_arithmetic3A_9 = arith.shrsi %get3A_4, %shift_right_arithmetic3A_8 : vector<256x512xi32>
      %convert_element_type3A_10 = arith.trunci %shift_right_arithmetic3A_9 : vector<256x512xi32> to vector<256x512xi16>
      %bitcast_convert_type3A_11 = tpu.bitcast %convert_element_type3A_10 : vector<256x512xi16> -> vector<256x512xbf16>
      %concatenate3A = tpu.concatenate %bitcast_convert_type3A, %bitcast_convert_type3A_11 in 1 : vector<256x512xbf16>, vector<256x512xbf16> -> vector<256x1024xbf16>
      %get3A_12 = arith.constant 0 : index
      %get3A_13 = arith.constant 0 : index
      %get3A_14 = arith.constant 0 : index
      %get3A_15 = vector.load %arg3[%get3A_12, %get3A_13, %get3A_14] : memref<1x256x1xf32, #tpu.memory_space<vmem>>, vector<1x256x1xf32>
      %get3A_16 = vector.shape_cast %get3A_15 : vector<1x256x1xf32> to vector<256x1xf32>
      %convert_element_type3A_17 = arith.extf %concatenate3A : vector<256x1024xbf16> to vector<256x1024xf32>
      %mul3A = vector.broadcast %get3A_16 : vector<256x1xf32> to vector<256x1024xf32>
      %mul3A_18 = arith.mulf %convert_element_type3A_17, %mul3A : vector<256x1024xf32>
      %convert_element_type3A_19 = arith.truncf %mul3A_18 : vector<256x1024xf32> to vector<256x1024xbf16>
      %get3A_20 = arith.constant 0 : index
      %get3A_21 = arith.constant 0 : index
      %get3A_22 = arith.constant 0 : index
      %get3A_23 = vector.load %arg4[%get3A_20, %get3A_21, %get3A_22] : memref<1x2048x1024xf32, #tpu.memory_space<vmem>>, vector<1x2048x1024xf32>
      %get3A_24 = vector.shape_cast %get3A_23 : vector<1x2048x1024xf32> to vector<2048x1024xf32>
      %convert_element_type3A_25 = arith.truncf %get3A_24 : vector<2048x1024xf32> to vector<2048x1024xbf16>
      %slice3A = vector.extract_strided_slice %convert_element_type3A_25 {offsets = [0, 0], sizes = [1024, 1024], strides = [1, 1]} : vector<2048x1024xbf16> to vector<1024x1024xbf16>
      %dot_general3A = arith.constant dense<0.000000e+00> : vector<256x1024xf32>
      %dot_general3A_26 = tpu.matmul %concatenate3A, %slice3A, %dot_general3A {dimension_numbers = #tpu.dot_dimension_numbers<[1], [1], [0], [0], [0, 0, 1, 0], [], []>, transpose_lhs_hint = false} : vector<256x1024xbf16>, vector<1024x1024xbf16>, vector<256x1024xf32> -> vector<256x1024xf32>
      %slice3A_27 = vector.extract_strided_slice %convert_element_type3A_25 {offsets = [1024, 0], sizes = [1024, 1024], strides = [1, 1]} : vector<2048x1024xbf16> to vector<1024x1024xbf16>
      %dot_general3A_28 = arith.constant dense<0.000000e+00> : vector<256x1024xf32>
      %dot_general3A_29 = tpu.matmul %convert_element_type3A_19, %slice3A_27, %dot_general3A_28 {dimension_numbers = #tpu.dot_dimension_numbers<[1], [1], [0], [0], [0, 0, 1, 0], [], []>, transpose_lhs_hint = false} : vector<256x1024xbf16>, vector<1024x1024xbf16>, vector<256x1024xf32> -> vector<256x1024xf32>
      %logistic3A = arith.negf %dot_general3A_26 : vector<256x1024xf32>
      %logistic3A_30 = math.exp %logistic3A : vector<256x1024xf32>
      %logistic3A_31 = arith.constant 1.000000e+00 : f32
      %logistic3A_32 = vector.broadcast %logistic3A_31 : f32 to vector<256x1024xf32>
      %logistic3A_33 = arith.addf %logistic3A_32, %logistic3A_30 : vector<256x1024xf32>
      %logistic3A_34 = arith.divf %logistic3A_32, %logistic3A_33 : vector<256x1024xf32>
      %mul3A_35 = arith.mulf %dot_general3A_26, %logistic3A_34 : vector<256x1024xf32>
      %mul3A_36 = arith.mulf %mul3A_35, %dot_general3A_29 : vector<256x1024xf32>
      %convert_element_type3A_37 = arith.truncf %mul3A_36 : vector<256x1024xf32> to vector<256x1024xbf16>
      %get3A_38 = arith.constant 0 : index
      %get3A_39 = arith.constant 0 : index
      %get3A_40 = arith.constant 0 : index
      %get3A_41 = vector.load %arg5[%get3A_38, %get3A_39, %get3A_40] : memref<1x1024x1024xf32, #tpu.memory_space<vmem>>, vector<1x1024x1024xf32>
      %get3A_42 = vector.shape_cast %get3A_41 : vector<1x1024x1024xf32> to vector<1024x1024xf32>
      %convert_element_type3A_43 = arith.truncf %get3A_42 : vector<1024x1024xf32> to vector<1024x1024xbf16>
      %dot_general3A_44 = arith.constant dense<0.000000e+00> : vector<256x1024xf32>
      %dot_general3A_45 = tpu.matmul %convert_element_type3A_37, %convert_element_type3A_43, %dot_general3A_44 {dimension_numbers = #tpu.dot_dimension_numbers<[1], [1], [0], [0], [0, 0, 1, 0], [], []>, transpose_lhs_hint = false} : vector<256x1024xbf16>, vector<1024x1024xbf16>, vector<256x1024xf32> -> vector<256x1024xf32>
      %swap3A = arith.constant 0 : index
      %swap3A_46 = arith.constant 0 : index
      %swap3A_47 = vector.load %arg6[%swap3A, %swap3A_46] : memref<256x1024xf32, #tpu.memory_space<vmem>>, vector<256x1024xf32>
      tpu.vector_store %arg6[%swap3A, %swap3A_46], %dot_general3A_45 {strides = array<i32>} : memref<256x1024xf32, #tpu.memory_space<vmem>>, vector<256x1024xf32>,
    } else {
    }
    return
  }
  func.func @transform_0(%arg0: i32, %arg1: memref<32xi32, #tpu.memory_space<smem>>) -> (i32, i32) {
    %c0_i32 = arith.constant 0 : i32
    %c0_i32_0 = arith.constant 0 : i32
    return %arg0, %c0_i32 : i32, i32
  }
  func.func @transform_1(%arg0: i32, %arg1: memref<32xi32, #tpu.memory_space<smem>>) -> (i32, i32, i32) {
    %c0_i32 = arith.constant 0 : i32
    %c0_i32_0 = arith.constant 0 : i32
    %c0_i32_1 = arith.constant 0 : i32
    return %arg0, %c0_i32, %c0_i32_0 : i32, i32, i32
  }
  func.func @transform_2(%arg0: i32, %arg1: memref<32xi32, #tpu.memory_space<smem>>) -> (i32, i32, i32) {
    %get3A = arith.constant 31 : index
    %get3A_0 = memref.load %arg1[%get3A] : memref<32xi32, #tpu.memory_space<smem>>
    %sub3A = arith.constant 1 : i32
    %sub3A_1 = arith.subi %get3A_0, %sub3A : i32
    %min3A = arith.minsi %arg0, %sub3A_1 : i32
    %get3A_2 = arith.index_cast %min3A : i32 to index
    %get3A_3 = memref.load %arg1[%get3A_2] : memref<32xi32, #tpu.memory_space<smem>>
    %c0_i32 = arith.constant 0 : i32
    %c0_i32_4 = arith.constant 0 : i32
    %c0_i32_5 = arith.constant 0 : i32
    return %get3A_3, %c0_i32, %c0_i32_4 : i32, i32, i32
  }
  func.func @transform_3(%arg0: i32, %arg1: memref<32xi32, #tpu.memory_space<smem>>) -> (i32, i32, i32) {
    %get3A = arith.constant 31 : index
    %get3A_0 = memref.load %arg1[%get3A] : memref<32xi32, #tpu.memory_space<smem>>
    %sub3A = arith.constant 1 : i32
    %sub3A_1 = arith.subi %get3A_0, %sub3A : i32
    %min3A = arith.minsi %arg0, %sub3A_1 : i32
    %get3A_2 = arith.index_cast %min3A : i32 to index
    %get3A_3 = memref.load %arg1[%get3A_2] : memref<32xi32, #tpu.memory_space<smem>>
    %c0_i32 = arith.constant 0 : i32
    %c0_i32_4 = arith.constant 0 : i32
    %c0_i32_5 = arith.constant 0 : i32
    return %get3A_3, %c0_i32, %c0_i32_4 : i32, i32, i32
  }
  func.func @transform_4(%arg0: i32, %arg1: memref<32xi32, #tpu.memory_space<smem>>) -> (i32, i32) {
    %c0_i32 = arith.constant 0 : i32
    %c0_i32_0 = arith.constant 0 : i32
    return %arg0, %c0_i32 : i32, i32
  }
}

</mosaic_0001>

<sc_bundles>
// kernel: kernel.6.cloned.1.call-start
scs
__scs_entry_jumppad:
0x0: {  	(pc) =	sbr.rel $0x88, $3  }
0x1: {  	(tag) =	ssettag $0x0;
	lr =	simm.s32 $0x1  }
0x2: {  	[smem:$0x3F9D] =	sst lr;
	_ =	strace $0xD0000000  }
0x3: {  	_ = 	snop  }
0x4: {  	_ = 	snop  }
0x5: {  	_ = 	snop  }
0x6: {  	_ = 	snop  }
0x7: {  	_ = 	snop  }
__scs_overlays_trampoline_lowered:
0x8: {  	[smem:$0x3FAC] =	sst s0  }
0x9: {  	[smem:$0x3FAD] =	sst s1  }
0xa: {  	[smem:$0x3FAE] =	sst s2  }
0xb: {  	[smem:$0x3FAF] =	sst s3  }
0xc: {  	[smem:$0x3FB0] =	sst s4  }
0xd: {  	[smem:$0x3FB1] =	sst s5  }
0xe: {  	[smem:$0x3FB2] =	sst s6  }
0xf: {  	[smem:$0x3FB3] =	sst s7  }
0x10: {  	[smem:$0x3FB4] =	sst s8  }
0x11: {  	[smem:$0x3FB5] =	sst s9;
	s0 =	simm.s32 @!p0 $0x0  }
0x12: {  	s1 =	sld [smem:$0x3F9B];
	s0 =	simm.s32 @p0 $0x1  }
0x13: {  	[smem:$0x3FB6] =	sst s0;
	s0 =	simm.s32 @!p1 $0x0  }
0x14: {  	s2 =	sld [smem:$0x3F9A];
	s0 =	simm.s32 @p1 $0x1  }
0x15: {  	[smem:$0x3FB7] =	sst s0;
	s0 =	simm.s32 @!p2 $0x0  }
0x16: {  	s3 =	sld [smem:$0x3FDB];
	s0 =	simm.s32 @p2 $0x1  }
0x17: {  	s4 =	simm.s32 $0x1BF5;
	[smem:$0x3FB9] =	sst s0  }
0x18: {  	s0 =	sld [smem:$0x3F9C];
	_ =	swait.ge [sflag:s4], $0x0  }
0x19: {  	s7 =	sld [smem:$0x3F9D]  }
0x1a: {  	s8 =	sadd.s32 $0xFFFFE003, lr  }
0x1b: {  	s9 =	sadd.s32 $0xFFFFFEF7, lr;
	s5 =	simm.s32 $0xFFFFFFFF;
	p2 =	slt.u32 s8, $0xFFFFF086  }
0x1c: {  	p1 =	slt.u32 s9, $0xF7A;
	s5 =	simm.s32 @!p2 $0x0  }
0x1d: {  	s5 =	simm.s32 @p1 $0x1;
	p0 =	seq.s32 s7, s2  }
0x1e: {  	s7 =	smul.u32 @!p0 $0xF7A, s2;
	p2 =	seq.s32 @!p0 s5, $0x0  }
0x1f: {  	s9 =	smul.u32 $0xF7A, s1;
	s8 =	simm.s32 @!p0 $0x1BF5;
	p2 =	por !p2, p0  }
0x20: {  	[sflag:s8] =	ssyncset.s32 @!p0 $0xFFFFF086;
	s6 =	sadd.s32 @!p0 s3, s7;
	s7 =	simm.s32 @!p0 $0x108  }
0x21: {  	s3 =	sadd.s32 s3, s9;
	s6 =	sadd.s32 @!p0 $0x88, s6;
	s7 =	simm.s32 @p2 $0x1082  }
0x22: {  	[simem:s7], [sflag:s8] =	dma.local @!p0 [hbm:s6], $0xF7A  }
0x23: {  	s9 =	sor.u32 $0xD0000000, s2;
	s6 =	simm.s32 $0x108;
	_ =	swait.ge @!p0 [sflag:s8], $0x0  }
0x24: {  	s3 =	sadd.s32 $0x88, s3;
	s6 =	simm.s32 @!p1 $0x1082;
	[sflag:s4] =	ssyncset.s32 $0xFFFFF086  }
0x25: {  	[simem:s6], [sflag:s4] =	dma.local [hbm:s3], $0xF7A  }
0x26: {  	[smem:$0x3F9D] =	sst s1;
	(tag) =	ssettag s2;
	_ =	strace s9  }
0x27: {  	s1 =	sld [smem:$0x3FAD]  }
0x28: {  	s2 =	sld [smem:$0x3FAE]  }
0x29: {  	s4 =	sld [smem:$0x3FB0]  }
0x2a: {  	p0 =	seq.s32 s5, $0x0;
	s5 =	sld [smem:$0x3FB1]  }
0x2b: {  	s6 =	sld [smem:$0x3FB2]  }
0x2c: {  	s7 =	sld [smem:$0x3FB3]  }
0x2d: {  	s3 =	simm.s32 $0x108;
	s8 =	sld [smem:$0x3FB4]  }
0x2e: {  	s3 =	simm.s32 @!p0 $0x1082;
	s9 =	sld [smem:$0x3FB5]  }
0x2f: {  	lr =	sadd.s32 s0, s3;
	s0 =	sld [smem:$0x3FAC]  }
0x30: {  	s3 =	sld [smem:$0x3FAF]  }
0x31: {  	[smem:$0x3FB8] =	sst s10  }
0x32: {  	s10 =	sld [smem:$0x3FB6];
	_ =	sdelay $0x3  }
0x33: {  	p0 =	seq.s32 s10, $0x1;
	s10 =	sld [smem:$0x3FB8];
	_ =	sdelay $0x3  }
0x34: {  	[smem:$0x3FB8] =	sst s10  }
0x35: {  	s10 =	sld [smem:$0x3FB7];
	_ =	sdelay $0x3  }
0x36: {  	p1 =	seq.s32 s10, $0x1;
	s10 =	sld [smem:$0x3FB8];
	_ =	sdelay $0x3  }
0x37: {  	[smem:$0x3FB8] =	sst s10  }
0x38: {  	s10 =	sld [smem:$0x3FB9]  }
0x39: {  	_ = 	snop;
	(pc) =	sbr.ind lr, $3  }
0x3a: {  	_ = 	snop  }
0x3b: {  	_ = 	snop  }
0x3c: {  	p2 =	seq.s32 s10, $0x1;
	s10 =	sld [smem:$0x3FB8]  }
0x3d: {  	_ =	shalt  }
0x3e: {  	_ =	shalt  }
0x3f: {  	_ =	shalt  }
0x40: {  	_ =	shalt  }
0x41: {  	_ =	shalt  }
0x42: {  	_ =	shalt  }
0x43: {  	_ =	shalt  }
0x44: {  	_ =	shalt  }
0x45: {  	_ =	shalt  }
0x46: {  	_ =	shalt  }
0x47: {  	_ =	shalt  }
0x48: {  	_ =	shalt  }
0x49: {  	_ =	shalt  }
0x4a: {  	_ =	shalt  }
0x4b: {  	_ =	shalt  }
0x4c: {  	_ =	shalt  }
0x4d: {  	_ =	shalt  }
0x4e: {  	_ =	shalt  }
0x4f: {  	_ =	shalt  }
0x50: {  	_ =	shalt  }
0x51: {  	_ =	shalt  }
0x52: {  	_ =	shalt  }
0x53: {  	_ =	shalt  }
0x54: {  	_ =	shalt  }
0x55: {  	_ =	shalt  }
0x56: {  	_ =	shalt  }
0x57: {  	_ =	shalt  }
0x58: {  	_ =	shalt  }
0x59: {  	_ =	shalt  }
0x5a: {  	_ =	shalt  }
0x5b: {  	_ =	shalt  }
0x5c: {  	_ =	shalt  }
0x5d: {  	_ =	shalt  }
0x5e: {  	_ =	shalt  }
0x5f: {  	_ =	shalt  }
0x60: {  	_ =	shalt  }
0x61: {  	_ =	shalt  }
0x62: {  	_ =	shalt  }
0x63: {  	_ =	shalt  }
0x64: {  	_ =	shalt  }
0x65: {  	_ =	shalt  }
0x66: {  	_ =	shalt  }
0x67: {  	_ =	shalt  }
0x68: {  	_ =	shalt  }
0x69: {  	_ =	shalt  }
0x6a: {  	_ =	shalt  }
0x6b: {  	_ =	shalt  }
0x6c: {  	_ =	shalt  }
0x6d: {  	_ =	shalt  }
0x6e: {  	_ =	shalt  }
0x6f: {  	_ =	shalt  }
0x70: {  	_ =	shalt  }
0x71: {  	_ =	shalt  }
0x72: {  	_ =	shalt  }
0x73: {  	_ =	shalt  }
0x74: {  	_ =	shalt  }
0x75: {  	_ =	shalt  }
0x76: {  	_ =	shalt  }
0x77: {  	_ =	shalt  }
0x78: {  	_ =	shalt  }
0x79: {  	_ =	shalt  }
0x7a: {  	_ =	shalt  }
0x7b: {  	_ =	shalt  }
0x7c: {  	_ =	shalt  }
0x7d: {  	_ =	shalt  }
0x7e: {  	_ =	shalt  }
0x7f: {  	_ =	shalt  }
0x80: {  	_ =	shalt  }
0x81: {  	_ =	shalt  }
0x82: {  	_ =	shalt  }
0x83: {  	_ =	shalt  }
0x84: {  	_ =	shalt  }
0x85: {  	_ =	shalt  }
0x86: {  	_ =	shalt  }
0x87: {  	_ =	shalt  }
.Lfunc_end0:
.L_simem_size_0:
called_computation_lowered:
.L_overlay_start_0:
0x88: {  	s2 =	sld [smem:$0x3FD9]  }
0x89: {  	s3 =	sld [smem:$0x3FFE];
	_ =	sdelay $0x1  }
0x8a: {  	s1 =	srdreg.scid  }
0x8b: {  	s0 =	sand.u32 $0x1, s1  }
0x8c: {  	s17 =	sshll.u32 s0, $0xA;
	s2 =	sadd.s32 s3, s2  }
0x8d: {  	s2 =	sadd.s32 s2, s17  }
0x8e: {  	[smem:$0x3FC4] =	sst s2  }
0x8f: {  	_ = 	snop  }
0x90: {  	s2 =	sld [smem:$0x3FD0];
	(tm) =	ssettm $0x1  }
0x91: {  	s18 =	sld [smem:$0x3FFB];
	_ =	sdelay $0x3  }
0x92: {  	_ =	strace s18  }
0x93: {  	s3 =	sld [smem:$0x3FFC];
	_ =	sdelay $0x3  }
0x94: {  	_ =	strace s3  }
0x95: {  	s3 =	sld [smem:$0x3FFD];
	_ =	sdelay $0x3  }
0x96: {  	_ =	strace s3  }
0x97: {  	_ =	strace $0x8FFFFFFF  }
0x98: {  	s19 =	sld [smem:$0x3FDB];
	_ =	sdelay $0x1  }
0x99: {  	s4 =	simm.s32 $_scs_section_size  }
0x9a: {  	s5 =	simm.s32 $_size__tile_overlayer_lowered;
	s6 =	simm.s32 $_tile_overlayer_lowered  }
0x9b: {  	s22 =	simm.s32 $0x1BFF;
	s21 =	sshll.u32 s6, $0x1;
	s3 =	sadd.s32 s4, s19  }
0x9c: {  	s7 =	simm.s32 $0x0;
	s20 =	sshll.u32 s5, $0x1;
	s5 =	sadd.s32 s21, s3  }
0x9d: {  	[timem:s7], [sflag:s22] =	dma.local [hbm:s5], s20  }
0x9e: {  	_ =	swait.ge [sflag:s22], s20  }
0x9f: {  	s4 =	ssub.s32 $0x0, s20;
	[sflag:s22] =	ssyncset.done $0x0  }
0xa0: {  	[sflag:s22] =	ssyncadd.s32 s4;
	_ =	sdelay $0x1  }
0xa1: {  	s23 =	simm.s32 $0x1B8B  }
0xa2: {  	_ =	swait.ge [sflag:s23], $0x1  }
0xa3: {  	[sflag:s23] =	ssyncset.done $0x0  }
0xa4: {  	s25 =	simm.s32 $0x1B8E;
	s24 =	sld [smem:$0x3FFE];
	[sflag:s23] =	ssyncadd.s32 $0xFFFFFFFF  }
0xa5: {  	s26 =	simm.s32 $execute0_lowered;
	[smem:$0x3FD2] =	sst s25  }
0xa6: {  	s5 =	sshll.u32 s26, $0x1;
	_ =	strace $0x80000046;
	[dreg:$0x1] =	wrdreg $0xFFFFFFFF  }
0xa7: {  	s28 =	simm.s32 $_size_execute0_lowered;
	s3 =	sadd.s32 s3, s5;
	[dreg:$0x0] =	wrdreg $0x0  }
0xa8: {  	s5 =	sshll.u32 s28, $0x1;
	[dreg:$0x2] =	wrdreg s3  }
0xa9: {  	[dreg:$0x3] =	wrdreg s5  }
0xaa: {  	[dreg:$0x4] =	wrdreg $0xC0  }
0xab: {  	_ =	task [dreg:s7], $0x5FFFF  }
0xac: {  	[dreg:$0x1] =	wrdreg $0xFFFFFFFF  }
0xad: {  	[dreg:$0x0] =	wrdreg $0x60  }
0xae: {  	[dreg:$0x2] =	wrdreg s24  }
0xaf: {  	[dreg:$0x3] =	wrdreg s2  }
0xb0: {  	[dreg:$0x4] =	wrdreg $0x59000  }
0xb1: {  	[dreg:$0x5] =	wrdreg $0x9  }
0xb2: {  	_ =	task.clear_ibuf [dreg:s7], $0x6FFFF;
	_ =	strace $0x90000046  }
0xb3: {  	s29 =	simm.s32 $0x9;
	_ =	strace $0x80000048  }
0xb4: {  	_ =	swait.ge [sflag:s29], $0x1  }
0xb5: {  	[sflag:s29] =	ssyncadd.s32 $0xFFFFFFFF  }
0xb6: {  	_ =	strace $0x90000048  }
0xb7: {  	_ =	sfence  }
0xb8: {  	s30 =	sld [smem:$0x0];
	_ =	sdelay $0x2  }
0xb9: {  	s31 =	sshll.u32 s1, $0xD;
	s1 =	sshrl.u32 s1, $0x2  }
0xba: {  	s3 =	sand.u32 $0x4000, s31;
	s1 =	sadd.s32 s1, s30  }
0xbb: {  	s0 =	sor.u32 s3, s0;
	s1 =	sshll.u32 s1, $0x11  }
0xbc: {  	s0 =	sor.u32 s1, s0  }
0xbd: {  	s0 =	sadd.s32 $0x8F2B, s0  }
0xbe: {  	[sflag:s0] =	ssyncadd.remote.s32 $0x1  }
0xbf: {  	_ =	sfence.sel $0xFFFF  }
0xc0: {  	[dreg:$0x0] =	wrdreg $0xFFFFFFFF;
	(pc) =	sbr.abs _section_cstart, $3  }
0xc1: {  	[dreg:$0x1] =	wrdreg $0xFFFFFFFF  }
0xc2: {  	_ =	task.clear_ibuf [dreg:s7], $0x2FFFF;
	_ =	strace $0x9FFFFFFF  }
0xc3: {  	(tm) =	ssettm $0x7FFFFFFF  }
tec
execute0_lowered:
.L_overlay_start_1:
0x0: {  	(tag) =	ssettag $0x1  }
0x1: {  	s8 =	rddreg [dreg:$0x0]  }
0x2: {  	s0 =	rddreg [dreg:$0x1]  }
0x3: {  	s9 =	rddreg [dreg:$0x2];
	s3 =	simm.s32 $0x0  }
0x4: {  	s20 =	srdreg.scid;
	s23 =	stileid.u32;
	s29 =	simm.s32 $0x3100  }
0x5: {  	s30 =	simm.s32 $0x3080;
	[smem:$0x7FF] =	sst s3;
	s1 =	sadd.s32 $0x200, s8  }
0x6: {  	s15 =	sadd.s32 $0x400, s8;
	_ =	strace $0x80000047;
	[dreg:$0x4] =	wrdreg s1  }
0x7: {  	s31 =	simm.s32 $0x3180;
	s16 =	sadd.s32 $0x600, s8;
	[dreg:$0x5] =	wrdreg s15  }
0x8: {  	s28 =	simm.s32 $0x6B00;
	s17 =	sadd.s32 $0x800, s8;
	[dreg:$0x6] =	wrdreg s16  }
0x9: {  	s14 =	simm.s32 $0x5B00;
	s18 =	sadd.s32 $0xA00, s8;
	[dreg:$0x7] =	wrdreg s17  }
0xa: {  	s12 =	simm.s32 $0xC300;
	s19 =	sadd.s32 $0xC00, s8;
	[dreg:$0x8] =	wrdreg s18  }
0xb: {  	s13 =	simm.s32 $0xCB00;
	s2 =	sadd.s32 $0xE00, s8;
	[dreg:$0x9] =	wrdreg s19  }
0xc: {  	s10 =	sadd.s32 $0x1200, s8;
	s21 =	sadd.s32 $0x61400, s8;
	[dreg:$0xa] =	wrdreg s2  }
0xd: {  	s22 =	sadd.s32 $0x61600, s8;
	s7 =	sshll.u32 s23, $0x6;
	[dreg:$0xb] =	wrdreg s21  }
0xe: {  	s11 =	sadd.s32 $0x61200, s8;
	s25 =	sadd.s32 $0x800, s9;
	[dreg:$0xc] =	wrdreg s22  }
0xf: {  	p0 =	sne.s32 s23, $0x0;
	s23 =	simm.s32 $0xD300;
	[dreg:$0xd] =	wrdreg s11  }
0x10: {  	s1 =	sand.u32 $0x1, s20;
	[dreg:$0xe] =	wrdreg s25;
	s19 =	sadd.s32 $0x1300, s8  }
0x11: {  	v0 =	vlaneseq.u32;
	s21 =	simm.s32 $0x3;
	s25 =	simm.s32 $0x5A80;
	s15 =	simm.s32 $0x2  }
0x12: {  	v1 =	vimm.s32 $0x1;
	vm0 =	vmmov $0x3;
	v2 =	vimm.s32 $0x2;
	s22 =	simm.s32 $0x7300;
	s2 =	simm.s32 $0x7B00;
	s8 =	simm.s32 $0xAB00  }
0x13: {  	vm1 =	vmmov $0x7;
	v3 =	vimm.s32 $0x3;
	vm2 =	vmmov $0xf;
	s11 =	simm.s32 $0xBB00;
	s4 =	ssub.s32 $0x2, s1;
	s6 =	sshll.u32 s1, $0xA  }
0x14: {  	v4 =	vimm.s32 $0x4;
	vm3 =	vmmov $0x1f;
	v5 =	vimm.s32 $0x5;
	p1 =	sne.s32 s1, $0x0;
	s5 =	sshrl.u32 s4, $0x1;
	s24 =	sor.u32 s7, s6  }
.Ltmp0:
0x15: {  	vm4 =	vmmov $0x3f;
	v6 =	vimm.s32 $0x6;
	vm5 =	vmmov $0x7f;
	s6 =	simm.s32 $0x9B00;
	s7 =	simm.s32 $0xA300;
	(pc) =	sbr.rel .LBB2_1-.Ltmp0, $4  }
0x16: {  	v7 =	vimm.s32 $0x7;
	vm6 =	vmmov $0xff;
	v10 =	vimm.s32 $0x0;
	s4 =	ssub.s32 s4, s5;
	s26 =	sshll.u32 s24, $0x6;
	s16 =	sadd.s32 s24, s9  }
0x17: {  	vm7 =	vmmov $0x7fff;
	vm8 =	vmmov $0xffff;
	v8 =	vor.u32 $0x10, v0;
	s24 =	simm.s32 $0x0;
	s5 =	simm.s32 $0x9300;
	s9 =	simm.s32 $0xB300  }
0x18: {  	v9 =	vadd.s32 $0x1, v0;
	v11 =	vadd.s32 $0x11, v0;
	v13 =	vshrl.u32 v0, $0x3;
	s17 =	sadd.s32 s0, s26;
	s18 =	sadd.s32 $0x800, s16;
	s20 =	smax.u32 s4, $0x1  }
0x19: {  	v12 =	vand.u32 $0x7, v0;
	v14 =	vor.u32 $0x8, v0;
	v13 =	vmul.u32 $0x8, v13;
	s0 =	simm.s32 $0x5A00;
	s26 =	simm.s32 $0x6300;
	s4 =	simm.s32 $0x8B00  }
.LBB2_4:
0x1a: {  	s17 =	rddreg [dreg:$0x2];
	s18 =	simm.s32 $0x4880  }
0x1b: {  	[spmem:s17] =	stream.linear.scatter [tilespmem:s18], [sflag:$0x3], $0x800, $0x38;
	[tilespmem:$0xDB00] =	vst v63  }
0x1c: {  	_ =	swait.ge [sflag:s21], $0x800  }
0x1d: {  	[sflag:s21] =	ssyncset.done $0x0  }
0x1e: {  	s25 =	simm.s32 $0x5080;
	s20 =	rddreg [dreg:$0xe];
	[sflag:s21] =	ssyncadd.s32 $0xFFFFF800  }
0x1f: {  	[spmem:s20] =	stream.linear.scatter [tilespmem:s25], [sflag:$0x3], $0x800, $0x38;
	[tilespmem:$0xDB00] =	vst v63  }
0x20: {  	_ =	swait.ge [sflag:s21], $0x800  }
0x21: {  	s17 =	simm.s32 @!p1 $0x0;
	[sflag:s21] =	ssyncset.done $0x0  }
0x22: {  	s25 =	simm.s32 @!p1 $0x3180;
	s18 =	rddreg [dreg:$0xa];
	[sflag:s21] =	ssyncadd.s32 $0xFFFFF800  }
0x23: {  	[hbm4b:s18+s17] =	stream.linear.scatter @!p1 [tilespmem:s25], [sflag:$0x3], $0x1700, $0x38;
	[tilespmem:$0xDB00] =	vst v63  }
0x24: {  	s25 =	simm.s32 @!p1 $0x3  }
0x25: {  	_ =	swait.ge @!p1 [sflag:s25], $0x1700  }
0x26: {  	[sflag:s25] =	ssyncset.done @!p1 $0x0  }
0x27: {  	s18 =	simm.s32 @!p1 $0x4880;
	s20 =	rddreg [dreg:$0xb];
	[sflag:s25] =	ssyncadd.s32 @!p1 $0xFFFFE900  }
0x28: {  	[hbm4b:s20+s17] =	stream.linear.scatter @!p1 [tilespmem:s18], [sflag:$0x3], $0x800, $0x38;
	[tilespmem:$0xDB00] =	vst v63  }
0x29: {  	_ =	swait.ge @!p1 [sflag:s25], $0x800  }
0x2a: {  	[sflag:s25] =	ssyncset.done @!p1 $0x0  }
0x2b: {  	s18 =	simm.s32 @!p1 $0x5080;
	s20 =	rddreg [dreg:$0xc];
	[sflag:s25] =	ssyncadd.s32 @!p1 $0xFFFFF800  }
0x2c: {  	[hbm4b:s20+s17] =	stream.linear.scatter @!p1 [tilespmem:s18], [sflag:$0x3], $0x800, $0x38;
	[tilespmem:$0xDB00] =	vst v63  }
0x2d: {  	_ =	swait.ge @!p1 [sflag:s25], $0x800  }
0x2e: {  	[sflag:s25] =	ssyncset.done @!p1 $0x0  }
0x2f: {  	s18 =	simm.s32 @!p1 $0x5880;
	s20 =	rddreg [dreg:$0xd];
	[sflag:s25] =	ssyncadd.s32 @!p1 $0xFFFFF800  }
0x30: {  	[hbm4b:s20+s17] =	stream.linear.scatter @!p1 [tilespmem:s18], [sflag:$0x3], $0x80, $0x38;
	[tilespmem:$0xDB00] =	vst v63  }
0x31: {  	s17 =	smov.u32 s16;
	s16 =	smov.u32 s26  }
0x32: {  	s18 =	smov.u32 s28;
	s20 =	smov.u32 s0;
	_ =	swait.ge @!p1 [sflag:s25], $0x80  }
0x33: {  	s0 =	simm.s32 $0x5A00;
	s26 =	simm.s32 $0x6300;
	[sflag:s25] =	ssyncset.done @!p1 $0x0  }
0x34: {  	s28 =	simm.s32 $0x6B00;
	[sflag:s25] =	ssyncadd.s32 @!p1 $0xFFFFFF80;
	s25 =	simm.s32 $0x5A80  }
.LBB2_5:
0x35: {  	[bflag:$0x0] =	sbarrier.arrive $0xFFFF  }
0x36: {  	[tilespmem:s14], [sflag:$0x3] =	stream.linear.gather [hbm4b:s17+s3], $0x8000, $0x38;
	[tilespmem:$0xDB00] =	vst v63  }
0x37: {  	_ =	swait.ge [sflag:s21], $0x8000  }
0x38: {  	[sflag:s21] =	ssyncset.done $0x0  }
0x39: {  	[sflag:s21] =	ssyncadd.s32 $0xFFFF8000  }
0x3a: {  	[tilespmem:s0], [sflag:$0x3] =	stream.linear.gather [spmem:s16], $0x40, $0x38;
	[tilespmem:$0xDB00] =	vst v63  }
0x3b: {  	_ =	swait.ge [sflag:s21], $0x40  }
0x3c: {  	[sflag:s21] =	ssyncset.done $0x0  }
0x3d: {  	[sflag:s21] =	ssyncadd.s32 $0xFFFFFFC0  }
0x3e: {  	[tilespmem:s25], [sflag:$0x3] =	stream.linear.gather [spmem:s18], $0x40, $0x38;
	[tilespmem:$0xDB00] =	vst v63  }
0x3f: {  	_ =	swait.ge [sflag:s21], $0x40  }
0x40: {  	[sflag:s21] =	ssyncset.done $0x0  }
0x41: {  	[sflag:s21] =	ssyncadd.s32 $0xFFFFFFC0  }
0x42: {  	v15 =	vld [tilespmem:$0x5A00];
	_ =	sdelay $0x4  }
0x43: {  	v16 =	vshll.u32 v15, $0x2  }
0x44: {  	v15 =	vand.u32 $0x7, v15;
	v16 =	vand.u32 $0xFFFFFFE0, v16  }
0x45: {  	v15 =	vor.u32 v15, v16  }
0x46: {  	v16 =	vperm.xlane v15, v12;
	_ =	sdelay $0x1  }
0x47: {  	v16 =	vadd.s32 v13, v16;
	_ =	sdelay $0x1  }
0x48: {  	v15 =	vperm.xlane v15, v14;
	_ =	sdelay $0x1  }
0x49: {  	v15 =	vadd.s32 v13, v15  }
0x4a: {  	[hbm4b:s10+s3] =	stream.indirect_vreg.scatter [tilespmem:s14], [sflag:$0x1], $0x80, v16, vm8, $0xb8;
	[tilespmem:$0xDB00] =	vst v63  }
0x4b: {  	_ = 	snop  }
0x4c: {  	[hbm4b:s19+s3] =	stream.indirect_vreg.scatter [tilespmem:s26], [sflag:$0x1], $0x80, v16, vm8, $0xb8;
	[tilespmem:$0xDB00] =	vst v63  }
0x4d: {  	_ = 	snop  }
0x4e: {  	[hbm4b:s10+s3] =	stream.indirect_vreg.scatter [tilespmem:s28], [sflag:$0x1], $0x80, v15, vm8, $0xb8;
	[tilespmem:$0xDB00] =	vst v63  }
0x4f: {  	_ = 	snop  }
0x50: {  	[hbm4b:s19+s3] =	stream.indirect_vreg.scatter [tilespmem:s22], [sflag:$0x1], $0x80, v15, vm8, $0xb8;
	[tilespmem:$0xDB00] =	vst v63  }
0x51: {  	v15 =	vld [tilespmem:$0x5A10];
	_ =	sdelay $0x4  }
0x52: {  	v57 =	vshll.u32 v15, $0x2  }
0x53: {  	v15 =	vand.u32 $0x7, v15;
	v16 =	vand.u32 $0xFFFFFFE0, v57  }
0x54: {  	v15 =	vor.u32 v15, v16  }
0x55: {  	v16 =	vperm.xlane v15, v12;
	_ =	sdelay $0x1  }
0x56: {  	v16 =	vadd.s32 v13, v16;
	_ =	sdelay $0x1  }
0x57: {  	v15 =	vperm.xlane v15, v14;
	_ =	sdelay $0x1  }
0x58: {  	v15 =	vadd.s32 v13, v15  }
0x59: {  	[hbm4b:s10+s3] =	stream.indirect_vreg.scatter [tilespmem:s2], [sflag:$0x1], $0x80, v16, vm8, $0xb8;
	[tilespmem:$0xDB00] =	vst v63  }
0x5a: {  	s1 =	simm.s32 $0x8300  }
0x5b: {  	[hbm4b:s19+s3] =	stream.indirect_vreg.scatter [tilespmem:s1], [sflag:$0x1], $0x80, v16, vm8, $0xb8;
	[tilespmem:$0xDB00] =	vst v63  }
0x5c: {  	_ = 	snop  }
0x5d: {  	[hbm4b:s10+s3] =	stream.indirect_vreg.scatter [tilespmem:s4], [sflag:$0x1], $0x80, v15, vm8, $0xb8;
	[tilespmem:$0xDB00] =	vst v63  }
0x5e: {  	_ = 	snop  }
0x5f: {  	[hbm4b:s19+s3] =	stream.indirect_vreg.scatter [tilespmem:s5], [sflag:$0x1], $0x80, v15, vm8, $0xb8;
	[tilespmem:$0xDB00] =	vst v63  }
0x60: {  	v15 =	vld [tilespmem:$0x5A20];
	_ =	sdelay $0x4  }
0x61: {  	v58 =	vshll.u32 v15, $0x2  }
0x62: {  	v15 =	vand.u32 $0x7, v15;
	v16 =	vand.u32 $0xFFFFFFE0, v58  }
0x63: {  	v15 =	vor.u32 v15, v16  }
0x64: {  	v16 =	vperm.xlane v15, v12;
	_ =	sdelay $0x1  }
0x65: {  	v16 =	vadd.s32 v13, v16;
	_ =	sdelay $0x1  }
0x66: {  	v15 =	vperm.xlane v15, v14;
	_ =	sdelay $0x1  }
0x67: {  	v15 =	vadd.s32 v13, v15  }
0x68: {  	[hbm4b:s10+s3] =	stream.indirect_vreg.scatter [tilespmem:s6], [sflag:$0x1], $0x80, v16, vm8, $0xb8;
	[tilespmem:$0xDB00] =	vst v63  }
0x69: {  	_ = 	snop  }
0x6a: {  	[hbm4b:s19+s3] =	stream.indirect_vreg.scatter [tilespmem:s7], [sflag:$0x1], $0x80, v16, vm8, $0xb8;
	[tilespmem:$0xDB00] =	vst v63  }
0x6b: {  	_ = 	snop  }
0x6c: {  	[hbm4b:s10+s3] =	stream.indirect_vreg.scatter [tilespmem:s8], [sflag:$0x1], $0x80, v15, vm8, $0xb8;
	[tilespmem:$0xDB00] =	vst v63  }
0x6d: {  	_ = 	snop  }
0x6e: {  	[hbm4b:s19+s3] =	stream.indirect_vreg.scatter [tilespmem:s9], [sflag:$0x1], $0x80, v15, vm8, $0xb8;
	[tilespmem:$0xDB00] =	vst v63  }
0x6f: {  	v15 =	vld [tilespmem:$0x5A30];
	_ =	sdelay $0x4  }
0x70: {  	v59 =	vshll.u32 v15, $0x2  }
0x71: {  	v15 =	vand.u32 $0x7, v15;
	v16 =	vand.u32 $0xFFFFFFE0, v59  }
0x72: {  	v15 =	vor.u32 v15, v16  }
0x73: {  	v16 =	vperm.xlane v15, v12;
	_ =	sdelay $0x1  }
0x74: {  	v16 =	vadd.s32 v13, v16;
	_ =	sdelay $0x1  }
0x75: {  	v15 =	vperm.xlane v15, v14;
	_ =	sdelay $0x1  }
0x76: {  	v15 =	vadd.s32 v13, v15  }
0x77: {  	[hbm4b:s10+s3] =	stream.indirect_vreg.scatter [tilespmem:s11], [sflag:$0x1], $0x80, v16, vm8, $0xb8;
	[tilespmem:$0xDB00] =	vst v63  }
0x78: {  	_ = 	snop  }
0x79: {  	[hbm4b:s19+s3] =	stream.indirect_vreg.scatter [tilespmem:s12], [sflag:$0x1], $0x80, v16, vm8, $0xb8;
	[tilespmem:$0xDB00] =	vst v63  }
0x7a: {  	_ = 	snop  }
0x7b: {  	[hbm4b:s10+s3] =	stream.indirect_vreg.scatter [tilespmem:s13], [sflag:$0x1], $0x80, v15, vm8, $0xb8;
	[tilespmem:$0xDB00] =	vst v63  }
0x7c: {  	_ = 	snop  }
0x7d: {  	[hbm4b:s19+s3] =	stream.indirect_vreg.scatter [tilespmem:s23], [sflag:$0x1], $0x80, v15, vm8, $0xb8;
	[tilespmem:$0xDB00] =	vst v63  }
0x7e: {  	v15 =	vld [tilespmem:$0x5A80];
	_ =	sdelay $0x4  }
0x7f: {  	v60 =	vshll.u32 v15, $0x2  }
0x80: {  	v15 =	vand.u32 $0x7, v15;
	v16 =	vand.u32 $0xFFFFFFE0, v60  }
0x81: {  	v15 =	vor.u32 v15, v16  }
0x82: {  	v16 =	vperm.xlane v15, v12;
	_ =	sdelay $0x1  }
0x83: {  	v16 =	vadd.s32 v13, v16;
	_ =	sdelay $0x1  }
0x84: {  	v15 =	vperm.xlane v15, v14;
	_ =	sdelay $0x1  }
0x85: {  	v15 =	vadd.s32 v13, v15  }
0x86: {  	[hbm4b:s10+s3] =	stream.indirect_vreg.scatter [tilespmem:s14], [sflag:$0x2], $0x80, v16, vm8, $0xb8;
	[tilespmem:$0xDB00] =	vst v63  }
0x87: {  	_ = 	snop  }
0x88: {  	[hbm4b:s19+s3] =	stream.indirect_vreg.scatter [tilespmem:s26], [sflag:$0x2], $0x80, v16, vm8, $0xb8;
	[tilespmem:$0xDB00] =	vst v63  }
0x89: {  	_ = 	snop  }
0x8a: {  	[hbm4b:s10+s3] =	stream.indirect_vreg.scatter [tilespmem:s28], [sflag:$0x2], $0x80, v15, vm8, $0xb8;
	[tilespmem:$0xDB00] =	vst v63  }
0x8b: {  	_ = 	snop  }
0x8c: {  	[hbm4b:s19+s3] =	stream.indirect_vreg.scatter [tilespmem:s22], [sflag:$0x2], $0x80, v15, vm8, $0xb8;
	[tilespmem:$0xDB00] =	vst v63  }
0x8d: {  	v15 =	vld [tilespmem:$0x5A90];
	_ =	sdelay $0x4  }
0x8e: {  	v61 =	vshll.u32 v15, $0x2  }
0x8f: {  	v15 =	vand.u32 $0x7, v15;
	v16 =	vand.u32 $0xFFFFFFE0, v61  }
0x90: {  	v15 =	vor.u32 v15, v16  }
0x91: {  	v16 =	vperm.xlane v15, v12;
	_ =	sdelay $0x1  }
0x92: {  	v16 =	vadd.s32 v13, v16;
	_ =	sdelay $0x1  }
0x93: {  	v15 =	vperm.xlane v15, v14;
	_ =	sdelay $0x1  }
0x94: {  	v15 =	vadd.s32 v13, v15  }
0x95: {  	[hbm4b:s10+s3] =	stream.indirect_vreg.scatter [tilespmem:s2], [sflag:$0x2], $0x80, v16, vm8, $0xb8;
	[tilespmem:$0xDB00] =	vst v63  }
0x96: {  	_ = 	snop  }
0x97: {  	[hbm4b:s19+s3] =	stream.indirect_vreg.scatter [tilespmem:s1], [sflag:$0x2], $0x80, v16, vm8, $0xb8;
	[tilespmem:$0xDB00] =	vst v63  }
0x98: {  	_ = 	snop  }
0x99: {  	[hbm4b:s10+s3] =	stream.indirect_vreg.scatter [tilespmem:s4], [sflag:$0x2], $0x80, v15, vm8, $0xb8;
	[tilespmem:$0xDB00] =	vst v63  }
0x9a: {  	_ = 	snop  }
0x9b: {  	[hbm4b:s19+s3] =	stream.indirect_vreg.scatter [tilespmem:s5], [sflag:$0x2], $0x80, v15, vm8, $0xb8;
	[tilespmem:$0xDB00] =	vst v63  }
0x9c: {  	v15 =	vld [tilespmem:$0x5AA0];
	_ =	sdelay $0x4  }
0x9d: {  	v62 =	vshll.u32 v15, $0x2  }
0x9e: {  	v15 =	vand.u32 $0x7, v15;
	v16 =	vand.u32 $0xFFFFFFE0, v62  }
0x9f: {  	v15 =	vor.u32 v15, v16  }
0xa0: {  	v16 =	vperm.xlane v15, v12;
	_ =	sdelay $0x1  }
0xa1: {  	v16 =	vadd.s32 v13, v16;
	_ =	sdelay $0x1  }
0xa2: {  	v15 =	vperm.xlane v15, v14;
	_ =	sdelay $0x1  }
0xa3: {  	v15 =	vadd.s32 v13, v15  }
0xa4: {  	[hbm4b:s10+s3] =	stream.indirect_vreg.scatter [tilespmem:s6], [sflag:$0x2], $0x80, v16, vm8, $0xb8;
	[tilespmem:$0xDB00] =	vst v63  }
0xa5: {  	_ = 	snop  }
0xa6: {  	[hbm4b:s19+s3] =	stream.indirect_vreg.scatter [tilespmem:s7], [sflag:$0x2], $0x80, v16, vm8, $0xb8;
	[tilespmem:$0xDB00] =	vst v63  }
0xa7: {  	_ = 	snop  }
0xa8: {  	[hbm4b:s10+s3] =	stream.indirect_vreg.scatter [tilespmem:s8], [sflag:$0x2], $0x80, v15, vm8, $0xb8;
	[tilespmem:$0xDB00] =	vst v63  }
0xa9: {  	_ = 	snop  }
0xaa: {  	[hbm4b:s19+s3] =	stream.indirect_vreg.scatter [tilespmem:s9], [sflag:$0x2], $0x80, v15, vm8, $0xb8;
	[tilespmem:$0xDB00] =	vst v63  }
0xab: {  	v15 =	vld [tilespmem:$0x5AB0];
	_ =	sdelay $0x4  }
0xac: {  	v63 =	vshll.u32 v15, $0x2  }
0xad: {  	v15 =	vand.u32 $0x7, v15;
	v16 =	vand.u32 $0xFFFFFFE0, v63  }
0xae: {  	v15 =	vor.u32 v15, v16  }
0xaf: {  	v16 =	vperm.xlane v15, v12;
	_ =	sdelay $0x1  }
0xb0: {  	v16 =	vadd.s32 v13, v16;
	_ =	sdelay $0x1  }
0xb1: {  	v15 =	vperm.xlane v15, v14;
	_ =	sdelay $0x1  }
0xb2: {  	v15 =	vadd.s32 v13, v15  }
0xb3: {  	[hbm4b:s10+s3] =	stream.indirect_vreg.scatter [tilespmem:s11], [sflag:$0x2], $0x80, v16, vm8, $0xb8;
	[tilespmem:$0xDB00] =	vst v63  }
0xb4: {  	_ = 	snop  }
0xb5: {  	[hbm4b:s19+s3] =	stream.indirect_vreg.scatter [tilespmem:s12], [sflag:$0x2], $0x80, v16, vm8, $0xb8;
	[tilespmem:$0xDB00] =	vst v63  }
0xb6: {  	_ = 	snop  }
0xb7: {  	[hbm4b:s10+s3] =	stream.indirect_vreg.scatter [tilespmem:s13], [sflag:$0x2], $0x80, v15, vm8, $0xb8;
	[tilespmem:$0xDB00] =	vst v63  }
0xb8: {  	s24 =	sadd.s32 $0x1, s24;
	s1 =	simm.s32 $0x1  }
0xb9: {  	[hbm4b:s19+s3] =	stream.indirect_vreg.scatter [tilespmem:s23], [sflag:$0x2], $0x80, v15, vm8, $0xb8;
	[tilespmem:$0xDB00] =	vst v63  }
0xba: {  	p2 =	sne.s32 s24, s20;
	_ =	swait.ge [sflag:s1], $0x8000  }
.Ltmp1:
0xbb: {  	[sflag:s1] =	ssyncset.done $0x0;
	(pc) =	sbr.rel @!p2 .LBB2_6-.Ltmp1, $4  }
0xbc: {  	[sflag:s1] =	ssyncadd.s32 $0xFFFF8000  }
0xbd: {  	_ =	swait.ge [sflag:s15], $0x8000  }
0xbe: {  	[sflag:s15] =	ssyncset.done $0x0  }
0xbf: {  	[sflag:s15] =	ssyncadd.s32 $0xFFFF8000  }
.LBB2_1:
.Ltmp2:
0xc0: {  	(pc) =	sbr.rel @p0 .LBB2_5-.Ltmp2, $1  }
0xc1: {  	_ =	sdelay $0x3  }
0xc2: {  	s28 =	smov.u32 s18;
	s25 =	simm.s32 $0x0;
	s18 =	rddreg [dreg:$0x4]  }
0xc3: {  	[tilespmem:s25], [sflag:$0x3] =	stream.linear.gather [hbm4b:s18+s25], $0x800, $0x38;
	[tilespmem:$0xDB00] =	vst v63  }
0xc4: {  	_ =	swait.ge [sflag:s21], $0x800  }
0xc5: {  	s0 =	smov.u32 s20;
	[sflag:s21] =	ssyncset.done $0x0  }
0xc6: {  	s1 =	simm.s32 $0x800;
	s20 =	rddreg [dreg:$0x5];
	[sflag:s21] =	ssyncadd.s32 $0xFFFFF800  }
0xc7: {  	[tilespmem:s1], [sflag:$0x3] =	stream.linear.gather [hbm4b:s20+s25], $0x800, $0x38;
	[tilespmem:$0xDB00] =	vst v63  }
0xc8: {  	_ =	swait.ge [sflag:s21], $0x800  }
0xc9: {  	[sflag:s21] =	ssyncset.done $0x0  }
0xca: {  	s1 =	simm.s32 $0x1000;
	s20 =	rddreg [dreg:$0x6];
	[sflag:s21] =	ssyncadd.s32 $0xFFFFF800  }
0xcb: {  	[tilespmem:s1], [sflag:$0x3] =	stream.linear.gather [hbm4b:s20+s25], $0x800, $0x38;
	[tilespmem:$0xDB00] =	vst v63  }
0xcc: {  	_ =	swait.ge [sflag:s21], $0x800  }
0xcd: {  	[sflag:s21] =	ssyncset.done $0x0  }
0xce: {  	s1 =	simm.s32 $0x1800;
	s20 =	rddreg [dreg:$0x7];
	[sflag:s21] =	ssyncadd.s32 $0xFFFFF800  }
0xcf: {  	[tilespmem:s1], [sflag:$0x3] =	stream.linear.gather [hbm4b:s20+s25], $0x800, $0x38;
	[tilespmem:$0xDB00] =	vst v63  }
0xd0: {  	_ =	swait.ge [sflag:s21], $0x800  }
0xd1: {  	[sflag:s21] =	ssyncset.done $0x0  }
0xd2: {  	s1 =	simm.s32 $0x2000;
	s20 =	rddreg [dreg:$0x8];
	[sflag:s21] =	ssyncadd.s32 $0xFFFFF800  }
0xd3: {  	[tilespmem:s1], [sflag:$0x3] =	stream.linear.gather [hbm4b:s20+s25], $0x800, $0x38;
	[tilespmem:$0xDB00] =	vst v63  }
0xd4: {  	_ =	swait.ge [sflag:s21], $0x800  }
0xd5: {  	[sflag:s21] =	ssyncset.done $0x0  }
0xd6: {  	s1 =	simm.s32 $0x2800;
	s20 =	rddreg [dreg:$0x9];
	[sflag:s21] =	ssyncadd.s32 $0xFFFFF800  }
0xd7: {  	[tilespmem:s1], [sflag:$0x3] =	stream.linear.gather [hbm4b:s20+s25], $0x800, $0x38;
	[tilespmem:$0xDB00] =	vst v63  }
0xd8: {  	_ =	swait.ge [sflag:s21], $0x800  }
0xd9: {  	[sflag:s21] =	ssyncset.done $0x0  }
0xda: {  	[sflag:s21] =	ssyncadd.s32 $0xFFFFF800  }
0xdb: {  	s20 =	simm.s32 $0x3000;
	s18 =	rddreg [dreg:$0x0]  }
0xdc: {  	[tilespmem:s20], [sflag:$0x3] =	stream.linear.gather [hbm4b:s18+s25], $0x80, $0x38;
	[tilespmem:$0xDB00] =	vst v63  }
0xdd: {  	_ =	swait.ge [sflag:s21], $0x80  }
0xde: {  	[sflag:s21] =	ssyncset.done $0x0  }
0xdf: {  	[sflag:s21] =	ssyncadd.s32 $0xFFFFFF80  }
0xe0: {  	v15 =	vld [tilespmem:$0x3000];
	_ =	sdelay $0x4  }
0xe1: {  	v15 =	vadd.s32 $0xFF, v15  }
0xe2: {  	v15 =	vand.u32 $0xFFFFFF00, v15  }
0xe3: {  	[tilespmem:$0x3100] =	vst v15  }
0xe4: {  	v16 =	vld.msk [tilespmem:s29+$0x0], $0xffff  }
0xe5: {  	v17 =	vld.idx.msk [tilespmem:v1+s29+$0x0], $0xffff  }
0xe6: {  	v18 =	vld.idx.msk [tilespmem:v2+s29+$0x0], $0xffff  }
0xe7: {  	v19 =	vld.idx.msk [tilespmem:v3+s29+$0x0], $0xffff  }
0xe8: {  	v20 =	vld.idx.msk [tilespmem:v4+s29+$0x0], $0xffff  }
0xe9: {  	vm9 =	veq.s32 v0, $0x0;
	v21 =	vld.idx.msk [tilespmem:v5+s29+$0x0], $0xffff  }
0xea: {  	v22 =	vld.idx.msk [tilespmem:v6+s29+$0x0], $0xffff;
	v16 =	vsel vm9, $0x0, v16;
	v17 =	vsel vm0, $0x0, v17  }
0xeb: {  	v43 =	vld.idx.msk [tilespmem:v7+s29+$0x0], $0xffff;
	v42 =	vsel vm1, $0x0, v18;
	v16 =	vadd.s32 v16, v17  }
0xec: {  	v44 =	vsel vm2, $0x0, v19;
	v16 =	vadd.s32 v42, v16  }
0xed: {  	v45 =	vsel vm3, $0x0, v20;
	v16 =	vadd.s32 v44, v16  }
0xee: {  	v46 =	vsel vm4, $0x0, v21;
	v16 =	vadd.s32 v45, v16  }
0xef: {  	v47 =	vsel vm5, $0x0, v22;
	v16 =	vadd.s32 v46, v16  }
0xf0: {  	v48 =	vsel vm6, $0x0, v43;
	v16 =	vadd.s32 v47, v16  }
0xf1: {  	v16 =	vadd.s32 v48, v16  }
0xf2: {  	[tilespmem:$0x3080] =	vst v16;
	v17 =	vshra.s32 v16, $0x8  }
0xf3: {  	[tilespmem:$0x3100] =	vst v17  }
0xf4: {  	v17 =	vld.msk [tilespmem:s29+$0x0], $0xffff  }
0xf5: {  	v49 =	vld.idx.msk [tilespmem:v1+s29+$0x0], $0xffff  }
0xf6: {  	v50 =	vld.idx.msk [tilespmem:v2+s29+$0x0], $0xffff  }
0xf7: {  	v51 =	vld.idx.msk [tilespmem:v3+s29+$0x0], $0xffff  }
0xf8: {  	v55 =	vld.idx.msk [tilespmem:v6+s29+$0x0], $0xffff  }
0xf9: {  	v53 =	vld.idx.msk [tilespmem:v5+s29+$0x0], $0xffff  }
0xfa: {  	v15 =	vadd.s32 v15, v16;
	v57 =	vld.idx.msk [tilespmem:v7+s29+$0x0], $0xffff;
	vm9 =	vgt.s32 v17, v0;
	vm10 =	vlt.s32 v49, v9  }
0xfb: {  	vm11 =	vlt.s32 v50, v9;
	v54 =	vsel vm10, $0x1, v10;
	vm10 =	vlt.s32 v49, v11  }
0xfc: {  	v23 =	vsel vm11, $0x1, v10;
	vm11 =	vlt.s32 v51, v11;
	v29 =	vsel vm9, $0xFFFFFFFF, v10  }
0xfd: {  	v52 =	vld.idx.msk [tilespmem:v4+s29+$0x0], $0xffff;
	vm9 =	vlt.s32 v55, v11;
	v18 =	vsel vm10, $0x1, v10;
	vm10 =	vlt.s32 v50, v11  }
0xfe: {  	v25 =	vsel vm11, $0x1, v10;
	vm11 =	vlt.s32 v53, v9;
	v59 =	vadd.s32 v54, v29  }
0xff: {  	v60 =	vsel vm9, $0x1, v10;
	vm9 =	vlt.s32 v57, v9;
	v24 =	vsel vm10, $0x1, v10  }
0x100: {  	vm10 =	vlt.s32 v51, v9;
	v27 =	vsel vm11, $0x1, v10;
	vm11 =	vgt.s32 v17, v8  }
0x101: {  	v19 =	vadd.s32 v23, v59;
	v61 =	vsel vm9, $0x1, v10;
	vm9 =	vlt.s32 v57, v11  }
0x102: {  	v56 =	vsel vm10, $0x1, v10;
	vm10 =	vlt.s32 v52, v9;
	v30 =	vsel vm11, $0xFFFFFFFF, v10  }
0x103: {  	v26 =	vsel vm10, $0x1, v10;
	vm10 =	vlt.s32 v52, v11;
	v18 =	vadd.s32 v18, v30  }
0x104: {  	v19 =	vadd.s32 v56, v19;
	v21 =	vsel vm10, $0x1, v10;
	v18 =	vadd.s32 v24, v18  }
0x105: {  	vm10 =	vlt.s32 v53, v11;
	v19 =	vadd.s32 v26, v19;
	v18 =	vadd.s32 v25, v18  }
0x106: {  	v58 =	vsel vm10, $0x1, v10;
	vm10 =	vlt.s32 v55, v9;
	v18 =	vadd.s32 v21, v18  }
0x107: {  	v62 =	vadd.s32 v27, v19;
	v28 =	vsel vm10, $0x1, v10;
	v17 =	vadd.s32 v58, v18  }
0x108: {  	v63 =	vsel vm9, $0x1, v10;
	v16 =	vadd.s32 v28, v62;
	v17 =	vadd.s32 v60, v17  }
0x109: {  	v15 =	vshra.s32 v15, $0x8;
	v16 =	vadd.s32 v61, v16;
	v17 =	vadd.s32 v63, v17  }
0x10a: {  	[tilespmem:$0x5880] =	vst v16;
	v15 =	vsel vm7, v17, v15  }
0x10b: {  	s26 =	smov.u32 s16;
	s16 =	smov.u32 s17;
	[tilespmem:$0x5890] =	vst v15  }
.LBB2_3:
0x10c: {  	s17 =	sshra.s32 s25, $0x2  }
0x10d: {  	v15 =	vld [tilespmem:s17+$0x0];
	_ =	sdelay $0x6  }
0x10e: {  	v16 =	vld [tilespmem:s17+$0x1000]  }
0x10f: {  	v15 =	vld.idx.msk [tilespmem:v15+s30+$0x0], $0xffff;
	_ =	sdelay $0x4  }
0x110: {  	v62 =	vld [tilespmem:s17+$0x2000];
	v15 =	vadd.s32 v16, v15;
	_ =	sdelay $0x3  }
0x111: {  	[tilespmem:s17+$0x4880] =	vst v15  }
0x112: {  	[tilespmem:v15+s31+$0x0] =	vst.idx.msk $0xffff, v62  }
0x113: {  	v15 =	vld [tilespmem:s17+$0x800];
	_ =	sdelay $0x6  }
0x114: {  	v16 =	vld [tilespmem:s17+$0x1800]  }
0x115: {  	v15 =	vld.idx.msk [tilespmem:v15+s30+$0x0], $0xffff;
	_ =	sdelay $0x4  }
0x116: {  	p2 =	sne.s32 s25, $0x1FC0;
	v63 =	vld [tilespmem:s17+$0x2800];
	v15 =	vadd.s32 v16, v15  }
.Ltmp3:
0x117: {  	_ = 	snop;
	(pc) =	sbr.rel @p2 .LBB2_3-.Ltmp3, $3  }
0x118: {  	_ =	sdelay $0x1  }
0x119: {  	[tilespmem:s17+$0x5080] =	vst v15  }
0x11a: {  	s25 =	sadd.s32 $0x40, s25;
	[tilespmem:v15+s31+$0x0] =	vst.idx.msk $0xffff, v63  }
.Ltmp4:
0x11b: {  	_ = 	snop;
	(pc) =	sbr.rel .LBB2_4-.Ltmp4, $1  }
0x11c: {  	_ =	sdelay $0x3  }
.LBB2_6:
0x11d: {  	_ =	sfence.sel $0x180000  }
0x11e: {  	[bflag:$0x0] =	sbarrier.arrive $0xFFFF  }
0x11f: {  	_ =	strace $0x90000047  }
0x120: {  	[bflag:$0x2] =	sbarrier.arrive $0xFFFF  }
0x121: {  	s0 =	rddreg [dreg:$0x3]  }
0x122: {  	s0 =	sadd.s32 @!p0 $0x100000, s0  }
0x123: {  	[sflag:s0] =	ssyncadd.tile.s32 @!p0 $0x1;
	_ =	shalt  }
.Lfunc_end2:
_tile_overlayer_lowered:
.L_overlay_start_2:
0x124: {  	(tag) =	ssettag $0x2  }
0x125: {  	s0 =	rddreg [dreg:$0x0];
	s2 =	stileid.u32  }
0x126: {  	s1 =	rddreg [dreg:$0x1];
	p0 =	sne.s32 s2, $0x0  }
0x127: {  	s3 =	rddreg [dreg:$0x2];
	[bflag:$0x3] =	sbarrier.arrive $0xFFFF;
	s2 =	simm.s32 @!p0 $0x1C03  }
0x128: {  	[timem:s3], [sflag:s2] =	dma.local @!p0 [hbm:s0], s1  }
0x129: {  	s0 =	simm.s32 @!p0 $0x3  }
0x12a: {  	_ =	swait.ge @!p0 [sflag:s0], s1  }
0x12b: {  	s1 =	ssub.s32 @!p0 $0x0, s1;
	[sflag:s0] =	ssyncset.done @!p0 $0x0  }
0x12c: {  	[sflag:s0] =	ssyncadd.s32 @!p0 s1  }
0x12d: {  	[bflag:$0x3] =	sbarrier.arrive $0xFFFF  }
0x12e: {  	_ =	shalt  }

// kernel: kernel.9.cloned.1.call-start
scs
__scs_entry_jumppad:
0x0: {  	(pc) =	sbr.rel $0x88, $3  }
0x1: {  	(tag) =	ssettag $0x0;
	lr =	simm.s32 $0x1  }
0x2: {  	[smem:$0x3F9D] =	sst lr;
	_ =	strace $0xD0000000  }
0x3: {  	_ = 	snop  }
0x4: {  	_ = 	snop  }
0x5: {  	_ = 	snop  }
0x6: {  	_ = 	snop  }
0x7: {  	_ = 	snop  }
__scs_overlays_trampoline_lowered:
0x8: {  	[smem:$0x3FAC] =	sst s0  }
0x9: {  	[smem:$0x3FAD] =	sst s1  }
0xa: {  	[smem:$0x3FAE] =	sst s2  }
0xb: {  	[smem:$0x3FAF] =	sst s3  }
0xc: {  	[smem:$0x3FB0] =	sst s4  }
0xd: {  	[smem:$0x3FB1] =	sst s5  }
0xe: {  	[smem:$0x3FB2] =	sst s6  }
0xf: {  	[smem:$0x3FB3] =	sst s7  }
0x10: {  	[smem:$0x3FB4] =	sst s8  }
0x11: {  	[smem:$0x3FB5] =	sst s9;
	s0 =	simm.s32 @!p0 $0x0  }
0x12: {  	s1 =	sld [smem:$0x3F9B];
	s0 =	simm.s32 @p0 $0x1  }
0x13: {  	[smem:$0x3FB6] =	sst s0;
	s0 =	simm.s32 @!p1 $0x0  }
0x14: {  	s2 =	sld [smem:$0x3F9A];
	s0 =	simm.s32 @p1 $0x1  }
0x15: {  	[smem:$0x3FB7] =	sst s0;
	s0 =	simm.s32 @!p2 $0x0  }
0x16: {  	s3 =	sld [smem:$0x3FDB];
	s0 =	simm.s32 @p2 $0x1  }
0x17: {  	s4 =	simm.s32 $0x1BF5;
	[smem:$0x3FB9] =	sst s0  }
0x18: {  	s0 =	sld [smem:$0x3F9C];
	_ =	swait.ge [sflag:s4], $0x0  }
0x19: {  	s7 =	sld [smem:$0x3F9D]  }
0x1a: {  	s8 =	sadd.s32 $0xFFFFE003, lr  }
0x1b: {  	s9 =	sadd.s32 $0xFFFFFEF7, lr;
	s5 =	simm.s32 $0xFFFFFFFF;
	p2 =	slt.u32 s8, $0xFFFFF086  }
0x1c: {  	p1 =	slt.u32 s9, $0xF7A;
	s5 =	simm.s32 @!p2 $0x0  }
0x1d: {  	s5 =	simm.s32 @p1 $0x1;
	p0 =	seq.s32 s7, s2  }
0x1e: {  	s7 =	smul.u32 @!p0 $0xF7A, s2;
	p2 =	seq.s32 @!p0 s5, $0x0  }
0x1f: {  	s9 =	smul.u32 $0xF7A, s1;
	s8 =	simm.s32 @!p0 $0x1BF5;
	p2 =	por !p2, p0  }
0x20: {  	[sflag:s8] =	ssyncset.s32 @!p0 $0xFFFFF086;
	s6 =	sadd.s32 @!p0 s3, s7;
	s7 =	simm.s32 @!p0 $0x108  }
0x21: {  	s3 =	sadd.s32 s3, s9;
	s6 =	sadd.s32 @!p0 $0x88, s6;
	s7 =	simm.s32 @p2 $0x1082  }
0x22: {  	[simem:s7], [sflag:s8] =	dma.local @!p0 [hbm:s6], $0xF7A  }
0x23: {  	s9 =	sor.u32 $0xD0000000, s2;
	s6 =	simm.s32 $0x108;
	_ =	swait.ge @!p0 [sflag:s8], $0x0  }
0x24: {  	s3 =	sadd.s32 $0x88, s3;
	s6 =	simm.s32 @!p1 $0x1082;
	[sflag:s4] =	ssyncset.s32 $0xFFFFF086  }
0x25: {  	[simem:s6], [sflag:s4] =	dma.local [hbm:s3], $0xF7A  }
0x26: {  	[smem:$0x3F9D] =	sst s1;
	(tag) =	ssettag s2;
	_ =	strace s9  }
0x27: {  	s1 =	sld [smem:$0x3FAD]  }
0x28: {  	s2 =	sld [smem:$0x3FAE]  }
0x29: {  	s4 =	sld [smem:$0x3FB0]  }
0x2a: {  	p0 =	seq.s32 s5, $0x0;
	s5 =	sld [smem:$0x3FB1]  }
0x2b: {  	s6 =	sld [smem:$0x3FB2]  }
0x2c: {  	s7 =	sld [smem:$0x3FB3]  }
0x2d: {  	s3 =	simm.s32 $0x108;
	s8 =	sld [smem:$0x3FB4]  }
0x2e: {  	s3 =	simm.s32 @!p0 $0x1082;
	s9 =	sld [smem:$0x3FB5]  }
0x2f: {  	lr =	sadd.s32 s0, s3;
	s0 =	sld [smem:$0x3FAC]  }
0x30: {  	s3 =	sld [smem:$0x3FAF]  }
0x31: {  	[smem:$0x3FB8] =	sst s10  }
0x32: {  	s10 =	sld [smem:$0x3FB6];
	_ =	sdelay $0x3  }
0x33: {  	p0 =	seq.s32 s10, $0x1;
	s10 =	sld [smem:$0x3FB8];
	_ =	sdelay $0x3  }
0x34: {  	[smem:$0x3FB8] =	sst s10  }
0x35: {  	s10 =	sld [smem:$0x3FB7];
	_ =	sdelay $0x3  }
0x36: {  	p1 =	seq.s32 s10, $0x1;
	s10 =	sld [smem:$0x3FB8];
	_ =	sdelay $0x3  }
0x37: {  	[smem:$0x3FB8] =	sst s10  }
0x38: {  	s10 =	sld [smem:$0x3FB9]  }
0x39: {  	_ = 	snop;
	(pc) =	sbr.ind lr, $3  }
0x3a: {  	_ = 	snop  }
0x3b: {  	_ = 	snop  }
0x3c: {  	p2 =	seq.s32 s10, $0x1;
	s10 =	sld [smem:$0x3FB8]  }
0x3d: {  	_ =	shalt  }
0x3e: {  	_ =	shalt  }
0x3f: {  	_ =	shalt  }
0x40: {  	_ =	shalt  }
0x41: {  	_ =	shalt  }
0x42: {  	_ =	shalt  }
0x43: {  	_ =	shalt  }
0x44: {  	_ =	shalt  }
0x45: {  	_ =	shalt  }
0x46: {  	_ =	shalt  }
0x47: {  	_ =	shalt  }
0x48: {  	_ =	shalt  }
0x49: {  	_ =	shalt  }
0x4a: {  	_ =	shalt  }
0x4b: {  	_ =	shalt  }
0x4c: {  	_ =	shalt  }
0x4d: {  	_ =	shalt  }
0x4e: {  	_ =	shalt  }
0x4f: {  	_ =	shalt  }
0x50: {  	_ =	shalt  }
0x51: {  	_ =	shalt  }
0x52: {  	_ =	shalt  }
0x53: {  	_ =	shalt  }
0x54: {  	_ =	shalt  }
0x55: {  	_ =	shalt  }
0x56: {  	_ =	shalt  }
0x57: {  	_ =	shalt  }
0x58: {  	_ =	shalt  }
0x59: {  	_ =	shalt  }
0x5a: {  	_ =	shalt  }
0x5b: {  	_ =	shalt  }
0x5c: {  	_ =	shalt  }
0x5d: {  	_ =	shalt  }
0x5e: {  	_ =	shalt  }
0x5f: {  	_ =	shalt  }
0x60: {  	_ =	shalt  }
0x61: {  	_ =	shalt  }
0x62: {  	_ =	shalt  }
0x63: {  	_ =	shalt  }
0x64: {  	_ =	shalt  }
0x65: {  	_ =	shalt  }
0x66: {  	_ =	shalt  }
0x67: {  	_ =	shalt  }
0x68: {  	_ =	shalt  }
0x69: {  	_ =	shalt  }
0x6a: {  	_ =	shalt  }
0x6b: {  	_ =	shalt  }
0x6c: {  	_ =	shalt  }
0x6d: {  	_ =	shalt  }
0x6e: {  	_ =	shalt  }
0x6f: {  	_ =	shalt  }
0x70: {  	_ =	shalt  }
0x71: {  	_ =	shalt  }
0x72: {  	_ =	shalt  }
0x73: {  	_ =	shalt  }
0x74: {  	_ =	shalt  }
0x75: {  	_ =	shalt  }
0x76: {  	_ =	shalt  }
0x77: {  	_ =	shalt  }
0x78: {  	_ =	shalt  }
0x79: {  	_ =	shalt  }
0x7a: {  	_ =	shalt  }
0x7b: {  	_ =	shalt  }
0x7c: {  	_ =	shalt  }
0x7d: {  	_ =	shalt  }
0x7e: {  	_ =	shalt  }
0x7f: {  	_ =	shalt  }
0x80: {  	_ =	shalt  }
0x81: {  	_ =	shalt  }
0x82: {  	_ =	shalt  }
0x83: {  	_ =	shalt  }
0x84: {  	_ =	shalt  }
0x85: {  	_ =	shalt  }
0x86: {  	_ =	shalt  }
0x87: {  	_ =	shalt  }
.Lfunc_end0:
.L_simem_size_0:
called_computation.1_lowered:
.L_overlay_start_0:
0x88: {  	s2 =	sld [smem:$0x3FD9]  }
0x89: {  	s3 =	sld [smem:$0x3FFE];
	_ =	sdelay $0x1  }
0x8a: {  	s1 =	srdreg.scid  }
0x8b: {  	s0 =	sand.u32 $0x1, s1  }
0x8c: {  	s16 =	sshll.u32 s0, $0xA;
	s2 =	sadd.s32 s3, s2  }
0x8d: {  	s2 =	sadd.s32 s2, s16  }
0x8e: {  	[smem:$0x3FC4] =	sst s2  }
0x8f: {  	_ = 	snop  }
0x90: {  	(tm) =	ssettm $0x1  }
0x91: {  	s17 =	sld [smem:$0x3FFB];
	_ =	sdelay $0x3  }
0x92: {  	_ =	strace s17  }
0x93: {  	s2 =	sld [smem:$0x3FFC];
	_ =	sdelay $0x3  }
0x94: {  	_ =	strace s2  }
0x95: {  	s2 =	sld [smem:$0x3FFD];
	_ =	sdelay $0x3  }
0x96: {  	_ =	strace s2  }
0x97: {  	_ =	strace $0x8FFFFFFF  }
0x98: {  	s18 =	sld [smem:$0x3FDB];
	_ =	sdelay $0x1  }
0x99: {  	s19 =	simm.s32 $_scs_section_size  }
0x9a: {  	s4 =	simm.s32 $_size__tile_overlayer_lowered;
	s5 =	simm.s32 $_tile_overlayer_lowered  }
0x9b: {  	s22 =	simm.s32 $0x1BFF;
	s21 =	sshll.u32 s5, $0x1;
	s2 =	sadd.s32 s19, s18  }
0x9c: {  	s6 =	simm.s32 $0x0;
	s20 =	sshll.u32 s4, $0x1;
	s4 =	sadd.s32 s21, s2  }
0x9d: {  	[timem:s6], [sflag:s22] =	dma.local [hbm:s4], s20  }
0x9e: {  	_ =	swait.ge [sflag:s22], s20  }
0x9f: {  	s3 =	ssub.s32 $0x0, s20;
	[sflag:s22] =	ssyncset.done $0x0  }
0xa0: {  	[sflag:s22] =	ssyncadd.s32 s3;
	_ =	sdelay $0x1  }
0xa1: {  	s23 =	simm.s32 $0x1B8B  }
0xa2: {  	_ =	swait.ge [sflag:s23], $0x1  }
0xa3: {  	[sflag:s23] =	ssyncset.done $0x0  }
0xa4: {  	s25 =	simm.s32 $0x1B8E;
	s24 =	sld [smem:$0x3FFE];
	[sflag:s23] =	ssyncadd.s32 $0xFFFFFFFF  }
0xa5: {  	s26 =	simm.s32 $execute0_lowered;
	[smem:$0x3FD2] =	sst s25  }
0xa6: {  	s4 =	sshll.u32 s26, $0x1;
	_ =	strace $0x80000049;
	[dreg:$0x1] =	wrdreg $0xFFFFFFFF  }
0xa7: {  	s28 =	simm.s32 $_size_execute0_lowered;
	s2 =	sadd.s32 s2, s4;
	[dreg:$0x0] =	wrdreg $0x0  }
0xa8: {  	s4 =	sshll.u32 s28, $0x1;
	[dreg:$0x2] =	wrdreg s2  }
0xa9: {  	[dreg:$0x3] =	wrdreg s4  }
0xaa: {  	[dreg:$0x4] =	wrdreg $0xC0  }
0xab: {  	_ =	task [dreg:s6], $0x5FFFF  }
0xac: {  	[dreg:$0x1] =	wrdreg $0xFFFFFFFF  }
0xad: {  	[dreg:$0x0] =	wrdreg $0x60  }
0xae: {  	[dreg:$0x2] =	wrdreg s24  }
0xaf: {  	[dreg:$0x3] =	wrdreg $0x9  }
0xb0: {  	_ =	task.clear_ibuf [dreg:s6], $0x4FFFF;
	_ =	strace $0x90000049  }
0xb1: {  	s29 =	simm.s32 $0x9;
	_ =	strace $0x8000004B  }
0xb2: {  	_ =	swait.ge [sflag:s29], $0x1  }
0xb3: {  	[sflag:s29] =	ssyncadd.s32 $0xFFFFFFFF  }
0xb4: {  	_ =	strace $0x9000004B  }
0xb5: {  	_ =	sfence  }
0xb6: {  	s30 =	sld [smem:$0x0];
	_ =	sdelay $0x2  }
0xb7: {  	s31 =	sshll.u32 s1, $0xD;
	s1 =	sshrl.u32 s1, $0x2  }
0xb8: {  	s3 =	sand.u32 $0x4000, s31;
	s1 =	sadd.s32 s1, s30  }
0xb9: {  	s0 =	sor.u32 s3, s0;
	s1 =	sshll.u32 s1, $0x11  }
0xba: {  	s0 =	sor.u32 s1, s0  }
0xbb: {  	s0 =	sadd.s32 $0x8F2B, s0  }
0xbc: {  	[sflag:s0] =	ssyncadd.remote.s32 $0x1  }
0xbd: {  	_ =	sfence.sel $0xFFFF  }
0xbe: {  	[dreg:$0x0] =	wrdreg $0xFFFFFFFF;
	(pc) =	sbr.abs _section_cstart, $3  }
0xbf: {  	[dreg:$0x1] =	wrdreg $0xFFFFFFFF  }
0xc0: {  	_ =	task.clear_ibuf [dreg:s6], $0x2FFFF;
	_ =	strace $0x9FFFFFFF  }
0xc1: {  	(tm) =	ssettm $0x7FFFFFFF  }
tec
execute0_lowered:
.L_overlay_start_1:
0x0: {  	(tag) =	ssettag $0x1  }
0x1: {  	s0 =	rddreg [dreg:$0x0];
	s1 =	simm.s32 $0x0;
	s2 =	srdreg.scid  }
0x2: {  	s5 =	stileid.u32;
	s14 =	simm.s32 $0x3;
	s16 =	simm.s32 $0x100  }
0x3: {  	s15 =	simm.s32 $0x9900;
	s17 =	simm.s32 $0xA100;
	s18 =	simm.s32 $0xA900  }
0x4: {  	s19 =	simm.s32 $0xB100;
	s20 =	simm.s32 $0xC100;
	s21 =	simm.s32 $0xC900  }
0x5: {  	s22 =	simm.s32 $0xD900;
	s11 =	simm.s32 $0xE100;
	s23 =	simm.s32 $0xE900  }
0x6: {  	s24 =	simm.s32 $0xF100;
	s12 =	simm.s32 $0xF900;
	s25 =	simm.s32 $0x1  }
0x7: {  	s13 =	simm.s32 $0x2;
	s26 =	simm.s32 $0x0;
	[smem:$0x7FF] =	sst s1  }
0x8: {  	s3 =	sadd.s32 $0x61800, s0;
	s2 =	sand.u32 $0x1, s2;
	s5 =	sshll.u32 s5, $0x6  }
0x9: {  	s9 =	sadd.s32 $0x61400, s0;
	s4 =	ssub.s32 $0x2, s2;
	s2 =	sshll.u32 s2, $0xA  }
0xa: {  	s28 =	sadd.s32 $0x61600, s0;
	s8 =	sadd.s32 $0x61B00, s0;
	s2 =	sor.u32 s5, s2  }
0xb: {  	_ =	strace $0x8000004A;
	s6 =	sshrl.u32 s4, $0x1;
	s29 =	sshrl.u32 s2, $0x3  }
0xc: {  	s4 =	ssub.s32 s4, s6;
	s10 =	sshll.u32 s2, $0x7;
	s7 =	sadd.s32 s9, s29  }
0xd: {  	s2 =	sor.u32 $0x20, s2;
	s6 =	sadd.s32 s28, s29;
	[dreg:$0x2] =	wrdreg s7  }
0xe: {  	s10 =	sadd.s32 s0, s10;
	s30 =	sshrl.u32 s2, $0x3;
	[dreg:$0x3] =	wrdreg s6  }
0xf: {  	s2 =	sshll.u32 s2, $0x7;
	s31 =	smax.u32 s4, $0x1;
	[dreg:$0x4] =	wrdreg s10  }
0x10: {  	s6 =	sadd.s32 $0x61900, s0;
	s9 =	sadd.s32 s9, s30;
	[dreg:$0x8] =	wrdreg s31  }
0x11: {  	v2 =	vlaneseq.u32;
	s7 =	sadd.s32 $0x61A00, s0;
	s5 =	sadd.s32 s28, s30;
	[dreg:$0x5] =	wrdreg s9  }
0x12: {  	vm0 =	vmmov $0xffff;
	v1 =	vshrl.u32 v2, $0x3;
	s0 =	sadd.s32 s0, s2;
	s10 =	simm.s32 $0xD100;
	[dreg:$0x6] =	wrdreg s5  }
0x13: {  	v0 =	vand.u32 $0x7, v2;
	v2 =	vor.u32 $0x8, v2;
	v1 =	vmul.u32 $0x8, v1;
	[dreg:$0x7] =	wrdreg s0;
	s5 =	simm.s32 $0x9100;
	s9 =	simm.s32 $0xB900  }
.LBB2_1:
0x14: {  	s0 =	rddreg [dreg:$0x2]  }
0x15: {  	[tilespmem:s1], [sflag:$0x3] =	stream.linear.gather [hbm4b:s0+s1], $0x20, $0x38;
	[tilespmem:$0x10100] =	vst v63  }
0x16: {  	_ =	swait.ge [sflag:s14], $0x20  }
0x17: {  	[sflag:s14] =	ssyncset.done $0x0  }
0x18: {  	s2 =	simm.s32 $0x80;
	s4 =	rddreg [dreg:$0x3];
	[sflag:s14] =	ssyncadd.s32 $0xFFFFFFE0  }
0x19: {  	[tilespmem:s2], [sflag:$0x3] =	stream.linear.gather [hbm4b:s4+s1], $0x20, $0x38;
	[tilespmem:$0x10100] =	vst v63  }
0x1a: {  	_ =	swait.ge [sflag:s14], $0x20  }
0x1b: {  	[sflag:s14] =	ssyncset.done $0x0  }
0x1c: {  	[sflag:s14] =	ssyncadd.s32 $0xFFFFFFE0  }
0x1d: {  	v3 =	vld [tilespmem:$0x0];
	_ =	sdelay $0x4  }
0x1e: {  	v4 =	vshll.u32 v3, $0x3  }
0x1f: {  	v3 =	vand.u32 $0x7, v3;
	v4 =	vand.u32 $0xFFFFFFC0, v4  }
0x20: {  	v3 =	vor.u32 v3, v4  }
0x21: {  	v4 =	vperm.xlane v3, v0;
	_ =	sdelay $0x1  }
0x22: {  	v4 =	vadd.s32 v1, v4;
	_ =	sdelay $0x4  }
0x23: {  	[tilespmem:s16], [sflag:$0x1] =	stream.indirect_vreg.gather [hbm4b:s3+s1], $0x80, v4, vm0, $0xb8;
	[tilespmem:$0x10100] =	vst v63  }
0x24: {  	s4 =	simm.s32 $0x900;
	v3 =	vperm.xlane v3, v2  }
0x25: {  	[tilespmem:s4], [sflag:$0x1] =	stream.indirect_vreg.gather [hbm4b:s6+s1], $0x80, v4, vm0, $0xb8;
	[tilespmem:$0x10100] =	vst v63  }
0x26: {  	s2 =	simm.s32 $0x1100;
	v3 =	vadd.s32 v1, v3  }
0x27: {  	[tilespmem:s2], [sflag:$0x1] =	stream.indirect_vreg.gather [hbm4b:s7+s1], $0x80, v4, vm0, $0xb8;
	[tilespmem:$0x10100] =	vst v63  }
0x28: {  	s4 =	simm.s32 $0x1900  }
0x29: {  	[tilespmem:s4], [sflag:$0x1] =	stream.indirect_vreg.gather [hbm4b:s8+s1], $0x80, v4, vm0, $0xb8;
	[tilespmem:$0x10100] =	vst v63  }
0x2a: {  	s2 =	simm.s32 $0x2100  }
0x2b: {  	[tilespmem:s2], [sflag:$0x1] =	stream.indirect_vreg.gather [hbm4b:s3+s1], $0x80, v3, vm0, $0xb8;
	[tilespmem:$0x10100] =	vst v63  }
0x2c: {  	s4 =	simm.s32 $0x2900  }
0x2d: {  	[tilespmem:s4], [sflag:$0x1] =	stream.indirect_vreg.gather [hbm4b:s6+s1], $0x80, v3, vm0, $0xb8;
	[tilespmem:$0x10100] =	vst v63  }
0x2e: {  	s2 =	simm.s32 $0x3100  }
0x2f: {  	[tilespmem:s2], [sflag:$0x1] =	stream.indirect_vreg.gather [hbm4b:s7+s1], $0x80, v3, vm0, $0xb8;
	[tilespmem:$0x10100] =	vst v63  }
0x30: {  	s4 =	simm.s32 $0x3900  }
0x31: {  	[tilespmem:s4], [sflag:$0x1] =	stream.indirect_vreg.gather [hbm4b:s8+s1], $0x80, v3, vm0, $0xb8;
	[tilespmem:$0x10100] =	vst v63  }
0x32: {  	v3 =	vld [tilespmem:$0x10];
	_ =	sdelay $0x4  }
0x33: {  	v61 =	vshll.u32 v3, $0x3  }
0x34: {  	v3 =	vand.u32 $0x7, v3;
	v4 =	vand.u32 $0xFFFFFFC0, v61  }
0x35: {  	v3 =	vor.u32 v3, v4  }
0x36: {  	v4 =	vperm.xlane v3, v0;
	_ =	sdelay $0x1  }
0x37: {  	v4 =	vadd.s32 v1, v4;
	_ =	sdelay $0x3  }
0x38: {  	s2 =	simm.s32 $0x4100  }
0x39: {  	[tilespmem:s2], [sflag:$0x1] =	stream.indirect_vreg.gather [hbm4b:s3+s1], $0x80, v4, vm0, $0xb8;
	[tilespmem:$0x10100] =	vst v63  }
0x3a: {  	s4 =	simm.s32 $0x4900;
	v3 =	vperm.xlane v3, v2  }
0x3b: {  	[tilespmem:s4], [sflag:$0x1] =	stream.indirect_vreg.gather [hbm4b:s6+s1], $0x80, v4, vm0, $0xb8;
	[tilespmem:$0x10100] =	vst v63  }
0x3c: {  	v3 =	vadd.s32 v1, v3;
	s2 =	simm.s32 $0x5100  }
0x3d: {  	[tilespmem:s2], [sflag:$0x1] =	stream.indirect_vreg.gather [hbm4b:s7+s1], $0x80, v4, vm0, $0xb8;
	[tilespmem:$0x10100] =	vst v63  }
0x3e: {  	s4 =	simm.s32 $0x5900  }
0x3f: {  	[tilespmem:s4], [sflag:$0x1] =	stream.indirect_vreg.gather [hbm4b:s8+s1], $0x80, v4, vm0, $0xb8;
	[tilespmem:$0x10100] =	vst v63  }
0x40: {  	s2 =	simm.s32 $0x6100  }
0x41: {  	[tilespmem:s2], [sflag:$0x1] =	stream.indirect_vreg.gather [hbm4b:s3+s1], $0x80, v3, vm0, $0xb8;
	[tilespmem:$0x10100] =	vst v63  }
0x42: {  	s4 =	simm.s32 $0x6900  }
0x43: {  	[tilespmem:s4], [sflag:$0x1] =	stream.indirect_vreg.gather [hbm4b:s6+s1], $0x80, v3, vm0, $0xb8;
	[tilespmem:$0x10100] =	vst v63  }
0x44: {  	s2 =	simm.s32 $0x7100  }
0x45: {  	[tilespmem:s2], [sflag:$0x1] =	stream.indirect_vreg.gather [hbm4b:s7+s1], $0x80, v3, vm0, $0xb8;
	[tilespmem:$0x10100] =	vst v63  }
0x46: {  	s4 =	simm.s32 $0x7900  }
0x47: {  	[tilespmem:s4], [sflag:$0x1] =	stream.indirect_vreg.gather [hbm4b:s8+s1], $0x80, v3, vm0, $0xb8;
	[tilespmem:$0x10100] =	vst v63  }
0x48: {  	v3 =	vld [tilespmem:$0x80];
	_ =	sdelay $0x4  }
0x49: {  	v62 =	vshll.u32 v3, $0x3  }
0x4a: {  	v3 =	vand.u32 $0x7, v3;
	v4 =	vand.u32 $0xFFFFFFC0, v62  }
0x4b: {  	v3 =	vor.u32 v3, v4  }
0x4c: {  	v4 =	vperm.xlane v3, v0;
	_ =	sdelay $0x1  }
0x4d: {  	v4 =	vadd.s32 v1, v4;
	_ =	sdelay $0x3  }
0x4e: {  	s2 =	simm.s32 $0x8100  }
0x4f: {  	[tilespmem:s2], [sflag:$0x2] =	stream.indirect_vreg.gather [hbm4b:s3+s1], $0x80, v4, vm0, $0xb8;
	[tilespmem:$0x10100] =	vst v63  }
0x50: {  	s4 =	simm.s32 $0x8900;
	v3 =	vperm.xlane v3, v2  }
0x51: {  	[tilespmem:s4], [sflag:$0x2] =	stream.indirect_vreg.gather [hbm4b:s6+s1], $0x80, v4, vm0, $0xb8;
	[tilespmem:$0x10100] =	vst v63  }
0x52: {  	v3 =	vadd.s32 v1, v3  }
0x53: {  	[tilespmem:s5], [sflag:$0x2] =	stream.indirect_vreg.gather [hbm4b:s7+s1], $0x80, v4, vm0, $0xb8;
	[tilespmem:$0x10100] =	vst v63  }
0x54: {  	_ = 	snop  }
0x55: {  	[tilespmem:s15], [sflag:$0x2] =	stream.indirect_vreg.gather [hbm4b:s8+s1], $0x80, v4, vm0, $0xb8;
	[tilespmem:$0x10100] =	vst v63  }
0x56: {  	_ = 	snop  }
0x57: {  	[tilespmem:s17], [sflag:$0x2] =	stream.indirect_vreg.gather [hbm4b:s3+s1], $0x80, v3, vm0, $0xb8;
	[tilespmem:$0x10100] =	vst v63  }
0x58: {  	_ = 	snop  }
0x59: {  	[tilespmem:s18], [sflag:$0x2] =	stream.indirect_vreg.gather [hbm4b:s6+s1], $0x80, v3, vm0, $0xb8;
	[tilespmem:$0x10100] =	vst v63  }
0x5a: {  	_ = 	snop  }
0x5b: {  	[tilespmem:s19], [sflag:$0x2] =	stream.indirect_vreg.gather [hbm4b:s7+s1], $0x80, v3, vm0, $0xb8;
	[tilespmem:$0x10100] =	vst v63  }
0x5c: {  	_ = 	snop  }
0x5d: {  	[tilespmem:s9], [sflag:$0x2] =	stream.indirect_vreg.gather [hbm4b:s8+s1], $0x80, v3, vm0, $0xb8;
	[tilespmem:$0x10100] =	vst v63  }
0x5e: {  	v3 =	vld [tilespmem:$0x90];
	_ =	sdelay $0x4  }
0x5f: {  	v63 =	vshll.u32 v3, $0x3  }
0x60: {  	v3 =	vand.u32 $0x7, v3;
	v4 =	vand.u32 $0xFFFFFFC0, v63  }
0x61: {  	v3 =	vor.u32 v3, v4  }
0x62: {  	v4 =	vperm.xlane v3, v0;
	_ =	sdelay $0x1  }
0x63: {  	v4 =	vadd.s32 v1, v4;
	_ =	sdelay $0x4  }
0x64: {  	[tilespmem:s20], [sflag:$0x2] =	stream.indirect_vreg.gather [hbm4b:s3+s1], $0x80, v4, vm0, $0xb8;
	[tilespmem:$0x10100] =	vst v63  }
0x65: {  	v3 =	vperm.xlane v3, v2  }
0x66: {  	[tilespmem:s21], [sflag:$0x2] =	stream.indirect_vreg.gather [hbm4b:s6+s1], $0x80, v4, vm0, $0xb8;
	[tilespmem:$0x10100] =	vst v63  }
0x67: {  	v3 =	vadd.s32 v1, v3  }
0x68: {  	[tilespmem:s10], [sflag:$0x2] =	stream.indirect_vreg.gather [hbm4b:s7+s1], $0x80, v4, vm0, $0xb8;
	[tilespmem:$0x10100] =	vst v63  }
0x69: {  	_ = 	snop  }
0x6a: {  	[tilespmem:s22], [sflag:$0x2] =	stream.indirect_vreg.gather [hbm4b:s8+s1], $0x80, v4, vm0, $0xb8;
	[tilespmem:$0x10100] =	vst v63  }
0x6b: {  	_ = 	snop  }
0x6c: {  	[tilespmem:s11], [sflag:$0x2] =	stream.indirect_vreg.gather [hbm4b:s3+s1], $0x80, v3, vm0, $0xb8;
	[tilespmem:$0x10100] =	vst v63  }
0x6d: {  	_ = 	snop  }
0x6e: {  	[tilespmem:s23], [sflag:$0x2] =	stream.indirect_vreg.gather [hbm4b:s6+s1], $0x80, v3, vm0, $0xb8;
	[tilespmem:$0x10100] =	vst v63  }
0x6f: {  	_ = 	snop  }
0x70: {  	[tilespmem:s24], [sflag:$0x2] =	stream.indirect_vreg.gather [hbm4b:s7+s1], $0x80, v3, vm0, $0xb8;
	[tilespmem:$0x10100] =	vst v63  }
0x71: {  	_ = 	snop  }
0x72: {  	[tilespmem:s12], [sflag:$0x2] =	stream.indirect_vreg.gather [hbm4b:s8+s1], $0x80, v3, vm0, $0xb8;
	[tilespmem:$0x10100] =	vst v63  }
0x73: {  	_ =	swait.ge [sflag:s25], $0x8000  }
0x74: {  	[sflag:s25] =	ssyncset.done $0x0  }
0x75: {  	[sflag:s25] =	ssyncadd.s32 $0xFFFF8000  }
0x76: {  	_ =	swait.ge [sflag:s13], $0x8000  }
0x77: {  	s28 =	simm.s32 $0xFFFF8000;
	s29 =	simm.s32 $0x0;
	[sflag:s13] =	ssyncset.done $0x0  }
0x78: {  	s30 =	simm.s32 $0x0;
	s31 =	simm.s32 $0x0;
	[sflag:s13] =	ssyncadd.s32 $0xFFFF8000  }
.LBB2_2:
0x79: {  	s0 =	sadd.s32 $0x8000, s28  }
0x7a: {  	s2 =	sand.u32 $0x380, s31;
	s0 =	sand.u32 $0x6000, s0  }
0x7b: {  	s0 =	sor.u32 s2, s0  }
0x7c: {  	v3 =	vld [tilespmem:s0+$0x100]  }
0x7d: {  	v4 =	vld [tilespmem:s0+$0x8100]  }
0x7e: {  	v5 =	vld [tilespmem:s0+$0x110]  }
0x7f: {  	v6 =	vld [tilespmem:s0+$0x8110]  }
0x80: {  	v7 =	vld [tilespmem:s0+$0x120]  }
0x81: {  	v8 =	vld [tilespmem:s0+$0x8120]  }
0x82: {  	v9 =	vld [tilespmem:s0+$0x130]  }
0x83: {  	v10 =	vld [tilespmem:s0+$0x8130]  }
0x84: {  	v11 =	vld [tilespmem:s0+$0x140]  }
0x85: {  	v12 =	vld [tilespmem:s0+$0x8140]  }
0x86: {  	v13 =	vld [tilespmem:s0+$0x150]  }
0x87: {  	v14 =	vld [tilespmem:s0+$0x8150]  }
0x88: {  	v15 =	vld [tilespmem:s0+$0x160]  }
0x89: {  	v16 =	vld [tilespmem:s0+$0x8160]  }
0x8a: {  	v17 =	vld [tilespmem:s0+$0x170]  }
0x8b: {  	v18 =	vld [tilespmem:s0+$0x8170]  }
0x8c: {  	v19 =	vld [tilespmem:s0+$0x500]  }
0x8d: {  	v20 =	vld [tilespmem:s0+$0x8500]  }
0x8e: {  	v21 =	vld [tilespmem:s0+$0x510]  }
0x8f: {  	v22 =	vld [tilespmem:s0+$0x8510]  }
0x90: {  	v23 =	vld [tilespmem:s0+$0x520]  }
0x91: {  	v24 =	vld [tilespmem:s0+$0x8520]  }
0x92: {  	v25 =	vld [tilespmem:s0+$0x530]  }
0x93: {  	v26 =	vld [tilespmem:s0+$0x8530]  }
0x94: {  	v27 =	vld [tilespmem:s0+$0x540]  }
0x95: {  	v28 =	vld [tilespmem:s0+$0x8540]  }
0x96: {  	v29 =	vld [tilespmem:s0+$0x550]  }
0x97: {  	v30 =	vld [tilespmem:s0+$0x8550]  }
0x98: {  	v31 =	vld [tilespmem:s0+$0x560]  }
0x99: {  	v32 =	vld [tilespmem:s0+$0x8560]  }
0x9a: {  	v33 =	vld [tilespmem:s0+$0x570]  }
0x9b: {  	v34 =	vld [tilespmem:s0+$0x8570]  }
0x9c: {  	v35 =	vld [tilespmem:s0+$0x900]  }
0x9d: {  	v36 =	vld [tilespmem:s0+$0x8900]  }
0x9e: {  	v37 =	vld [tilespmem:s0+$0x910]  }
0x9f: {  	v38 =	vld [tilespmem:s0+$0x8910]  }
0xa0: {  	v39 =	vld [tilespmem:s0+$0x920]  }
0xa1: {  	v40 =	vld [tilespmem:s0+$0x8920]  }
0xa2: {  	v41 =	vld [tilespmem:s0+$0x930]  }
0xa3: {  	v42 =	vld [tilespmem:s0+$0x8930]  }
0xa4: {  	v43 =	vld [tilespmem:s0+$0x940]  }
0xa5: {  	v44 =	vld [tilespmem:s0+$0x8940]  }
0xa6: {  	v45 =	vld [tilespmem:s0+$0x950]  }
0xa7: {  	v46 =	vld [tilespmem:s0+$0x8950]  }
0xa8: {  	v47 =	vld [tilespmem:s0+$0x960]  }
0xa9: {  	v48 =	vld [tilespmem:s0+$0x8960]  }
0xaa: {  	v49 =	vld [tilespmem:s0+$0x970]  }
0xab: {  	v50 =	vld [tilespmem:s0+$0x8970]  }
0xac: {  	v51 =	vld [tilespmem:s0+$0xD00]  }
0xad: {  	v52 =	vld [tilespmem:s0+$0x8D00]  }
0xae: {  	v53 =	vld [tilespmem:s0+$0xD10]  }
0xaf: {  	v54 =	vld [tilespmem:s0+$0x8D10]  }
0xb0: {  	v55 =	vld [tilespmem:s0+$0xD20]  }
0xb1: {  	v56 =	vld [tilespmem:s0+$0x8D20]  }
0xb2: {  	v57 =	vld [tilespmem:s0+$0xD30]  }
0xb3: {  	v58 =	vld [tilespmem:s0+$0x8D30]  }
0xb4: {  	v59 =	vld [tilespmem:s0+$0xD40]  }
0xb5: {  	v60 =	vld [tilespmem:s0+$0x8D40]  }
0xb6: {  	v61 =	vld [tilespmem:s0+$0xD50]  }
0xb7: {  	v62 =	vld [tilespmem:s0+$0x8D50]  }
0xb8: {  	v63 =	vld [tilespmem:s0+$0xD60]  }
0xb9: {  	v3 =	vadd.f32 v4, v3;
	v4 =	vld [tilespmem:s0+$0x8D60]  }
0xba: {  	v5 =	vadd.f32 v6, v5;
	v6 =	vld [tilespmem:s0+$0xD70]  }
0xbb: {  	v14 =	vadd.f32 v14, v13;
	v13 =	vld [tilespmem:s0+$0x9120];
	[tilespmem:s0+$0x100] =	vst v3;
	v3 =	vadd.f32 v8, v7  }
0xbc: {  	v18 =	vadd.f32 v18, v17;
	v17 =	vld [tilespmem:s0+$0x9140];
	[tilespmem:s0+$0x110] =	vst v5  }
0xbd: {  	v22 =	vadd.f32 v22, v21;
	v21 =	vld [tilespmem:s0+$0x9160];
	[tilespmem:s0+$0x120] =	vst v3;
	v3 =	vadd.f32 v12, v11  }
0xbe: {  	v7 =	vld [tilespmem:s0+$0x8D70];
	[tilespmem:s0+$0x150] =	vst v14  }
0xbf: {  	v8 =	vld [tilespmem:s0+$0x1100];
	[tilespmem:s0+$0x140] =	vst v3;
	v3 =	vadd.f32 v16, v15  }
0xc0: {  	v5 =	vadd.f32 v10, v9;
	v9 =	vld [tilespmem:s0+$0x9100];
	[tilespmem:s0+$0x170] =	vst v18  }
0xc1: {  	v10 =	vld [tilespmem:s0+$0x1110];
	[tilespmem:s0+$0x160] =	vst v3;
	v3 =	vadd.f32 v20, v19  }
0xc2: {  	v26 =	vadd.f32 v26, v25;
	v14 =	vld [tilespmem:s0+$0x1130];
	[tilespmem:s0+$0x510] =	vst v22  }
0xc3: {  	v18 =	vld [tilespmem:s0+$0x1150];
	[tilespmem:s0+$0x500] =	vst v3;
	v3 =	vadd.f32 v24, v23  }
0xc4: {  	v30 =	vadd.f32 v30, v29;
	[tilespmem:s0+$0x530] =	vst v26;
	v22 =	vld [tilespmem:s0+$0x1170]  }
0xc5: {  	v19 =	vld [tilespmem:s0+$0x9150];
	[tilespmem:s0+$0x520] =	vst v3;
	v3 =	vadd.f32 v28, v27  }
0xc6: {  	v34 =	vadd.f32 v34, v33;
	[tilespmem:s0+$0x550] =	vst v30;
	v11 =	vld [tilespmem:s0+$0x9110]  }
0xc7: {  	v12 =	vld [tilespmem:s0+$0x1120];
	[tilespmem:s0+$0x540] =	vst v3;
	v3 =	vadd.f32 v32, v31  }
0xc8: {  	[tilespmem:s0+$0x570] =	vst v34;
	v15 =	vld [tilespmem:s0+$0x9130]  }
0xc9: {  	v16 =	vld [tilespmem:s0+$0x1140];
	[tilespmem:s0+$0x560] =	vst v3;
	v3 =	vadd.f32 v36, v35  }
0xca: {  	[tilespmem:s0+$0x130] =	vst v5;
	v20 =	vld [tilespmem:s0+$0x1160];
	v19 =	vadd.f32 v19, v18  }
0xcb: {  	v24 =	vld [tilespmem:s0+$0x1500];
	[tilespmem:s0+$0x900] =	vst v3;
	v3 =	vadd.f32 v40, v39  }
0xcc: {  	[tilespmem:s0+$0x1150] =	vst v19;
	v36 =	vadd.f32 v38, v37;
	v37 =	vld [tilespmem:s0+$0x9170]  }
0xcd: {  	v38 =	vadd.f32 v42, v41;
	v41 =	vld [tilespmem:s0+$0x1510];
	[tilespmem:s0+$0x920] =	vst v3;
	v3 =	vadd.f32 v44, v43  }
0xce: {  	v42 =	vld [tilespmem:s0+$0x9510];
	[tilespmem:s0+$0x910] =	vst v36  }
0xcf: {  	v35 =	vld [tilespmem:s0+$0x1910];
	[tilespmem:s0+$0x940] =	vst v3;
	v3 =	vadd.f32 v48, v47  }
0xd0: {  	v39 =	vld [tilespmem:s0+$0x9500];
	[tilespmem:s0+$0x930] =	vst v38;
	v40 =	vadd.f32 v46, v45  }
0xd1: {  	v45 =	vld [tilespmem:s0+$0x9520];
	[tilespmem:s0+$0x960] =	vst v3;
	v3 =	vadd.f32 v52, v51  }
0xd2: {  	v46 =	vadd.f32 v54, v53;
	v53 =	vld [tilespmem:s0+$0x1550];
	[tilespmem:s0+$0x950] =	vst v40  }
0xd3: {  	v54 =	vld [tilespmem:s0+$0x9550];
	[tilespmem:s0+$0xD00] =	vst v3;
	v3 =	vadd.f32 v56, v55  }
0xd4: {  	v36 =	vld [tilespmem:s0+$0x9910];
	v43 =	vadd.f32 v50, v49;
	[tilespmem:s0+$0xD10] =	vst v46  }
0xd5: {  	v38 =	vld [tilespmem:s0+$0x1920];
	[tilespmem:s0+$0xD20] =	vst v3;
	v3 =	vadd.f32 v60, v59  }
0xd6: {  	v44 =	vld [tilespmem:s0+$0x1520];
	v49 =	vadd.f32 v58, v57;
	[tilespmem:s0+$0x970] =	vst v43  }
0xd7: {  	v50 =	vld [tilespmem:s0+$0x1540];
	[tilespmem:s0+$0xD40] =	vst v3;
	v3 =	vadd.f32 v4, v63  }
0xd8: {  	v57 =	vld [tilespmem:s0+$0x9560];
	v58 =	vadd.f32 v11, v10;
	[tilespmem:s0+$0xD30] =	vst v49  }
0xd9: {  	v46 =	vld [tilespmem:s0+$0x9950];
	[tilespmem:s0+$0xD60] =	vst v3;
	v3 =	vadd.f32 v9, v8  }
0xda: {  	v37 =	vadd.f32 v37, v22;
	v40 =	vadd.f32 v42, v41;
	v41 =	vld [tilespmem:s0+$0x1930];
	[tilespmem:s0+$0x1110] =	vst v58  }
0xdb: {  	v42 =	vld [tilespmem:s0+$0x9930];
	[tilespmem:s0+$0x1100] =	vst v3;
	v3 =	vadd.f32 v13, v12  }
0xdc: {  	v47 =	vld [tilespmem:s0+$0x1530];
	[tilespmem:s0+$0x1170] =	vst v37  }
0xdd: {  	v48 =	vld [tilespmem:s0+$0x9530];
	[tilespmem:s0+$0x1120] =	vst v3;
	v3 =	vadd.f32 v17, v16  }
0xde: {  	v49 =	vld [tilespmem:s0+$0x9960];
	[tilespmem:s0+$0x1510] =	vst v40;
	v52 =	vadd.f32 v62, v61  }
0xdf: {  	v51 =	vld [tilespmem:s0+$0x9540];
	[tilespmem:s0+$0x1140] =	vst v3;
	v3 =	vadd.f32 v21, v20  }
0xe0: {  	v61 =	vadd.f32 v15, v14;
	v62 =	vld [tilespmem:s0+$0x1900];
	[tilespmem:s0+$0xD50] =	vst v52  }
0xe1: {  	v56 =	vld [tilespmem:s0+$0x1560];
	[tilespmem:s0+$0x1160] =	vst v3;
	v3 =	vadd.f32 v39, v24  }
0xe2: {  	v55 =	vadd.f32 v7, v6;
	[tilespmem:s0+$0x1130] =	vst v61;
	v52 =	vld [tilespmem:s0+$0x9970]  }
0xe3: {  	v43 =	vadd.f32 v48, v47;
	v47 =	vld [tilespmem:s0+$0x1960];
	[tilespmem:s0+$0x1500] =	vst v3;
	v3 =	vadd.f32 v45, v44  }
0xe4: {  	[tilespmem:s0+$0xD70] =	vst v55;
	v63 =	vld [tilespmem:s0+$0x9900]  }
0xe5: {  	v59 =	vld [tilespmem:s0+$0x1570];
	[tilespmem:s0+$0x1520] =	vst v3;
	v3 =	vadd.f32 v51, v50  }
0xe6: {  	[tilespmem:s0+$0x1530] =	vst v43;
	v4 =	vadd.f32 v54, v53;
	v39 =	vld [tilespmem:s0+$0x9920]  }
0xe7: {  	v60 =	vld [tilespmem:s0+$0x9570];
	[tilespmem:s0+$0x1540] =	vst v3;
	v3 =	vadd.f32 v57, v56  }
0xe8: {  	v54 =	vadd.f32 v42, v41;
	[tilespmem:s0+$0x1550] =	vst v4;
	v45 =	vld [tilespmem:s0+$0x1950]  }
0xe9: {  	v53 =	vld [tilespmem:s0+$0x9940];
	[tilespmem:s0+$0x1560] =	vst v3;
	v3 =	vadd.f32 v63, v62  }
0xea: {  	[tilespmem:s0+$0x1930] =	vst v54;
	v55 =	vadd.f32 v49, v47;
	v50 =	vld [tilespmem:s0+$0x1970]  }
0xeb: {  	v44 =	vld [tilespmem:s0+$0x1940];
	[tilespmem:s0+$0x1900] =	vst v3;
	v3 =	vadd.f32 v39, v38  }
0xec: {  	v48 =	vadd.f32 v60, v59;
	[tilespmem:s0+$0x1960] =	vst v55  }
0xed: {  	[tilespmem:s0+$0x1920] =	vst v3;
	v3 =	vadd.f32 v46, v45  }
0xee: {  	s4 =	sand.u32 $0x7, s29;
	[tilespmem:s0+$0x1570] =	vst v48;
	v51 =	vadd.f32 v36, v35  }
0xef: {  	s2 =	sshll.u32 s4, $0x7;
	[tilespmem:s0+$0x1950] =	vst v3;
	v3 =	vadd.f32 v52, v50  }
0xf0: {  	s2 =	sadd.s32 s2, s30;
	[tilespmem:s0+$0x1910] =	vst v51;
	v56 =	vadd.f32 v53, v44  }
0xf1: {  	s4 =	sor.u32 $0x1C00, s2;
	[tilespmem:s0+$0x1970] =	vst v3  }
0xf2: {  	[tilespmem:s0+$0x1940] =	vst v56;
	v3 =	vld [tilespmem:s4+$0x100]  }
0xf3: {  	v4 =	vld [tilespmem:s4+$0x8100];
	_ =	sdelay $0x4  }
0xf4: {  	v3 =	vadd.f32 v4, v3;
	_ =	sdelay $0x1  }
0xf5: {  	[tilespmem:s4+$0x100] =	vst v3;
	s4 =	sor.u32 $0x1C10, s2  }
0xf6: {  	v3 =	vld [tilespmem:s4+$0x100]  }
0xf7: {  	v57 =	vld [tilespmem:s4+$0x8100];
	_ =	sdelay $0x4  }
0xf8: {  	v3 =	vadd.f32 v57, v3;
	_ =	sdelay $0x1  }
0xf9: {  	[tilespmem:s4+$0x100] =	vst v3;
	s4 =	sor.u32 $0x1C20, s2  }
0xfa: {  	v3 =	vld [tilespmem:s4+$0x100]  }
0xfb: {  	v58 =	vld [tilespmem:s4+$0x8100];
	_ =	sdelay $0x4  }
0xfc: {  	v3 =	vadd.f32 v58, v3;
	_ =	sdelay $0x1  }
0xfd: {  	[tilespmem:s4+$0x100] =	vst v3;
	s4 =	sor.u32 $0x1C30, s2  }
0xfe: {  	v3 =	vld [tilespmem:s4+$0x100]  }
0xff: {  	v59 =	vld [tilespmem:s4+$0x8100];
	_ =	sdelay $0x4  }
0x100: {  	v3 =	vadd.f32 v59, v3;
	_ =	sdelay $0x1  }
0x101: {  	[tilespmem:s4+$0x100] =	vst v3;
	s4 =	sor.u32 $0x1C40, s2  }
0x102: {  	v3 =	vld [tilespmem:s4+$0x100]  }
0x103: {  	v60 =	vld [tilespmem:s4+$0x8100];
	_ =	sdelay $0x4  }
0x104: {  	v3 =	vadd.f32 v60, v3;
	_ =	sdelay $0x1  }
0x105: {  	[tilespmem:s4+$0x100] =	vst v3;
	s4 =	sor.u32 $0x1C50, s2  }
0x106: {  	v3 =	vld [tilespmem:s4+$0x100]  }
0x107: {  	v61 =	vld [tilespmem:s4+$0x8100];
	_ =	sdelay $0x4  }
0x108: {  	v3 =	vadd.f32 v61, v3;
	_ =	sdelay $0x1  }
0x109: {  	[tilespmem:s4+$0x100] =	vst v3;
	s4 =	sor.u32 $0x1C60, s2  }
0x10a: {  	v3 =	vld [tilespmem:s4+$0x100]  }
0x10b: {  	v62 =	vld [tilespmem:s4+$0x8100];
	_ =	sdelay $0x4  }
0x10c: {  	v3 =	vadd.f32 v62, v3;
	_ =	sdelay $0x1  }
0x10d: {  	[tilespmem:s4+$0x100] =	vst v3;
	s4 =	sor.u32 $0x1C70, s2  }
0x10e: {  	v3 =	vld [tilespmem:s4+$0x100]  }
0x10f: {  	v63 =	vld [tilespmem:s4+$0x8100];
	_ =	sdelay $0x1  }
0x110: {  	p0 =	sne.s32 s31, $0xF80  }
.Ltmp0:
0x111: {  	_ = 	snop;
	(pc) =	sbr.rel @p0 .LBB2_2-.Ltmp0, $4  }
0x112: {  	_ = 	snop  }
0x113: {  	v3 =	vadd.f32 v63, v3  }
0x114: {  	s29 =	sadd.s32 $0x1, s29  }
0x115: {  	s28 =	sadd.s32 $0x400, s28;
	s31 =	sadd.s32 $0x80, s31;
	s30 =	sadd.s32 $0x400, s30;
	[tilespmem:s4+$0x100] =	vst v3  }
0x116: {  	s28 =	simm.s32 $0x0;
	s0 =	rddreg [dreg:$0x4]  }
0x117: {  	[hbm4b:s0+s28] =	stream.linear.scatter [tilespmem:s16], [sflag:$0x3], $0x8000, $0x38;
	[tilespmem:$0x10100] =	vst v63  }
0x118: {  	_ =	swait.ge [sflag:s14], $0x8000  }
0x119: {  	[sflag:s14] =	ssyncset.done $0x0  }
0x11a: {  	s2 =	rddreg [dreg:$0x5];
	[sflag:s14] =	ssyncadd.s32 $0xFFFF8000  }
0x11b: {  	[tilespmem:s28], [sflag:$0x3] =	stream.linear.gather [hbm4b:s2+s28], $0x20, $0x38;
	[tilespmem:$0x10100] =	vst v63  }
0x11c: {  	_ =	swait.ge [sflag:s14], $0x20  }
0x11d: {  	[sflag:s14] =	ssyncset.done $0x0  }
0x11e: {  	s2 =	simm.s32 $0x80;
	s4 =	rddreg [dreg:$0x6];
	[sflag:s14] =	ssyncadd.s32 $0xFFFFFFE0  }
0x11f: {  	[tilespmem:s2], [sflag:$0x3] =	stream.linear.gather [hbm4b:s4+s28], $0x20, $0x38;
	[tilespmem:$0x10100] =	vst v63  }
0x120: {  	_ =	swait.ge [sflag:s14], $0x20  }
0x121: {  	[sflag:s14] =	ssyncset.done $0x0  }
0x122: {  	[sflag:s14] =	ssyncadd.s32 $0xFFFFFFE0  }
0x123: {  	v3 =	vld [tilespmem:$0x0];
	_ =	sdelay $0x4  }
0x124: {  	v4 =	vshll.u32 v3, $0x3  }
0x125: {  	v3 =	vand.u32 $0x7, v3;
	v4 =	vand.u32 $0xFFFFFFC0, v4  }
0x126: {  	v3 =	vor.u32 v3, v4  }
0x127: {  	v4 =	vperm.xlane v3, v0;
	_ =	sdelay $0x1  }
0x128: {  	v4 =	vadd.s32 v1, v4;
	_ =	sdelay $0x4  }
0x129: {  	[tilespmem:s16], [sflag:$0x1] =	stream.indirect_vreg.gather [hbm4b:s3+s28], $0x80, v4, vm0, $0xb8;
	[tilespmem:$0x10100] =	vst v63  }
0x12a: {  	s4 =	simm.s32 $0x900;
	v3 =	vperm.xlane v3, v2  }
0x12b: {  	[tilespmem:s4], [sflag:$0x1] =	stream.indirect_vreg.gather [hbm4b:s6+s28], $0x80, v4, vm0, $0xb8;
	[tilespmem:$0x10100] =	vst v63  }
0x12c: {  	s2 =	simm.s32 $0x1100;
	v3 =	vadd.s32 v1, v3  }
0x12d: {  	[tilespmem:s2], [sflag:$0x1] =	stream.indirect_vreg.gather [hbm4b:s7+s28], $0x80, v4, vm0, $0xb8;
	[tilespmem:$0x10100] =	vst v63  }
0x12e: {  	s4 =	simm.s32 $0x1900  }
0x12f: {  	[tilespmem:s4], [sflag:$0x1] =	stream.indirect_vreg.gather [hbm4b:s8+s28], $0x80, v4, vm0, $0xb8;
	[tilespmem:$0x10100] =	vst v63  }
0x130: {  	s2 =	simm.s32 $0x2100  }
0x131: {  	[tilespmem:s2], [sflag:$0x1] =	stream.indirect_vreg.gather [hbm4b:s3+s28], $0x80, v3, vm0, $0xb8;
	[tilespmem:$0x10100] =	vst v63  }
0x132: {  	s4 =	simm.s32 $0x2900  }
0x133: {  	[tilespmem:s4], [sflag:$0x1] =	stream.indirect_vreg.gather [hbm4b:s6+s28], $0x80, v3, vm0, $0xb8;
	[tilespmem:$0x10100] =	vst v63  }
0x134: {  	s2 =	simm.s32 $0x3100  }
0x135: {  	[tilespmem:s2], [sflag:$0x1] =	stream.indirect_vreg.gather [hbm4b:s7+s28], $0x80, v3, vm0, $0xb8;
	[tilespmem:$0x10100] =	vst v63  }
0x136: {  	s4 =	simm.s32 $0x3900  }
0x137: {  	[tilespmem:s4], [sflag:$0x1] =	stream.indirect_vreg.gather [hbm4b:s8+s28], $0x80, v3, vm0, $0xb8;
	[tilespmem:$0x10100] =	vst v63  }
0x138: {  	v3 =	vld [tilespmem:$0x10];
	_ =	sdelay $0x4  }
0x139: {  	v61 =	vshll.u32 v3, $0x3  }
0x13a: {  	v3 =	vand.u32 $0x7, v3;
	v4 =	vand.u32 $0xFFFFFFC0, v61  }
0x13b: {  	v3 =	vor.u32 v3, v4  }
0x13c: {  	v4 =	vperm.xlane v3, v0;
	_ =	sdelay $0x1  }
0x13d: {  	v4 =	vadd.s32 v1, v4;
	_ =	sdelay $0x3  }
0x13e: {  	s2 =	simm.s32 $0x4100  }
0x13f: {  	[tilespmem:s2], [sflag:$0x1] =	stream.indirect_vreg.gather [hbm4b:s3+s28], $0x80, v4, vm0, $0xb8;
	[tilespmem:$0x10100] =	vst v63  }
0x140: {  	s4 =	simm.s32 $0x4900;
	v3 =	vperm.xlane v3, v2  }
0x141: {  	[tilespmem:s4], [sflag:$0x1] =	stream.indirect_vreg.gather [hbm4b:s6+s28], $0x80, v4, vm0, $0xb8;
	[tilespmem:$0x10100] =	vst v63  }
0x142: {  	v3 =	vadd.s32 v1, v3;
	s2 =	simm.s32 $0x5100  }
0x143: {  	[tilespmem:s2], [sflag:$0x1] =	stream.indirect_vreg.gather [hbm4b:s7+s28], $0x80, v4, vm0, $0xb8;
	[tilespmem:$0x10100] =	vst v63  }
0x144: {  	s4 =	simm.s32 $0x5900  }
0x145: {  	[tilespmem:s4], [sflag:$0x1] =	stream.indirect_vreg.gather [hbm4b:s8+s28], $0x80, v4, vm0, $0xb8;
	[tilespmem:$0x10100] =	vst v63  }
0x146: {  	s2 =	simm.s32 $0x6100  }
0x147: {  	[tilespmem:s2], [sflag:$0x1] =	stream.indirect_vreg.gather [hbm4b:s3+s28], $0x80, v3, vm0, $0xb8;
	[tilespmem:$0x10100] =	vst v63  }
0x148: {  	s4 =	simm.s32 $0x6900  }
0x149: {  	[tilespmem:s4], [sflag:$0x1] =	stream.indirect_vreg.gather [hbm4b:s6+s28], $0x80, v3, vm0, $0xb8;
	[tilespmem:$0x10100] =	vst v63  }
0x14a: {  	s2 =	simm.s32 $0x7100  }
0x14b: {  	[tilespmem:s2], [sflag:$0x1] =	stream.indirect_vreg.gather [hbm4b:s7+s28], $0x80, v3, vm0, $0xb8;
	[tilespmem:$0x10100] =	vst v63  }
0x14c: {  	s4 =	simm.s32 $0x7900  }
0x14d: {  	[tilespmem:s4], [sflag:$0x1] =	stream.indirect_vreg.gather [hbm4b:s8+s28], $0x80, v3, vm0, $0xb8;
	[tilespmem:$0x10100] =	vst v63  }
0x14e: {  	v3 =	vld [tilespmem:$0x80];
	_ =	sdelay $0x4  }
0x14f: {  	v62 =	vshll.u32 v3, $0x3  }
0x150: {  	v3 =	vand.u32 $0x7, v3;
	v4 =	vand.u32 $0xFFFFFFC0, v62  }
0x151: {  	v3 =	vor.u32 v3, v4  }
0x152: {  	v4 =	vperm.xlane v3, v0;
	_ =	sdelay $0x1  }
0x153: {  	v4 =	vadd.s32 v1, v4;
	_ =	sdelay $0x3  }
0x154: {  	s2 =	simm.s32 $0x8100  }
0x155: {  	[tilespmem:s2], [sflag:$0x2] =	stream.indirect_vreg.gather [hbm4b:s3+s28], $0x80, v4, vm0, $0xb8;
	[tilespmem:$0x10100] =	vst v63  }
0x156: {  	s4 =	simm.s32 $0x8900;
	v3 =	vperm.xlane v3, v2  }
0x157: {  	[tilespmem:s4], [sflag:$0x2] =	stream.indirect_vreg.gather [hbm4b:s6+s28], $0x80, v4, vm0, $0xb8;
	[tilespmem:$0x10100] =	vst v63  }
0x158: {  	v3 =	vadd.s32 v1, v3  }
0x159: {  	[tilespmem:s5], [sflag:$0x2] =	stream.indirect_vreg.gather [hbm4b:s7+s28], $0x80, v4, vm0, $0xb8;
	[tilespmem:$0x10100] =	vst v63  }
0x15a: {  	_ = 	snop  }
0x15b: {  	[tilespmem:s15], [sflag:$0x2] =	stream.indirect_vreg.gather [hbm4b:s8+s28], $0x80, v4, vm0, $0xb8;
	[tilespmem:$0x10100] =	vst v63  }
0x15c: {  	_ = 	snop  }
0x15d: {  	[tilespmem:s17], [sflag:$0x2] =	stream.indirect_vreg.gather [hbm4b:s3+s28], $0x80, v3, vm0, $0xb8;
	[tilespmem:$0x10100] =	vst v63  }
0x15e: {  	_ = 	snop  }
0x15f: {  	[tilespmem:s18], [sflag:$0x2] =	stream.indirect_vreg.gather [hbm4b:s6+s28], $0x80, v3, vm0, $0xb8;
	[tilespmem:$0x10100] =	vst v63  }
0x160: {  	_ = 	snop  }
0x161: {  	[tilespmem:s19], [sflag:$0x2] =	stream.indirect_vreg.gather [hbm4b:s7+s28], $0x80, v3, vm0, $0xb8;
	[tilespmem:$0x10100] =	vst v63  }
0x162: {  	_ = 	snop  }
0x163: {  	[tilespmem:s9], [sflag:$0x2] =	stream.indirect_vreg.gather [hbm4b:s8+s28], $0x80, v3, vm0, $0xb8;
	[tilespmem:$0x10100] =	vst v63  }
0x164: {  	v3 =	vld [tilespmem:$0x90];
	_ =	sdelay $0x4  }
0x165: {  	v63 =	vshll.u32 v3, $0x3  }
0x166: {  	v3 =	vand.u32 $0x7, v3;
	v4 =	vand.u32 $0xFFFFFFC0, v63  }
0x167: {  	v3 =	vor.u32 v3, v4  }
0x168: {  	v4 =	vperm.xlane v3, v0;
	_ =	sdelay $0x1  }
0x169: {  	v4 =	vadd.s32 v1, v4;
	_ =	sdelay $0x4  }
0x16a: {  	[tilespmem:s20], [sflag:$0x2] =	stream.indirect_vreg.gather [hbm4b:s3+s28], $0x80, v4, vm0, $0xb8;
	[tilespmem:$0x10100] =	vst v63  }
0x16b: {  	v3 =	vperm.xlane v3, v2  }
0x16c: {  	[tilespmem:s21], [sflag:$0x2] =	stream.indirect_vreg.gather [hbm4b:s6+s28], $0x80, v4, vm0, $0xb8;
	[tilespmem:$0x10100] =	vst v63  }
0x16d: {  	v3 =	vadd.s32 v1, v3  }
0x16e: {  	[tilespmem:s10], [sflag:$0x2] =	stream.indirect_vreg.gather [hbm4b:s7+s28], $0x80, v4, vm0, $0xb8;
	[tilespmem:$0x10100] =	vst v63  }
0x16f: {  	_ = 	snop  }
0x170: {  	[tilespmem:s22], [sflag:$0x2] =	stream.indirect_vreg.gather [hbm4b:s8+s28], $0x80, v4, vm0, $0xb8;
	[tilespmem:$0x10100] =	vst v63  }
0x171: {  	_ = 	snop  }
0x172: {  	[tilespmem:s11], [sflag:$0x2] =	stream.indirect_vreg.gather [hbm4b:s3+s28], $0x80, v3, vm0, $0xb8;
	[tilespmem:$0x10100] =	vst v63  }
0x173: {  	_ = 	snop  }
0x174: {  	[tilespmem:s23], [sflag:$0x2] =	stream.indirect_vreg.gather [hbm4b:s6+s28], $0x80, v3, vm0, $0xb8;
	[tilespmem:$0x10100] =	vst v63  }
0x175: {  	_ = 	snop  }
0x176: {  	[tilespmem:s24], [sflag:$0x2] =	stream.indirect_vreg.gather [hbm4b:s7+s28], $0x80, v3, vm0, $0xb8;
	[tilespmem:$0x10100] =	vst v63  }
0x177: {  	_ = 	snop  }
0x178: {  	[tilespmem:s12], [sflag:$0x2] =	stream.indirect_vreg.gather [hbm4b:s8+s28], $0x80, v3, vm0, $0xb8;
	[tilespmem:$0x10100] =	vst v63  }
0x179: {  	_ =	swait.ge [sflag:s25], $0x8000  }
0x17a: {  	[sflag:s25] =	ssyncset.done $0x0  }
0x17b: {  	[sflag:s25] =	ssyncadd.s32 $0xFFFF8000  }
0x17c: {  	_ =	swait.ge [sflag:s13], $0x8000  }
0x17d: {  	s29 =	simm.s32 $0xFFFF8000;
	[sflag:s13] =	ssyncset.done $0x0  }
0x17e: {  	s30 =	simm.s32 $0x0;
	s31 =	simm.s32 $0x0;
	[sflag:s13] =	ssyncadd.s32 $0xFFFF8000  }
.LBB2_4:
0x17f: {  	s0 =	sadd.s32 $0x8000, s29  }
0x180: {  	s2 =	sand.u32 $0x380, s31;
	s0 =	sand.u32 $0x6000, s0  }
0x181: {  	s0 =	sor.u32 s2, s0  }
0x182: {  	v3 =	vld [tilespmem:s0+$0x100]  }
0x183: {  	v4 =	vld [tilespmem:s0+$0x8100]  }
0x184: {  	v5 =	vld [tilespmem:s0+$0x110]  }
0x185: {  	v6 =	vld [tilespmem:s0+$0x8110]  }
0x186: {  	v7 =	vld [tilespmem:s0+$0x120]  }
0x187: {  	v8 =	vld [tilespmem:s0+$0x8120]  }
0x188: {  	v9 =	vld [tilespmem:s0+$0x130]  }
0x189: {  	v10 =	vld [tilespmem:s0+$0x8130]  }
0x18a: {  	v11 =	vld [tilespmem:s0+$0x140]  }
0x18b: {  	v12 =	vld [tilespmem:s0+$0x8140]  }
0x18c: {  	v13 =	vld [tilespmem:s0+$0x150]  }
0x18d: {  	v14 =	vld [tilespmem:s0+$0x8150]  }
0x18e: {  	v15 =	vld [tilespmem:s0+$0x160]  }
0x18f: {  	v16 =	vld [tilespmem:s0+$0x8160]  }
0x190: {  	v17 =	vld [tilespmem:s0+$0x170]  }
0x191: {  	v18 =	vld [tilespmem:s0+$0x8170]  }
0x192: {  	v19 =	vld [tilespmem:s0+$0x500]  }
0x193: {  	v20 =	vld [tilespmem:s0+$0x8500]  }
0x194: {  	v21 =	vld [tilespmem:s0+$0x510]  }
0x195: {  	v22 =	vld [tilespmem:s0+$0x8510]  }
0x196: {  	v23 =	vld [tilespmem:s0+$0x520]  }
0x197: {  	v24 =	vld [tilespmem:s0+$0x8520]  }
0x198: {  	v25 =	vld [tilespmem:s0+$0x530]  }
0x199: {  	v26 =	vld [tilespmem:s0+$0x8530]  }
0x19a: {  	v27 =	vld [tilespmem:s0+$0x540]  }
0x19b: {  	v28 =	vld [tilespmem:s0+$0x8540]  }
0x19c: {  	v29 =	vld [tilespmem:s0+$0x550]  }
0x19d: {  	v30 =	vld [tilespmem:s0+$0x8550]  }
0x19e: {  	v31 =	vld [tilespmem:s0+$0x560]  }
0x19f: {  	v32 =	vld [tilespmem:s0+$0x8560]  }
0x1a0: {  	v33 =	vld [tilespmem:s0+$0x570]  }
0x1a1: {  	v34 =	vld [tilespmem:s0+$0x8570]  }
0x1a2: {  	v35 =	vld [tilespmem:s0+$0x900]  }
0x1a3: {  	v36 =	vld [tilespmem:s0+$0x8900]  }
0x1a4: {  	v37 =	vld [tilespmem:s0+$0x910]  }
0x1a5: {  	v38 =	vld [tilespmem:s0+$0x8910]  }
0x1a6: {  	v39 =	vld [tilespmem:s0+$0x920]  }
0x1a7: {  	v40 =	vld [tilespmem:s0+$0x8920]  }
0x1a8: {  	v41 =	vld [tilespmem:s0+$0x930]  }
0x1a9: {  	v42 =	vld [tilespmem:s0+$0x8930]  }
0x1aa: {  	v43 =	vld [tilespmem:s0+$0x940]  }
0x1ab: {  	v44 =	vld [tilespmem:s0+$0x8940]  }
0x1ac: {  	v45 =	vld [tilespmem:s0+$0x950]  }
0x1ad: {  	v46 =	vld [tilespmem:s0+$0x8950]  }
0x1ae: {  	v47 =	vld [tilespmem:s0+$0x960]  }
0x1af: {  	v48 =	vld [tilespmem:s0+$0x8960]  }
0x1b0: {  	v49 =	vld [tilespmem:s0+$0x970]  }
0x1b1: {  	v50 =	vld [tilespmem:s0+$0x8970]  }
0x1b2: {  	v51 =	vld [tilespmem:s0+$0xD00]  }
0x1b3: {  	v52 =	vld [tilespmem:s0+$0x8D00]  }
0x1b4: {  	v53 =	vld [tilespmem:s0+$0xD10]  }
0x1b5: {  	v54 =	vld [tilespmem:s0+$0x8D10]  }
0x1b6: {  	v55 =	vld [tilespmem:s0+$0xD20]  }
0x1b7: {  	v56 =	vld [tilespmem:s0+$0x8D20]  }
0x1b8: {  	v57 =	vld [tilespmem:s0+$0xD30]  }
0x1b9: {  	v58 =	vld [tilespmem:s0+$0x8D30]  }
0x1ba: {  	v59 =	vld [tilespmem:s0+$0xD40]  }
0x1bb: {  	v60 =	vld [tilespmem:s0+$0x8D40]  }
0x1bc: {  	v61 =	vld [tilespmem:s0+$0xD50]  }
0x1bd: {  	v62 =	vld [tilespmem:s0+$0x8D50]  }
0x1be: {  	v63 =	vld [tilespmem:s0+$0xD60]  }
0x1bf: {  	v3 =	vadd.f32 v4, v3;
	v4 =	vld [tilespmem:s0+$0x8D60]  }
0x1c0: {  	v5 =	vadd.f32 v6, v5;
	v6 =	vld [tilespmem:s0+$0xD70]  }
0x1c1: {  	v14 =	vadd.f32 v14, v13;
	v13 =	vld [tilespmem:s0+$0x9120];
	[tilespmem:s0+$0x100] =	vst v3;
	v3 =	vadd.f32 v8, v7  }
0x1c2: {  	v18 =	vadd.f32 v18, v17;
	v17 =	vld [tilespmem:s0+$0x9140];
	[tilespmem:s0+$0x110] =	vst v5  }
0x1c3: {  	v22 =	vadd.f32 v22, v21;
	v21 =	vld [tilespmem:s0+$0x9160];
	[tilespmem:s0+$0x120] =	vst v3;
	v3 =	vadd.f32 v12, v11  }
0x1c4: {  	v7 =	vld [tilespmem:s0+$0x8D70];
	[tilespmem:s0+$0x150] =	vst v14  }
0x1c5: {  	v8 =	vld [tilespmem:s0+$0x1100];
	[tilespmem:s0+$0x140] =	vst v3;
	v3 =	vadd.f32 v16, v15  }
0x1c6: {  	v5 =	vadd.f32 v10, v9;
	v9 =	vld [tilespmem:s0+$0x9100];
	[tilespmem:s0+$0x170] =	vst v18  }
0x1c7: {  	v10 =	vld [tilespmem:s0+$0x1110];
	[tilespmem:s0+$0x160] =	vst v3;
	v3 =	vadd.f32 v20, v19  }
0x1c8: {  	v26 =	vadd.f32 v26, v25;
	v14 =	vld [tilespmem:s0+$0x1130];
	[tilespmem:s0+$0x510] =	vst v22  }
0x1c9: {  	v18 =	vld [tilespmem:s0+$0x1150];
	[tilespmem:s0+$0x500] =	vst v3;
	v3 =	vadd.f32 v24, v23  }
0x1ca: {  	v30 =	vadd.f32 v30, v29;
	[tilespmem:s0+$0x530] =	vst v26;
	v22 =	vld [tilespmem:s0+$0x1170]  }
0x1cb: {  	v19 =	vld [tilespmem:s0+$0x9150];
	[tilespmem:s0+$0x520] =	vst v3;
	v3 =	vadd.f32 v28, v27  }
0x1cc: {  	v34 =	vadd.f32 v34, v33;
	[tilespmem:s0+$0x550] =	vst v30;
	v11 =	vld [tilespmem:s0+$0x9110]  }
0x1cd: {  	v12 =	vld [tilespmem:s0+$0x1120];
	[tilespmem:s0+$0x540] =	vst v3;
	v3 =	vadd.f32 v32, v31  }
0x1ce: {  	[tilespmem:s0+$0x570] =	vst v34;
	v15 =	vld [tilespmem:s0+$0x9130]  }
0x1cf: {  	v16 =	vld [tilespmem:s0+$0x1140];
	[tilespmem:s0+$0x560] =	vst v3;
	v3 =	vadd.f32 v36, v35  }
0x1d0: {  	[tilespmem:s0+$0x130] =	vst v5;
	v20 =	vld [tilespmem:s0+$0x1160];
	v19 =	vadd.f32 v19, v18  }
0x1d1: {  	v24 =	vld [tilespmem:s0+$0x1500];
	[tilespmem:s0+$0x900] =	vst v3;
	v3 =	vadd.f32 v40, v39  }
0x1d2: {  	[tilespmem:s0+$0x1150] =	vst v19;
	v36 =	vadd.f32 v38, v37;
	v37 =	vld [tilespmem:s0+$0x9170]  }
0x1d3: {  	v38 =	vadd.f32 v42, v41;
	v41 =	vld [tilespmem:s0+$0x1510];
	[tilespmem:s0+$0x920] =	vst v3;
	v3 =	vadd.f32 v44, v43  }
0x1d4: {  	v42 =	vld [tilespmem:s0+$0x9510];
	[tilespmem:s0+$0x910] =	vst v36  }
0x1d5: {  	v35 =	vld [tilespmem:s0+$0x1910];
	[tilespmem:s0+$0x940] =	vst v3;
	v3 =	vadd.f32 v48, v47  }
0x1d6: {  	v39 =	vld [tilespmem:s0+$0x9500];
	[tilespmem:s0+$0x930] =	vst v38;
	v40 =	vadd.f32 v46, v45  }
0x1d7: {  	v45 =	vld [tilespmem:s0+$0x9520];
	[tilespmem:s0+$0x960] =	vst v3;
	v3 =	vadd.f32 v52, v51  }
0x1d8: {  	v46 =	vadd.f32 v54, v53;
	v53 =	vld [tilespmem:s0+$0x1550];
	[tilespmem:s0+$0x950] =	vst v40  }
0x1d9: {  	v54 =	vld [tilespmem:s0+$0x9550];
	[tilespmem:s0+$0xD00] =	vst v3;
	v3 =	vadd.f32 v56, v55  }
0x1da: {  	v36 =	vld [tilespmem:s0+$0x9910];
	v43 =	vadd.f32 v50, v49;
	[tilespmem:s0+$0xD10] =	vst v46  }
0x1db: {  	v38 =	vld [tilespmem:s0+$0x1920];
	[tilespmem:s0+$0xD20] =	vst v3;
	v3 =	vadd.f32 v60, v59  }
0x1dc: {  	v44 =	vld [tilespmem:s0+$0x1520];
	v49 =	vadd.f32 v58, v57;
	[tilespmem:s0+$0x970] =	vst v43  }
0x1dd: {  	v50 =	vld [tilespmem:s0+$0x1540];
	[tilespmem:s0+$0xD40] =	vst v3;
	v3 =	vadd.f32 v4, v63  }
0x1de: {  	v57 =	vld [tilespmem:s0+$0x9560];
	v58 =	vadd.f32 v11, v10;
	[tilespmem:s0+$0xD30] =	vst v49  }
0x1df: {  	v46 =	vld [tilespmem:s0+$0x9950];
	[tilespmem:s0+$0xD60] =	vst v3;
	v3 =	vadd.f32 v9, v8  }
0x1e0: {  	v37 =	vadd.f32 v37, v22;
	v40 =	vadd.f32 v42, v41;
	v41 =	vld [tilespmem:s0+$0x1930];
	[tilespmem:s0+$0x1110] =	vst v58  }
0x1e1: {  	v42 =	vld [tilespmem:s0+$0x9930];
	[tilespmem:s0+$0x1100] =	vst v3;
	v3 =	vadd.f32 v13, v12  }
0x1e2: {  	v47 =	vld [tilespmem:s0+$0x1530];
	[tilespmem:s0+$0x1170] =	vst v37  }
0x1e3: {  	v48 =	vld [tilespmem:s0+$0x9530];
	[tilespmem:s0+$0x1120] =	vst v3;
	v3 =	vadd.f32 v17, v16  }
0x1e4: {  	v49 =	vld [tilespmem:s0+$0x9960];
	[tilespmem:s0+$0x1510] =	vst v40;
	v52 =	vadd.f32 v62, v61  }
0x1e5: {  	v51 =	vld [tilespmem:s0+$0x9540];
	[tilespmem:s0+$0x1140] =	vst v3;
	v3 =	vadd.f32 v21, v20  }
0x1e6: {  	v61 =	vadd.f32 v15, v14;
	v62 =	vld [tilespmem:s0+$0x1900];
	[tilespmem:s0+$0xD50] =	vst v52  }
0x1e7: {  	v56 =	vld [tilespmem:s0+$0x1560];
	[tilespmem:s0+$0x1160] =	vst v3;
	v3 =	vadd.f32 v39, v24  }
0x1e8: {  	v55 =	vadd.f32 v7, v6;
	[tilespmem:s0+$0x1130] =	vst v61;
	v52 =	vld [tilespmem:s0+$0x9970]  }
0x1e9: {  	v43 =	vadd.f32 v48, v47;
	v47 =	vld [tilespmem:s0+$0x1960];
	[tilespmem:s0+$0x1500] =	vst v3;
	v3 =	vadd.f32 v45, v44  }
0x1ea: {  	[tilespmem:s0+$0xD70] =	vst v55;
	v63 =	vld [tilespmem:s0+$0x9900]  }
0x1eb: {  	v59 =	vld [tilespmem:s0+$0x1570];
	[tilespmem:s0+$0x1520] =	vst v3;
	v3 =	vadd.f32 v51, v50  }
0x1ec: {  	[tilespmem:s0+$0x1530] =	vst v43;
	v4 =	vadd.f32 v54, v53;
	v39 =	vld [tilespmem:s0+$0x9920]  }
0x1ed: {  	v60 =	vld [tilespmem:s0+$0x9570];
	[tilespmem:s0+$0x1540] =	vst v3;
	v3 =	vadd.f32 v57, v56  }
0x1ee: {  	v54 =	vadd.f32 v42, v41;
	[tilespmem:s0+$0x1550] =	vst v4;
	v45 =	vld [tilespmem:s0+$0x1950]  }
0x1ef: {  	v53 =	vld [tilespmem:s0+$0x9940];
	[tilespmem:s0+$0x1560] =	vst v3;
	v3 =	vadd.f32 v63, v62  }
0x1f0: {  	[tilespmem:s0+$0x1930] =	vst v54;
	v55 =	vadd.f32 v49, v47;
	v50 =	vld [tilespmem:s0+$0x1970]  }
0x1f1: {  	v44 =	vld [tilespmem:s0+$0x1940];
	[tilespmem:s0+$0x1900] =	vst v3;
	v3 =	vadd.f32 v39, v38  }
0x1f2: {  	v48 =	vadd.f32 v60, v59;
	[tilespmem:s0+$0x1960] =	vst v55  }
0x1f3: {  	[tilespmem:s0+$0x1920] =	vst v3;
	v3 =	vadd.f32 v46, v45  }
0x1f4: {  	s4 =	sand.u32 $0x7, s28;
	[tilespmem:s0+$0x1570] =	vst v48;
	v51 =	vadd.f32 v36, v35  }
0x1f5: {  	s2 =	sshll.u32 s4, $0x7;
	[tilespmem:s0+$0x1950] =	vst v3;
	v3 =	vadd.f32 v52, v50  }
0x1f6: {  	s2 =	sadd.s32 s2, s30;
	[tilespmem:s0+$0x1910] =	vst v51;
	v56 =	vadd.f32 v53, v44  }
0x1f7: {  	s4 =	sor.u32 $0x1C00, s2;
	[tilespmem:s0+$0x1970] =	vst v3  }
0x1f8: {  	[tilespmem:s0+$0x1940] =	vst v56;
	v3 =	vld [tilespmem:s4+$0x100]  }
0x1f9: {  	v4 =	vld [tilespmem:s4+$0x8100];
	_ =	sdelay $0x4  }
0x1fa: {  	v3 =	vadd.f32 v4, v3;
	_ =	sdelay $0x1  }
0x1fb: {  	[tilespmem:s4+$0x100] =	vst v3;
	s4 =	sor.u32 $0x1C10, s2  }
0x1fc: {  	v3 =	vld [tilespmem:s4+$0x100]  }
0x1fd: {  	v57 =	vld [tilespmem:s4+$0x8100];
	_ =	sdelay $0x4  }
0x1fe: {  	v3 =	vadd.f32 v57, v3;
	_ =	sdelay $0x1  }
0x1ff: {  	[tilespmem:s4+$0x100] =	vst v3;
	s4 =	sor.u32 $0x1C20, s2  }
0x200: {  	v3 =	vld [tilespmem:s4+$0x100]  }
0x201: {  	v58 =	vld [tilespmem:s4+$0x8100];
	_ =	sdelay $0x4  }
0x202: {  	v3 =	vadd.f32 v58, v3;
	_ =	sdelay $0x1  }
0x203: {  	[tilespmem:s4+$0x100] =	vst v3;
	s4 =	sor.u32 $0x1C30, s2  }
0x204: {  	v3 =	vld [tilespmem:s4+$0x100]  }
0x205: {  	v59 =	vld [tilespmem:s4+$0x8100];
	_ =	sdelay $0x4  }
0x206: {  	v3 =	vadd.f32 v59, v3;
	_ =	sdelay $0x1  }
0x207: {  	[tilespmem:s4+$0x100] =	vst v3;
	s4 =	sor.u32 $0x1C40, s2  }
0x208: {  	v3 =	vld [tilespmem:s4+$0x100]  }
0x209: {  	v60 =	vld [tilespmem:s4+$0x8100];
	_ =	sdelay $0x4  }
0x20a: {  	v3 =	vadd.f32 v60, v3;
	_ =	sdelay $0x1  }
0x20b: {  	[tilespmem:s4+$0x100] =	vst v3;
	s4 =	sor.u32 $0x1C50, s2  }
0x20c: {  	v3 =	vld [tilespmem:s4+$0x100]  }
0x20d: {  	v61 =	vld [tilespmem:s4+$0x8100];
	_ =	sdelay $0x4  }
0x20e: {  	v3 =	vadd.f32 v61, v3;
	_ =	sdelay $0x1  }
0x20f: {  	[tilespmem:s4+$0x100] =	vst v3;
	s4 =	sor.u32 $0x1C60, s2  }
0x210: {  	v3 =	vld [tilespmem:s4+$0x100]  }
0x211: {  	v62 =	vld [tilespmem:s4+$0x8100];
	_ =	sdelay $0x4  }
0x212: {  	v3 =	vadd.f32 v62, v3;
	_ =	sdelay $0x1  }
0x213: {  	[tilespmem:s4+$0x100] =	vst v3;
	s4 =	sor.u32 $0x1C70, s2  }
0x214: {  	v3 =	vld [tilespmem:s4+$0x100]  }
0x215: {  	v63 =	vld [tilespmem:s4+$0x8100];
	_ =	sdelay $0x1  }
0x216: {  	p0 =	sne.s32 s31, $0xF80  }
.Ltmp1:
0x217: {  	_ = 	snop;
	(pc) =	sbr.rel @p0 .LBB2_4-.Ltmp1, $4  }
0x218: {  	_ = 	snop  }
0x219: {  	v3 =	vadd.f32 v63, v3  }
0x21a: {  	s28 =	sadd.s32 $0x1, s28  }
0x21b: {  	s29 =	sadd.s32 $0x400, s29;
	s31 =	sadd.s32 $0x80, s31;
	s30 =	sadd.s32 $0x400, s30;
	[tilespmem:s4+$0x100] =	vst v3  }
0x21c: {  	s0 =	rddreg [dreg:$0x7]  }
0x21d: {  	[hbm4b:s0+s1] =	stream.linear.scatter [tilespmem:s16], [sflag:$0x3], $0x8000, $0x38;
	[tilespmem:$0x10100] =	vst v63  }
0x21e: {  	_ =	swait.ge [sflag:s14], $0x8000  }
0x21f: {  	s26 =	sadd.s32 $0x1, s26;
	s31 =	rddreg [dreg:$0x8]  }
0x220: {  	p0 =	sne.s32 s26, s31  }
.Ltmp2:
0x221: {  	_ = 	snop;
	(pc) =	sbr.rel @p0 .LBB2_1-.Ltmp2, $3  }
0x222: {  	_ =	sdelay $0x1  }
0x223: {  	[sflag:s14] =	ssyncset.done $0x0  }
0x224: {  	[sflag:s14] =	ssyncadd.s32 $0xFFFF8000  }
0x225: {  	_ =	sfence.sel $0x180000  }
0x226: {  	[bflag:$0x0] =	sbarrier.arrive $0xFFFF  }
0x227: {  	_ =	strace $0x9000004A  }
0x228: {  	s0 =	stileid.u32;
	[bflag:$0x2] =	sbarrier.arrive $0xFFFF  }
0x229: {  	p0 =	sne.s32 s0, $0x0;
	s0 =	rddreg [dreg:$0x1]  }
0x22a: {  	s0 =	sadd.s32 @!p0 $0x100000, s0  }
0x22b: {  	[sflag:s0] =	ssyncadd.tile.s32 @!p0 $0x1;
	_ =	shalt  }
.Lfunc_end2:
_tile_overlayer_lowered:
.L_overlay_start_2:
0x22c: {  	(tag) =	ssettag $0x2  }
0x22d: {  	s0 =	rddreg [dreg:$0x0];
	s2 =	stileid.u32  }
0x22e: {  	s1 =	rddreg [dreg:$0x1];
	p0 =	sne.s32 s2, $0x0  }
0x22f: {  	s3 =	rddreg [dreg:$0x2];
	[bflag:$0x3] =	sbarrier.arrive $0xFFFF;
	s2 =	simm.s32 @!p0 $0x1C03  }
0x230: {  	[timem:s3], [sflag:s2] =	dma.local @!p0 [hbm:s0], s1  }
0x231: {  	s0 =	simm.s32 @!p0 $0x3  }
0x232: {  	_ =	swait.ge @!p0 [sflag:s0], s1  }
0x233: {  	s1 =	ssub.s32 @!p0 $0x0, s1;
	[sflag:s0] =	ssyncset.done @!p0 $0x0  }
0x234: {  	[sflag:s0] =	ssyncadd.s32 @!p0 s1  }
0x235: {  	[bflag:$0x3] =	sbarrier.arrive $0xFFFF  }
0x236: {  	_ =	shalt  }

</sc_bundles>
